<compile_context>
chip_gen: v7x
topology: tpu7x:2x2x1
jax: 0.10.2.dev20260603
libtpu: 0.0.44.dev20260713+nightly
codegen_flags: <defaults>
</compile_context>

<pallas_src>
import functools
import math

import jax
import jax.numpy as jnp
from jax import lax
from jax.experimental import pallas as pl
from jax.experimental.pallas import tpu as pltpu
from jax.experimental.pallas import tpu_sc as plsc

D = 128
S = 200
B = 1024
N = B * S
NC = 2
NS = 16
NW = NC * NS
PER_W = N // NW
R = 128
CHUNKS = PER_W // R
NB = 5
LANES = 16
SCALE = math.sqrt(float(D))

_mesh = plsc.VectorSubcoreMesh(core_axis_name="c", subcore_axis_name="s")


@functools.partial(
    pl.kernel,
    mesh=_mesh,
    out_type=jax.ShapeDtypeStruct((N, D), jnp.float32),
    scratch_types=[
        pltpu.VMEM((CHUNKS, R), jnp.int32),
        pltpu.VMEM((S, D), jnp.float32),
    ]
    + [pltpu.VMEM((R, D), jnp.float32) for _ in range(NB)]
    + [pltpu.SemaphoreType.DMA for _ in range(2 * NB + 1)],
)
def _emb_kernel(idx_hbm, table_hbm, pe_hbm, out_hbm, idx_v, pe_v, *rest):
    bufs = rest[:NB]
    gsems = rest[NB:2 * NB]
    wsems = rest[2 * NB:3 * NB]
    pe_sem = rest[3 * NB]

    wid = lax.axis_index("s") * NC + lax.axis_index("c")
    base = wid * PER_W

    pltpu.sync_copy(idx_hbm.at[wid], idx_v)

    def gather(c, b):
        pltpu.async_copy(table_hbm.at[idx_v.at[c]], bufs[b], gsems[b])

    def wait_gather(c, b):
        pltpu.make_async_copy(table_hbm.at[idx_v.at[c]], bufs[b],
                              gsems[b]).wait()

    def write(c, b):
        pltpu.async_copy(bufs[b], out_hbm.at[pl.ds(base + c * R, R)],
                         wsems[b])

    def wait_write(c, b):
        pltpu.make_async_copy(bufs[b], out_hbm.at[pl.ds(base + c * R, R)],
                              wsems[b]).wait()

    pltpu.async_copy(pe_hbm.at[pl.ds(0, S)], pe_v, pe_sem)
    for k in range(NB):
        gather(k, k)
    pltpu.make_async_copy(pe_hbm.at[pl.ds(0, S)], pe_v, pe_sem).wait()

    def step(c, b):
        wait_gather(c, b)

        bn = (b + 3) % NB

        @pl.when((c >= NB - 3) & (c + 3 < CHUNKS))
        def _():
            wait_write(c - (NB - 3), bn)
            gather(c + 3, bn)

        pos0 = lax.rem(c * R, S)

        @plsc.parallel_loop(0, R, 1, unroll=4)
        def row_body(r):
            pos = pos0 + r
            pos = lax.select(pos >= S, pos - S, pos)
            for j in range(D // LANES):
                sl = pl.ds(j * LANES, LANES)
                bufs[b][r, sl] = bufs[b][r, sl] * SCALE + pe_v[pos, sl]

        write(c, b)

    def outer(i, carry):
        for k in range(NB):
            step(i * NB + k, k)
        return carry

    lax.fori_loop(0, CHUNKS // NB, outer, 0)

    for k in range(NB):
        c = CHUNKS - NB + k
        wait_write(c, c % NB)


def kernel(x, table, pe):
    idx = jnp.reshape(x, (NW, CHUNKS, R))
    out = _emb_kernel(idx, table, pe)
    return jnp.reshape(out, (B, S, D))

# --- scband reference (transcript-rebuilt; emitter-appended) ---
"""Pipeline reference for scband-transformer-embedding-63230508532469 (READ-ONLY COPY).

The authoritative reference and input builder live on the scoring server;
editing this copy changes nothing except your own understanding.
"""

import math
import jax
import jax.numpy as jnp
import numpy as np

VOCAB = 100000
EMB_DIM = 128
MAX_LEN = 500
BATCH = 1024
SEQ = 200


def _make_pos_encoding(max_len, emb_dim):
    pe = np.zeros((max_len, emb_dim), dtype=np.float32)
    position = np.arange(0, max_len, dtype=np.float32)[:, None]
    div_term = np.exp(np.arange(0, emb_dim, 2, dtype=np.float32) * (-math.log(10000.0) / emb_dim))
    pe[:, 0::2] = np.sin(position * div_term)
    pe[:, 1::2] = np.cos(position * div_term)
    return jnp.asarray(pe)


def setup_inputs(seed: int = 0) -> dict:
    key = jax.random.key(seed)
    k_idx, k_tab = jax.random.split(key)
    x = jax.random.randint(k_idx, (BATCH, SEQ), 0, VOCAB, dtype=jnp.int32)
    table = jax.random.normal(k_tab, (VOCAB, EMB_DIM), dtype=jnp.float32)
    pe = _make_pos_encoding(MAX_LEN, EMB_DIM)
    return {"x": x, "table": table, "pe": pe}


def reference(x, table, pe):
    # TokenEmbedding: embedding lookup scaled by sqrt(emb_dim)
    scale = jnp.sqrt(jnp.asarray(EMB_DIM, dtype=jnp.float32))
    tok_emb = jnp.take(table, x, axis=0) * scale  # [B, S, D]
    # PosEncoding: first seq_len rows of precomputed table (detached buffer)
    pos_enc = pe[: x.shape[1], :]  # [S, D]
    # Dropout in eval mode is identity
    out = tok_emb + pos_enc[None, :, :]
    return out

if __name__ == "__main__":
    import jax
    _d = setup_inputs()
    print(jax.jit(kernel)(*tuple(_d.values())))

</pallas_src>

<mosaic_0001>
#map = affine_map<(d0, d1) -> (0, 0, 0)>
#map1 = affine_map<(d0, d1) -> (0, 0)>
module attributes {stable_mosaic.version = 14 : i64} {
  func.func @_emb_kernel(%arg0: i32, %arg1: i32, %arg2: memref<32x50x128xi32, #tpu.memory_space<hbm>>, %arg3: memref<100000x128xf32, #tpu.memory_space<hbm>>, %arg4: memref<500x128xf32, #tpu.memory_space<hbm>>, %arg5: memref<204800x128xf32, #tpu.memory_space<hbm>>, %arg6: memref<50x128xi32, #tpu.memory_space<vmem>>, %arg7: memref<200x128xf32, #tpu.memory_space<vmem>>, %arg8: memref<128x128xf32, #tpu.memory_space<vmem>>, %arg9: memref<128x128xf32, #tpu.memory_space<vmem>>, %arg10: memref<128x128xf32, #tpu.memory_space<vmem>>, %arg11: memref<128x128xf32, #tpu.memory_space<vmem>>, %arg12: memref<128x128xf32, #tpu.memory_space<vmem>>, %arg13: memref<!tpu.dma_semaphore, #tpu.memory_space<semaphore_mem>>, %arg14: memref<!tpu.dma_semaphore, #tpu.memory_space<semaphore_mem>>, %arg15: memref<!tpu.dma_semaphore, #tpu.memory_space<semaphore_mem>>, %arg16: memref<!tpu.dma_semaphore, #tpu.memory_space<semaphore_mem>>, %arg17: memref<!tpu.dma_semaphore, #tpu.memory_space<semaphore_mem>>, %arg18: memref<!tpu.dma_semaphore, #tpu.memory_space<semaphore_mem>>, %arg19: memref<!tpu.dma_semaphore, #tpu.memory_space<semaphore_mem>>, %arg20: memref<!tpu.dma_semaphore, #tpu.memory_space<semaphore_mem>>, %arg21: memref<!tpu.dma_semaphore, #tpu.memory_space<semaphore_mem>>, %arg22: memref<!tpu.dma_semaphore, #tpu.memory_space<semaphore_mem>>, %arg23: memref<!tpu.dma_semaphore, #tpu.memory_space<semaphore_mem>>) attributes {dimension_semantics = [#tpu.dimension_semantics<core_parallel>, #tpu.dimension_semantics<subcore_parallel>], iteration_bounds = array<i64: 2, 16>, scalar_prefetch = 0 : i64, scratch_operands = 18 : i64, tpu.core_type = #tpu.core_type<sc_vector_subcore>, window_params = [{transform_indices = #map}, {transform_indices = #map1}, {transform_indices = #map1}, {transform_indices = #map1}]} {
    %mul3A = arith.constant 2 : i32
    %mul3A_0 = arith.muli %arg1, %mul3A : i32
    %add3A = arith.addi %mul3A_0, %arg0 : i32
    %mul3A_1 = arith.constant 6400 : i32
    %mul3A_2 = arith.muli %add3A, %mul3A_1 : i32
    "tpu.region"() ({
      %run_scoped3A = tpu.sem_alloc : memref<!tpu.dma_semaphore, #tpu.memory_space<semaphore_mem>>
      %dma_start3A_83 = arith.constant 0 : i32
      %dma_start3A_84 = arith.constant 0 : i32
      %dma_start3A_85 = tpu.memref_slice %arg2[%add3A, %dma_start3A_83, %dma_start3A_84] : memref<32x50x128xi32, #tpu.memory_space<hbm>> -> memref<1x50x128xi32, #tpu.memory_space<hbm>>
      %dma_start3A_86 = tpu.memref_squeeze %dma_start3A_85 : memref<1x50x128xi32, #tpu.memory_space<hbm>> -> memref<50x128xi32, #tpu.memory_space<hbm>>
      %dma_start3A_87 = arith.constant 0 : i32
      %dma_start3A_88 = arith.constant 0 : i32
      %dma_start3A_89 = tpu.memref_slice %arg2[%add3A, %dma_start3A_87, %dma_start3A_88] : memref<32x50x128xi32, #tpu.memory_space<hbm>> -> memref<1x50x128xi32, #tpu.memory_space<hbm>>
      %dma_start3A_90 = tpu.memref_squeeze %dma_start3A_89 : memref<1x50x128xi32, #tpu.memory_space<hbm>> -> memref<50x128xi32, #tpu.memory_space<hbm>>
      tpu.enqueue_dma source(%dma_start3A_90 : memref<50x128xi32, #tpu.memory_space<hbm>>) target(%arg6 : memref<50x128xi32, #tpu.memory_space<vmem>>) target_semaphore(%run_scoped3A : memref<!tpu.dma_semaphore, #tpu.memory_space<semaphore_mem>>)
      %dma_wait3A_91 = arith.constant 0 : i32
      %dma_wait3A_92 = arith.constant 0 : i32
      %dma_wait3A_93 = tpu.memref_slice %arg2[%add3A, %dma_wait3A_91, %dma_wait3A_92] : memref<32x50x128xi32, #tpu.memory_space<hbm>> -> memref<1x50x128xi32, #tpu.memory_space<hbm>>
      %dma_wait3A_94 = tpu.memref_squeeze %dma_wait3A_93 : memref<1x50x128xi32, #tpu.memory_space<hbm>> -> memref<50x128xi32, #tpu.memory_space<hbm>>
      %dma_wait3A_95 = arith.constant 0 : i32
      %dma_wait3A_96 = arith.constant 0 : i32
      %dma_wait3A_97 = tpu.memref_slice %arg2[%add3A, %dma_wait3A_95, %dma_wait3A_96] : memref<32x50x128xi32, #tpu.memory_space<hbm>> -> memref<1x50x128xi32, #tpu.memory_space<hbm>>
      %dma_wait3A_98 = tpu.memref_squeeze %dma_wait3A_97 : memref<1x50x128xi32, #tpu.memory_space<hbm>> -> memref<50x128xi32, #tpu.memory_space<hbm>>
      tpu.wait_dma2 semaphore(%run_scoped3A : memref<!tpu.dma_semaphore, #tpu.memory_space<semaphore_mem>>) src(%dma_wait3A_98 : memref<50x128xi32, #tpu.memory_space<hbm>>) dst(%arg6 : memref<50x128xi32, #tpu.memory_space<vmem>>)
      tpu.yield
    }) : () -> ()
    %dma_start3A = arith.constant 0 : i32
    %dma_start3A_3 = arith.constant 0 : i32
    %dma_start3A_4 = tpu.memref_slice %arg4[%dma_start3A, %dma_start3A_3] : memref<500x128xf32, #tpu.memory_space<hbm>> -> memref<200x128xf32, #tpu.memory_space<hbm>>
    %dma_start3A_5 = arith.constant 0 : i32
    %dma_start3A_6 = arith.constant 0 : i32
    %dma_start3A_7 = tpu.memref_slice %arg4[%dma_start3A_5, %dma_start3A_6] : memref<500x128xf32, #tpu.memory_space<hbm>> -> memref<200x128xf32, #tpu.memory_space<hbm>>
    tpu.enqueue_dma source(%dma_start3A_7 : memref<200x128xf32, #tpu.memory_space<hbm>>) target(%arg7 : memref<200x128xf32, #tpu.memory_space<vmem>>) target_semaphore(%arg23 : memref<!tpu.dma_semaphore, #tpu.memory_space<semaphore_mem>>)
    %dma_start3A_8 = arith.constant 0 : i32
    %dma_start3A_9 = arith.constant 0 : i32
    %dma_start3A_10 = tpu.memref_slice %arg6[%dma_start3A_8, %dma_start3A_9] : memref<50x128xi32, #tpu.memory_space<vmem>> -> memref<1x128xi32, #tpu.memory_space<vmem>>
    %dma_start3A_11 = tpu.memref_squeeze %dma_start3A_10 : memref<1x128xi32, #tpu.memory_space<vmem>> -> memref<128xi32, #tpu.memory_space<vmem>>
    %dma_start3A_12 = arith.constant 0 : i32
    %dma_start3A_13 = arith.constant 0 : i32
    %dma_start3A_14 = tpu.memref_slice %arg3[%dma_start3A_12, %dma_start3A_13] : memref<100000x128xf32, #tpu.memory_space<hbm>> -> memref<100000x128xf32, #tpu.memory_space<hbm>>
    tpu.enqueue_indirect_dma source(%dma_start3A_14 : memref<100000x128xf32, #tpu.memory_space<hbm>>) target(%arg8 : memref<128x128xf32, #tpu.memory_space<vmem>>) offsets(%dma_start3A_11 : memref<128xi32, #tpu.memory_space<vmem>>) semaphore(%arg13 : memref<!tpu.dma_semaphore, #tpu.memory_space<semaphore_mem>>)
    %dma_start3A_15 = arith.constant 1 : i32
    %dma_start3A_16 = arith.constant 0 : i32
    %dma_start3A_17 = tpu.memref_slice %arg6[%dma_start3A_15, %dma_start3A_16] : memref<50x128xi32, #tpu.memory_space<vmem>> -> memref<1x128xi32, #tpu.memory_space<vmem>>
    %dma_start3A_18 = tpu.memref_squeeze %dma_start3A_17 : memref<1x128xi32, #tpu.memory_space<vmem>> -> memref<128xi32, #tpu.memory_space<vmem>>
    %dma_start3A_19 = arith.constant 0 : i32
    %dma_start3A_20 = arith.constant 0 : i32
    %dma_start3A_21 = tpu.memref_slice %arg3[%dma_start3A_19, %dma_start3A_20] : memref<100000x128xf32, #tpu.memory_space<hbm>> -> memref<100000x128xf32, #tpu.memory_space<hbm>>
    tpu.enqueue_indirect_dma source(%dma_start3A_21 : memref<100000x128xf32, #tpu.memory_space<hbm>>) target(%arg9 : memref<128x128xf32, #tpu.memory_space<vmem>>) offsets(%dma_start3A_18 : memref<128xi32, #tpu.memory_space<vmem>>) semaphore(%arg14 : memref<!tpu.dma_semaphore, #tpu.memory_space<semaphore_mem>>)
    %dma_start3A_22 = arith.constant 2 : i32
    %dma_start3A_23 = arith.constant 0 : i32
    %dma_start3A_24 = tpu.memref_slice %arg6[%dma_start3A_22, %dma_start3A_23] : memref<50x128xi32, #tpu.memory_space<vmem>> -> memref<1x128xi32, #tpu.memory_space<vmem>>
    %dma_start3A_25 = tpu.memref_squeeze %dma_start3A_24 : memref<1x128xi32, #tpu.memory_space<vmem>> -> memref<128xi32, #tpu.memory_space<vmem>>
    %dma_start3A_26 = arith.constant 0 : i32
    %dma_start3A_27 = arith.constant 0 : i32
    %dma_start3A_28 = tpu.memref_slice %arg3[%dma_start3A_26, %dma_start3A_27] : memref<100000x128xf32, #tpu.memory_space<hbm>> -> memref<100000x128xf32, #tpu.memory_space<hbm>>
    tpu.enqueue_indirect_dma source(%dma_start3A_28 : memref<100000x128xf32, #tpu.memory_space<hbm>>) target(%arg10 : memref<128x128xf32, #tpu.memory_space<vmem>>) offsets(%dma_start3A_25 : memref<128xi32, #tpu.memory_space<vmem>>) semaphore(%arg15 : memref<!tpu.dma_semaphore, #tpu.memory_space<semaphore_mem>>)
    %dma_start3A_29 = arith.constant 3 : i32
    %dma_start3A_30 = arith.constant 0 : i32
    %dma_start3A_31 = tpu.memref_slice %arg6[%dma_start3A_29, %dma_start3A_30] : memref<50x128xi32, #tpu.memory_space<vmem>> -> memref<1x128xi32, #tpu.memory_space<vmem>>
    %dma_start3A_32 = tpu.memref_squeeze %dma_start3A_31 : memref<1x128xi32, #tpu.memory_space<vmem>> -> memref<128xi32, #tpu.memory_space<vmem>>
    %dma_start3A_33 = arith.constant 0 : i32
    %dma_start3A_34 = arith.constant 0 : i32
    %dma_start3A_35 = tpu.memref_slice %arg3[%dma_start3A_33, %dma_start3A_34] : memref<100000x128xf32, #tpu.memory_space<hbm>> -> memref<100000x128xf32, #tpu.memory_space<hbm>>
    tpu.enqueue_indirect_dma source(%dma_start3A_35 : memref<100000x128xf32, #tpu.memory_space<hbm>>) target(%arg11 : memref<128x128xf32, #tpu.memory_space<vmem>>) offsets(%dma_start3A_32 : memref<128xi32, #tpu.memory_space<vmem>>) semaphore(%arg16 : memref<!tpu.dma_semaphore, #tpu.memory_space<semaphore_mem>>)
    %dma_start3A_36 = arith.constant 4 : i32
    %dma_start3A_37 = arith.constant 0 : i32
    %dma_start3A_38 = tpu.memref_slice %arg6[%dma_start3A_36, %dma_start3A_37] : memref<50x128xi32, #tpu.memory_space<vmem>> -> memref<1x128xi32, #tpu.memory_space<vmem>>
    %dma_start3A_39 = tpu.memref_squeeze %dma_start3A_38 : memref<1x128xi32, #tpu.memory_space<vmem>> -> memref<128xi32, #tpu.memory_space<vmem>>
    %dma_start3A_40 = arith.constant 0 : i32
    %dma_start3A_41 = arith.constant 0 : i32
    %dma_start3A_42 = tpu.memref_slice %arg3[%dma_start3A_40, %dma_start3A_41] : memref<100000x128xf32, #tpu.memory_space<hbm>> -> memref<100000x128xf32, #tpu.memory_space<hbm>>
    tpu.enqueue_indirect_dma source(%dma_start3A_42 : memref<100000x128xf32, #tpu.memory_space<hbm>>) target(%arg12 : memref<128x128xf32, #tpu.memory_space<vmem>>) offsets(%dma_start3A_39 : memref<128xi32, #tpu.memory_space<vmem>>) semaphore(%arg17 : memref<!tpu.dma_semaphore, #tpu.memory_space<semaphore_mem>>)
    %dma_wait3A = arith.constant 0 : i32
    %dma_wait3A_43 = arith.constant 0 : i32
    %dma_wait3A_44 = tpu.memref_slice %arg4[%dma_wait3A, %dma_wait3A_43] : memref<500x128xf32, #tpu.memory_space<hbm>> -> memref<200x128xf32, #tpu.memory_space<hbm>>
    %dma_wait3A_45 = arith.constant 0 : i32
    %dma_wait3A_46 = arith.constant 0 : i32
    %dma_wait3A_47 = tpu.memref_slice %arg4[%dma_wait3A_45, %dma_wait3A_46] : memref<500x128xf32, #tpu.memory_space<hbm>> -> memref<200x128xf32, #tpu.memory_space<hbm>>
    tpu.wait_dma2 semaphore(%arg23 : memref<!tpu.dma_semaphore, #tpu.memory_space<semaphore_mem>>) src(%dma_wait3A_47 : memref<200x128xf32, #tpu.memory_space<hbm>>) dst(%arg7 : memref<200x128xf32, #tpu.memory_space<vmem>>)
    %scan3A = arith.constant 0 : i32
    %scan3A_48 = arith.constant 0 : i32
    %scan3A_49 = arith.constant 10 : i32
    %scan3A_50 = arith.addi %scan3A_48, %scan3A_49 : i32
    %scan3A_51 = arith.constant 1 : i32
    scf.for %scan3A_83 = %scan3A_48 to %scan3A_50 step %scan3A_51  : i32 {
      %mul3A_84 = arith.constant 5 : i32
      %mul3A_85 = arith.muli %scan3A_83, %mul3A_84 : i32
      %add3A_86 = arith.constant 0 : i32
      %add3A_87 = arith.addi %mul3A_85, %add3A_86 : i32
      %dma_wait3A_88 = arith.constant 0 : i32
      %dma_wait3A_89 = tpu.memref_slice %arg6[%add3A_87, %dma_wait3A_88] : memref<50x128xi32, #tpu.memory_space<vmem>> -> memref<1x128xi32, #tpu.memory_space<vmem>>
      %dma_wait3A_90 = tpu.memref_squeeze %dma_wait3A_89 : memref<1x128xi32, #tpu.memory_space<vmem>> -> memref<128xi32, #tpu.memory_space<vmem>>
      %dma_wait3A_91 = arith.constant 0 : i32
      %dma_wait3A_92 = arith.constant 0 : i32
      %dma_wait3A_93 = tpu.memref_slice %arg3[%dma_wait3A_91, %dma_wait3A_92] : memref<100000x128xf32, #tpu.memory_space<hbm>> -> memref<100000x128xf32, #tpu.memory_space<hbm>>
      tpu.wait_indirect_dma semaphore(%arg13 : memref<!tpu.dma_semaphore, #tpu.memory_space<semaphore_mem>>) src(%dma_wait3A_93 : memref<100000x128xf32, #tpu.memory_space<hbm>>) dst(%arg8 : memref<128x128xf32, #tpu.memory_space<vmem>>)
      %ge3A = arith.constant 2 : i32
      %ge3A_94 = arith.cmpi sge, %add3A_87, %ge3A : i32
      %add3A_95 = arith.constant 3 : i32
      %add3A_96 = arith.addi %add3A_87, %add3A_95 : i32
      %lt3A = arith.constant 50 : i32
      %lt3A_97 = arith.cmpi slt, %add3A_96, %lt3A : i32
      %and3A = arith.andi %ge3A_94, %lt3A_97 : i1
      %convert_element_type3A = arith.extui %and3A : i1 to i32
      %cond3A = arith.constant 0 : i32
      %cond3A_98 = arith.cmpi ne, %convert_element_type3A, %cond3A : i32
      scf.if %cond3A_98 {
        %sub3A = arith.constant 2 : i32
        %sub3A_247 = arith.subi %add3A_87, %sub3A : i32
        %mul3A_248 = arith.constant 128 : i32
        %mul3A_249 = arith.muli %sub3A_247, %mul3A_248 : i32
        %add3A_250 = arith.addi %mul3A_2, %mul3A_249 : i32
        %dma_wait3A_251 = arith.constant 0 : i32
        %dma_wait3A_252 = tpu.memref_slice %arg5[%add3A_250, %dma_wait3A_251] : memref<204800x128xf32, #tpu.memory_space<hbm>> -> memref<128x128xf32, #tpu.memory_space<hbm>>
        %dma_wait3A_253 = arith.constant 0 : i32
        %dma_wait3A_254 = tpu.memref_slice %arg5[%add3A_250, %dma_wait3A_253] : memref<204800x128xf32, #tpu.memory_space<hbm>> -> memref<128x128xf32, #tpu.memory_space<hbm>>
        tpu.wait_dma2 semaphore(%arg21 : memref<!tpu.dma_semaphore, #tpu.memory_space<semaphore_mem>>) src(%arg11 : memref<128x128xf32, #tpu.memory_space<vmem>>) dst(%dma_wait3A_254 : memref<128x128xf32, #tpu.memory_space<hbm>>)
        %add3A_255 = arith.constant 3 : i32
        %add3A_256 = arith.addi %add3A_87, %add3A_255 : i32
        %dma_start3A_257 = arith.constant 0 : i32
        %dma_start3A_258 = tpu.memref_slice %arg6[%add3A_256, %dma_start3A_257] : memref<50x128xi32, #tpu.memory_space<vmem>> -> memref<1x128xi32, #tpu.memory_space<vmem>>
        %dma_start3A_259 = tpu.memref_squeeze %dma_start3A_258 : memref<1x128xi32, #tpu.memory_space<vmem>> -> memref<128xi32, #tpu.memory_space<vmem>>
        %dma_start3A_260 = arith.constant 0 : i32
        %dma_start3A_261 = arith.constant 0 : i32
        %dma_start3A_262 = tpu.memref_slice %arg3[%dma_start3A_260, %dma_start3A_261] : memref<100000x128xf32, #tpu.memory_space<hbm>> -> memref<100000x128xf32, #tpu.memory_space<hbm>>
        tpu.enqueue_indirect_dma source(%dma_start3A_262 : memref<100000x128xf32, #tpu.memory_space<hbm>>) target(%arg11 : memref<128x128xf32, #tpu.memory_space<vmem>>) offsets(%dma_start3A_259 : memref<128xi32, #tpu.memory_space<vmem>>) semaphore(%arg16 : memref<!tpu.dma_semaphore, #tpu.memory_space<semaphore_mem>>)
      } else {
      }
      %mul3A_99 = arith.constant 128 : i32
      %mul3A_100 = arith.muli %add3A_87, %mul3A_99 : i32
      %rem3A = arith.constant 200 : i32
      %rem3A_101 = arith.remsi %mul3A_100, %rem3A : i32
      %parallel_loop3A = arith.constant 0 : i32
      %parallel_loop3A_102 = arith.constant 128 : i32
      %parallel_loop3A_103 = arith.constant 1 : i32
      scf.for %parallel_loop3A_247 = %parallel_loop3A to %parallel_loop3A_102 step %parallel_loop3A_103  : i32 {
        %parallel_loop3A_248 = arith.addi %rem3A_101, %parallel_loop3A_247 : i32
        %parallel_loop3A_249 = arith.constant 200 : i32
        %parallel_loop3A_250 = arith.cmpi sge, %parallel_loop3A_248, %parallel_loop3A_249 : i32
        %parallel_loop3A_251 = arith.constant 200 : i32
        %parallel_loop3A_252 = arith.subi %parallel_loop3A_248, %parallel_loop3A_251 : i32
        %parallel_loop3A_253 = arith.select %parallel_loop3A_250, %parallel_loop3A_252, %parallel_loop3A_248 : i32
        %parallel_loop3A_254 = arith.index_cast %parallel_loop3A_247 : i32 to index
        %parallel_loop3A_255 = arith.constant 0 : index
        %parallel_loop3A_256 = tpu.vector_load %arg8[%parallel_loop3A_254, %parallel_loop3A_255] {strides = array<i32>} : memref<128x128xf32, #tpu.memory_space<vmem>>, vector<1x16xf32>,
        %parallel_loop3A_257 = vector.shape_cast %parallel_loop3A_256 : vector<1x16xf32> to vector<16xf32>
        %parallel_loop3A_258 = arith.constant 11.3137083 : f32
        %parallel_loop3A_259 = vector.broadcast %parallel_loop3A_258 : f32 to vector<16xf32>
        %parallel_loop3A_260 = arith.mulf %parallel_loop3A_257, %parallel_loop3A_259 : vector<16xf32>
        %parallel_loop3A_261 = arith.index_cast %parallel_loop3A_253 : i32 to index
        %parallel_loop3A_262 = arith.constant 0 : index
        %parallel_loop3A_263 = tpu.vector_load %arg7[%parallel_loop3A_261, %parallel_loop3A_262] {strides = array<i32>} : memref<200x128xf32, #tpu.memory_space<vmem>>, vector<1x16xf32>,
        %parallel_loop3A_264 = vector.shape_cast %parallel_loop3A_263 : vector<1x16xf32> to vector<16xf32>
        %parallel_loop3A_265 = arith.addf %parallel_loop3A_260, %parallel_loop3A_264 : vector<16xf32>
        %parallel_loop3A_266 = arith.index_cast %parallel_loop3A_247 : i32 to index
        %parallel_loop3A_267 = arith.constant 0 : index
        %parallel_loop3A_268 = tpu.vector_load %arg8[%parallel_loop3A_266, %parallel_loop3A_267] {strides = array<i32>} : memref<128x128xf32, #tpu.memory_space<vmem>>, vector<1x16xf32>,
        %parallel_loop3A_269 = vector.shape_cast %parallel_loop3A_268 : vector<1x16xf32> to vector<16xf32>
        %parallel_loop3A_270 = vector.shape_cast %parallel_loop3A_265 : vector<16xf32> to vector<1x16xf32>
        tpu.vector_store %arg8[%parallel_loop3A_266, %parallel_loop3A_267], %parallel_loop3A_270 {strides = array<i32>} : memref<128x128xf32, #tpu.memory_space<vmem>>, vector<1x16xf32>,
        %parallel_loop3A_271 = arith.index_cast %parallel_loop3A_247 : i32 to index
        %parallel_loop3A_272 = arith.constant 16 : index
        %parallel_loop3A_273 = tpu.vector_load %arg8[%parallel_loop3A_271, %parallel_loop3A_272] {strides = array<i32>} : memref<128x128xf32, #tpu.memory_space<vmem>>, vector<1x16xf32>,
        %parallel_loop3A_274 = vector.shape_cast %parallel_loop3A_273 : vector<1x16xf32> to vector<16xf32>
        %parallel_loop3A_275 = arith.constant 11.3137083 : f32
        %parallel_loop3A_276 = vector.broadcast %parallel_loop3A_275 : f32 to vector<16xf32>
        %parallel_loop3A_277 = arith.mulf %parallel_loop3A_274, %parallel_loop3A_276 : vector<16xf32>
        %parallel_loop3A_278 = arith.index_cast %parallel_loop3A_253 : i32 to index
        %parallel_loop3A_279 = arith.constant 16 : index
        %parallel_loop3A_280 = tpu.vector_load %arg7[%parallel_loop3A_278, %parallel_loop3A_279] {strides = array<i32>} : memref<200x128xf32, #tpu.memory_space<vmem>>, vector<1x16xf32>,
        %parallel_loop3A_281 = vector.shape_cast %parallel_loop3A_280 : vector<1x16xf32> to vector<16xf32>
        %parallel_loop3A_282 = arith.addf %parallel_loop3A_277, %parallel_loop3A_281 : vector<16xf32>
        %parallel_loop3A_283 = arith.index_cast %parallel_loop3A_247 : i32 to index
        %parallel_loop3A_284 = arith.constant 16 : index
        %parallel_loop3A_285 = tpu.vector_load %arg8[%parallel_loop3A_283, %parallel_loop3A_284] {strides = array<i32>} : memref<128x128xf32, #tpu.memory_space<vmem>>, vector<1x16xf32>,
        %parallel_loop3A_286 = vector.shape_cast %parallel_loop3A_285 : vector<1x16xf32> to vector<16xf32>
        %parallel_loop3A_287 = vector.shape_cast %parallel_loop3A_282 : vector<16xf32> to vector<1x16xf32>
        tpu.vector_store %arg8[%parallel_loop3A_283, %parallel_loop3A_284], %parallel_loop3A_287 {strides = array<i32>} : memref<128x128xf32, #tpu.memory_space<vmem>>, vector<1x16xf32>,
        %parallel_loop3A_288 = arith.index_cast %parallel_loop3A_247 : i32 to index
        %parallel_loop3A_289 = arith.constant 32 : index
        %parallel_loop3A_290 = tpu.vector_load %arg8[%parallel_loop3A_288, %parallel_loop3A_289] {strides = array<i32>} : memref<128x128xf32, #tpu.memory_space<vmem>>, vector<1x16xf32>,
        %parallel_loop3A_291 = vector.shape_cast %parallel_loop3A_290 : vector<1x16xf32> to vector<16xf32>
        %parallel_loop3A_292 = arith.constant 11.3137083 : f32
        %parallel_loop3A_293 = vector.broadcast %parallel_loop3A_292 : f32 to vector<16xf32>
        %parallel_loop3A_294 = arith.mulf %parallel_loop3A_291, %parallel_loop3A_293 : vector<16xf32>
        %parallel_loop3A_295 = arith.index_cast %parallel_loop3A_253 : i32 to index
        %parallel_loop3A_296 = arith.constant 32 : index
        %parallel_loop3A_297 = tpu.vector_load %arg7[%parallel_loop3A_295, %parallel_loop3A_296] {strides = array<i32>} : memref<200x128xf32, #tpu.memory_space<vmem>>, vector<1x16xf32>,
        %parallel_loop3A_298 = vector.shape_cast %parallel_loop3A_297 : vector<1x16xf32> to vector<16xf32>
        %parallel_loop3A_299 = arith.addf %parallel_loop3A_294, %parallel_loop3A_298 : vector<16xf32>
        %parallel_loop3A_300 = arith.index_cast %parallel_loop3A_247 : i32 to index
        %parallel_loop3A_301 = arith.constant 32 : index
        %parallel_loop3A_302 = tpu.vector_load %arg8[%parallel_loop3A_300, %parallel_loop3A_301] {strides = array<i32>} : memref<128x128xf32, #tpu.memory_space<vmem>>, vector<1x16xf32>,
        %parallel_loop3A_303 = vector.shape_cast %parallel_loop3A_302 : vector<1x16xf32> to vector<16xf32>
        %parallel_loop3A_304 = vector.shape_cast %parallel_loop3A_299 : vector<16xf32> to vector<1x16xf32>
        tpu.vector_store %arg8[%parallel_loop3A_300, %parallel_loop3A_301], %parallel_loop3A_304 {strides = array<i32>} : memref<128x128xf32, #tpu.memory_space<vmem>>, vector<1x16xf32>,
        %parallel_loop3A_305 = arith.index_cast %parallel_loop3A_247 : i32 to index
        %parallel_loop3A_306 = arith.constant 48 : index
        %parallel_loop3A_307 = tpu.vector_load %arg8[%parallel_loop3A_305, %parallel_loop3A_306] {strides = array<i32>} : memref<128x128xf32, #tpu.memory_space<vmem>>, vector<1x16xf32>,
        %parallel_loop3A_308 = vector.shape_cast %parallel_loop3A_307 : vector<1x16xf32> to vector<16xf32>
        %parallel_loop3A_309 = arith.constant 11.3137083 : f32
        %parallel_loop3A_310 = vector.broadcast %parallel_loop3A_309 : f32 to vector<16xf32>
        %parallel_loop3A_311 = arith.mulf %parallel_loop3A_308, %parallel_loop3A_310 : vector<16xf32>
        %parallel_loop3A_312 = arith.index_cast %parallel_loop3A_253 : i32 to index
        %parallel_loop3A_313 = arith.constant 48 : index
        %parallel_loop3A_314 = tpu.vector_load %arg7[%parallel_loop3A_312, %parallel_loop3A_313] {strides = array<i32>} : memref<200x128xf32, #tpu.memory_space<vmem>>, vector<1x16xf32>,
        %parallel_loop3A_315 = vector.shape_cast %parallel_loop3A_314 : vector<1x16xf32> to vector<16xf32>
        %parallel_loop3A_316 = arith.addf %parallel_loop3A_311, %parallel_loop3A_315 : vector<16xf32>
        %parallel_loop3A_317 = arith.index_cast %parallel_loop3A_247 : i32 to index
        %parallel_loop3A_318 = arith.constant 48 : index
        %parallel_loop3A_319 = tpu.vector_load %arg8[%parallel_loop3A_317, %parallel_loop3A_318] {strides = array<i32>} : memref<128x128xf32, #tpu.memory_space<vmem>>, vector<1x16xf32>,
        %parallel_loop3A_320 = vector.shape_cast %parallel_loop3A_319 : vector<1x16xf32> to vector<16xf32>
        %parallel_loop3A_321 = vector.shape_cast %parallel_loop3A_316 : vector<16xf32> to vector<1x16xf32>
        tpu.vector_store %arg8[%parallel_loop3A_317, %parallel_loop3A_318], %parallel_loop3A_321 {strides = array<i32>} : memref<128x128xf32, #tpu.memory_space<vmem>>, vector<1x16xf32>,
        %parallel_loop3A_322 = arith.index_cast %parallel_loop3A_247 : i32 to index
        %parallel_loop3A_323 = arith.constant 64 : index
        %parallel_loop3A_324 = tpu.vector_load %arg8[%parallel_loop3A_322, %parallel_loop3A_323] {strides = array<i32>} : memref<128x128xf32, #tpu.memory_space<vmem>>, vector<1x16xf32>,
        %parallel_loop3A_325 = vector.shape_cast %parallel_loop3A_324 : vector<1x16xf32> to vector<16xf32>
        %parallel_loop3A_326 = arith.constant 11.3137083 : f32
        %parallel_loop3A_327 = vector.broadcast %parallel_loop3A_326 : f32 to vector<16xf32>
        %parallel_loop3A_328 = arith.mulf %parallel_loop3A_325, %parallel_loop3A_327 : vector<16xf32>
        %parallel_loop3A_329 = arith.index_cast %parallel_loop3A_253 : i32 to index
        %parallel_loop3A_330 = arith.constant 64 : index
        %parallel_loop3A_331 = tpu.vector_load %arg7[%parallel_loop3A_329, %parallel_loop3A_330] {strides = array<i32>} : memref<200x128xf32, #tpu.memory_space<vmem>>, vector<1x16xf32>,
        %parallel_loop3A_332 = vector.shape_cast %parallel_loop3A_331 : vector<1x16xf32> to vector<16xf32>
        %parallel_loop3A_333 = arith.addf %parallel_loop3A_328, %parallel_loop3A_332 : vector<16xf32>
        %parallel_loop3A_334 = arith.index_cast %parallel_loop3A_247 : i32 to index
        %parallel_loop3A_335 = arith.constant 64 : index
        %parallel_loop3A_336 = tpu.vector_load %arg8[%parallel_loop3A_334, %parallel_loop3A_335] {strides = array<i32>} : memref<128x128xf32, #tpu.memory_space<vmem>>, vector<1x16xf32>,
        %parallel_loop3A_337 = vector.shape_cast %parallel_loop3A_336 : vector<1x16xf32> to vector<16xf32>
        %parallel_loop3A_338 = vector.shape_cast %parallel_loop3A_333 : vector<16xf32> to vector<1x16xf32>
        tpu.vector_store %arg8[%parallel_loop3A_334, %parallel_loop3A_335], %parallel_loop3A_338 {strides = array<i32>} : memref<128x128xf32, #tpu.memory_space<vmem>>, vector<1x16xf32>,
        %parallel_loop3A_339 = arith.index_cast %parallel_loop3A_247 : i32 to index
        %parallel_loop3A_340 = arith.constant 80 : index
        %parallel_loop3A_341 = tpu.vector_load %arg8[%parallel_loop3A_339, %parallel_loop3A_340] {strides = array<i32>} : memref<128x128xf32, #tpu.memory_space<vmem>>, vector<1x16xf32>,
        %parallel_loop3A_342 = vector.shape_cast %parallel_loop3A_341 : vector<1x16xf32> to vector<16xf32>
        %parallel_loop3A_343 = arith.constant 11.3137083 : f32
        %parallel_loop3A_344 = vector.broadcast %parallel_loop3A_343 : f32 to vector<16xf32>
        %parallel_loop3A_345 = arith.mulf %parallel_loop3A_342, %parallel_loop3A_344 : vector<16xf32>
        %parallel_loop3A_346 = arith.index_cast %parallel_loop3A_253 : i32 to index
        %parallel_loop3A_347 = arith.constant 80 : index
        %parallel_loop3A_348 = tpu.vector_load %arg7[%parallel_loop3A_346, %parallel_loop3A_347] {strides = array<i32>} : memref<200x128xf32, #tpu.memory_space<vmem>>, vector<1x16xf32>,
        %parallel_loop3A_349 = vector.shape_cast %parallel_loop3A_348 : vector<1x16xf32> to vector<16xf32>
        %parallel_loop3A_350 = arith.addf %parallel_loop3A_345, %parallel_loop3A_349 : vector<16xf32>
        %parallel_loop3A_351 = arith.index_cast %parallel_loop3A_247 : i32 to index
        %parallel_loop3A_352 = arith.constant 80 : index
        %parallel_loop3A_353 = tpu.vector_load %arg8[%parallel_loop3A_351, %parallel_loop3A_352] {strides = array<i32>} : memref<128x128xf32, #tpu.memory_space<vmem>>, vector<1x16xf32>,
        %parallel_loop3A_354 = vector.shape_cast %parallel_loop3A_353 : vector<1x16xf32> to vector<16xf32>
        %parallel_loop3A_355 = vector.shape_cast %parallel_loop3A_350 : vector<16xf32> to vector<1x16xf32>
        tpu.vector_store %arg8[%parallel_loop3A_351, %parallel_loop3A_352], %parallel_loop3A_355 {strides = array<i32>} : memref<128x128xf32, #tpu.memory_space<vmem>>, vector<1x16xf32>,
        %parallel_loop3A_356 = arith.index_cast %parallel_loop3A_247 : i32 to index
        %parallel_loop3A_357 = arith.constant 96 : index
        %parallel_loop3A_358 = tpu.vector_load %arg8[%parallel_loop3A_356, %parallel_loop3A_357] {strides = array<i32>} : memref<128x128xf32, #tpu.memory_space<vmem>>, vector<1x16xf32>,
        %parallel_loop3A_359 = vector.shape_cast %parallel_loop3A_358 : vector<1x16xf32> to vector<16xf32>
        %parallel_loop3A_360 = arith.constant 11.3137083 : f32
        %parallel_loop3A_361 = vector.broadcast %parallel_loop3A_360 : f32 to vector<16xf32>
        %parallel_loop3A_362 = arith.mulf %parallel_loop3A_359, %parallel_loop3A_361 : vector<16xf32>
        %parallel_loop3A_363 = arith.index_cast %parallel_loop3A_253 : i32 to index
        %parallel_loop3A_364 = arith.constant 96 : index
        %parallel_loop3A_365 = tpu.vector_load %arg7[%parallel_loop3A_363, %parallel_loop3A_364] {strides = array<i32>} : memref<200x128xf32, #tpu.memory_space<vmem>>, vector<1x16xf32>,
        %parallel_loop3A_366 = vector.shape_cast %parallel_loop3A_365 : vector<1x16xf32> to vector<16xf32>
        %parallel_loop3A_367 = arith.addf %parallel_loop3A_362, %parallel_loop3A_366 : vector<16xf32>
        %parallel_loop3A_368 = arith.index_cast %parallel_loop3A_247 : i32 to index
        %parallel_loop3A_369 = arith.constant 96 : index
        %parallel_loop3A_370 = tpu.vector_load %arg8[%parallel_loop3A_368, %parallel_loop3A_369] {strides = array<i32>} : memref<128x128xf32, #tpu.memory_space<vmem>>, vector<1x16xf32>,
        %parallel_loop3A_371 = vector.shape_cast %parallel_loop3A_370 : vector<1x16xf32> to vector<16xf32>
        %parallel_loop3A_372 = vector.shape_cast %parallel_loop3A_367 : vector<16xf32> to vector<1x16xf32>
        tpu.vector_store %arg8[%parallel_loop3A_368, %parallel_loop3A_369], %parallel_loop3A_372 {strides = array<i32>} : memref<128x128xf32, #tpu.memory_space<vmem>>, vector<1x16xf32>,
        %parallel_loop3A_373 = arith.index_cast %parallel_loop3A_247 : i32 to index
        %parallel_loop3A_374 = arith.constant 112 : index
        %parallel_loop3A_375 = tpu.vector_load %arg8[%parallel_loop3A_373, %parallel_loop3A_374] {strides = array<i32>} : memref<128x128xf32, #tpu.memory_space<vmem>>, vector<1x16xf32>,
        %parallel_loop3A_376 = vector.shape_cast %parallel_loop3A_375 : vector<1x16xf32> to vector<16xf32>
        %parallel_loop3A_377 = arith.constant 11.3137083 : f32
        %parallel_loop3A_378 = vector.broadcast %parallel_loop3A_377 : f32 to vector<16xf32>
        %parallel_loop3A_379 = arith.mulf %parallel_loop3A_376, %parallel_loop3A_378 : vector<16xf32>
        %parallel_loop3A_380 = arith.index_cast %parallel_loop3A_253 : i32 to index
        %parallel_loop3A_381 = arith.constant 112 : index
        %parallel_loop3A_382 = tpu.vector_load %arg7[%parallel_loop3A_380, %parallel_loop3A_381] {strides = array<i32>} : memref<200x128xf32, #tpu.memory_space<vmem>>, vector<1x16xf32>,
        %parallel_loop3A_383 = vector.shape_cast %parallel_loop3A_382 : vector<1x16xf32> to vector<16xf32>
        %parallel_loop3A_384 = arith.addf %parallel_loop3A_379, %parallel_loop3A_383 : vector<16xf32>
        %parallel_loop3A_385 = arith.index_cast %parallel_loop3A_247 : i32 to index
        %parallel_loop3A_386 = arith.constant 112 : index
        %parallel_loop3A_387 = tpu.vector_load %arg8[%parallel_loop3A_385, %parallel_loop3A_386] {strides = array<i32>} : memref<128x128xf32, #tpu.memory_space<vmem>>, vector<1x16xf32>,
        %parallel_loop3A_388 = vector.shape_cast %parallel_loop3A_387 : vector<1x16xf32> to vector<16xf32>
        %parallel_loop3A_389 = vector.shape_cast %parallel_loop3A_384 : vector<16xf32> to vector<1x16xf32>
        tpu.vector_store %arg8[%parallel_loop3A_385, %parallel_loop3A_386], %parallel_loop3A_389 {strides = array<i32>} : memref<128x128xf32, #tpu.memory_space<vmem>>, vector<1x16xf32>,
      } {sc.loop_unroll_factor = 4 : i64, sc.parallel_access}
      %mul3A_104 = arith.constant 128 : i32
      %mul3A_105 = arith.muli %add3A_87, %mul3A_104 : i32
      %add3A_106 = arith.addi %mul3A_2, %mul3A_105 : i32
      %dma_start3A_107 = arith.constant 0 : i32
      %dma_start3A_108 = tpu.memref_slice %arg5[%add3A_106, %dma_start3A_107] : memref<204800x128xf32, #tpu.memory_space<hbm>> -> memref<128x128xf32, #tpu.memory_space<hbm>>
      %dma_start3A_109 = arith.constant 0 : i32
      %dma_start3A_110 = tpu.memref_slice %arg5[%add3A_106, %dma_start3A_109] : memref<204800x128xf32, #tpu.memory_space<hbm>> -> memref<128x128xf32, #tpu.memory_space<hbm>>
      tpu.enqueue_dma source(%arg8 : memref<128x128xf32, #tpu.memory_space<vmem>>) target(%dma_start3A_110 : memref<128x128xf32, #tpu.memory_space<hbm>>) target_semaphore(%arg18 : memref<!tpu.dma_semaphore, #tpu.memory_space<semaphore_mem>>)
      %mul3A_111 = arith.constant 5 : i32
      %mul3A_112 = arith.muli %scan3A_83, %mul3A_111 : i32
      %add3A_113 = arith.constant 1 : i32
      %add3A_114 = arith.addi %mul3A_112, %add3A_113 : i32
      %dma_wait3A_115 = arith.constant 0 : i32
      %dma_wait3A_116 = tpu.memref_slice %arg6[%add3A_114, %dma_wait3A_115] : memref<50x128xi32, #tpu.memory_space<vmem>> -> memref<1x128xi32, #tpu.memory_space<vmem>>
      %dma_wait3A_117 = tpu.memref_squeeze %dma_wait3A_116 : memref<1x128xi32, #tpu.memory_space<vmem>> -> memref<128xi32, #tpu.memory_space<vmem>>
      %dma_wait3A_118 = arith.constant 0 : i32
      %dma_wait3A_119 = arith.constant 0 : i32
      %dma_wait3A_120 = tpu.memref_slice %arg3[%dma_wait3A_118, %dma_wait3A_119] : memref<100000x128xf32, #tpu.memory_space<hbm>> -> memref<100000x128xf32, #tpu.memory_space<hbm>>
      tpu.wait_indirect_dma semaphore(%arg14 : memref<!tpu.dma_semaphore, #tpu.memory_space<semaphore_mem>>) src(%dma_wait3A_120 : memref<100000x128xf32, #tpu.memory_space<hbm>>) dst(%arg9 : memref<128x128xf32, #tpu.memory_space<vmem>>)
      %ge3A_121 = arith.constant 2 : i32
      %ge3A_122 = arith.cmpi sge, %add3A_114, %ge3A_121 : i32
      %add3A_123 = arith.constant 3 : i32
      %add3A_124 = arith.addi %add3A_114, %add3A_123 : i32
      %lt3A_125 = arith.constant 50 : i32
      %lt3A_126 = arith.cmpi slt, %add3A_124, %lt3A_125 : i32
      %and3A_127 = arith.andi %ge3A_122, %lt3A_126 : i1
      %convert_element_type3A_128 = arith.extui %and3A_127 : i1 to i32
      %cond3A_129 = arith.constant 0 : i32
      %cond3A_130 = arith.cmpi ne, %convert_element_type3A_128, %cond3A_129 : i32
      scf.if %cond3A_130 {
        %sub3A = arith.constant 2 : i32
        %sub3A_247 = arith.subi %add3A_114, %sub3A : i32
        %mul3A_248 = arith.constant 128 : i32
        %mul3A_249 = arith.muli %sub3A_247, %mul3A_248 : i32
        %add3A_250 = arith.addi %mul3A_2, %mul3A_249 : i32
        %dma_wait3A_251 = arith.constant 0 : i32
        %dma_wait3A_252 = tpu.memref_slice %arg5[%add3A_250, %dma_wait3A_251] : memref<204800x128xf32, #tpu.memory_space<hbm>> -> memref<128x128xf32, #tpu.memory_space<hbm>>
        %dma_wait3A_253 = arith.constant 0 : i32
        %dma_wait3A_254 = tpu.memref_slice %arg5[%add3A_250, %dma_wait3A_253] : memref<204800x128xf32, #tpu.memory_space<hbm>> -> memref<128x128xf32, #tpu.memory_space<hbm>>
        tpu.wait_dma2 semaphore(%arg22 : memref<!tpu.dma_semaphore, #tpu.memory_space<semaphore_mem>>) src(%arg12 : memref<128x128xf32, #tpu.memory_space<vmem>>) dst(%dma_wait3A_254 : memref<128x128xf32, #tpu.memory_space<hbm>>)
        %add3A_255 = arith.constant 3 : i32
        %add3A_256 = arith.addi %add3A_114, %add3A_255 : i32
        %dma_start3A_257 = arith.constant 0 : i32
        %dma_start3A_258 = tpu.memref_slice %arg6[%add3A_256, %dma_start3A_257] : memref<50x128xi32, #tpu.memory_space<vmem>> -> memref<1x128xi32, #tpu.memory_space<vmem>>
        %dma_start3A_259 = tpu.memref_squeeze %dma_start3A_258 : memref<1x128xi32, #tpu.memory_space<vmem>> -> memref<128xi32, #tpu.memory_space<vmem>>
        %dma_start3A_260 = arith.constant 0 : i32
        %dma_start3A_261 = arith.constant 0 : i32
        %dma_start3A_262 = tpu.memref_slice %arg3[%dma_start3A_260, %dma_start3A_261] : memref<100000x128xf32, #tpu.memory_space<hbm>> -> memref<100000x128xf32, #tpu.memory_space<hbm>>
        tpu.enqueue_indirect_dma source(%dma_start3A_262 : memref<100000x128xf32, #tpu.memory_space<hbm>>) target(%arg12 : memref<128x128xf32, #tpu.memory_space<vmem>>) offsets(%dma_start3A_259 : memref<128xi32, #tpu.memory_space<vmem>>) semaphore(%arg17 : memref<!tpu.dma_semaphore, #tpu.memory_space<semaphore_mem>>)
      } else {
      }
      %mul3A_131 = arith.constant 128 : i32
      %mul3A_132 = arith.muli %add3A_114, %mul3A_131 : i32
      %rem3A_133 = arith.constant 200 : i32
      %rem3A_134 = arith.remsi %mul3A_132, %rem3A_133 : i32
      %parallel_loop3A_135 = arith.constant 0 : i32
      %parallel_loop3A_136 = arith.constant 128 : i32
      %parallel_loop3A_137 = arith.constant 1 : i32
      scf.for %parallel_loop3A_247 = %parallel_loop3A_135 to %parallel_loop3A_136 step %parallel_loop3A_137  : i32 {
        %parallel_loop3A_248 = arith.addi %rem3A_134, %parallel_loop3A_247 : i32
        %parallel_loop3A_249 = arith.constant 200 : i32
        %parallel_loop3A_250 = arith.cmpi sge, %parallel_loop3A_248, %parallel_loop3A_249 : i32
        %parallel_loop3A_251 = arith.constant 200 : i32
        %parallel_loop3A_252 = arith.subi %parallel_loop3A_248, %parallel_loop3A_251 : i32
        %parallel_loop3A_253 = arith.select %parallel_loop3A_250, %parallel_loop3A_252, %parallel_loop3A_248 : i32
        %parallel_loop3A_254 = arith.index_cast %parallel_loop3A_247 : i32 to index
        %parallel_loop3A_255 = arith.constant 0 : index
        %parallel_loop3A_256 = tpu.vector_load %arg9[%parallel_loop3A_254, %parallel_loop3A_255] {strides = array<i32>} : memref<128x128xf32, #tpu.memory_space<vmem>>, vector<1x16xf32>,
        %parallel_loop3A_257 = vector.shape_cast %parallel_loop3A_256 : vector<1x16xf32> to vector<16xf32>
        %parallel_loop3A_258 = arith.constant 11.3137083 : f32
        %parallel_loop3A_259 = vector.broadcast %parallel_loop3A_258 : f32 to vector<16xf32>
        %parallel_loop3A_260 = arith.mulf %parallel_loop3A_257, %parallel_loop3A_259 : vector<16xf32>
        %parallel_loop3A_261 = arith.index_cast %parallel_loop3A_253 : i32 to index
        %parallel_loop3A_262 = arith.constant 0 : index
        %parallel_loop3A_263 = tpu.vector_load %arg7[%parallel_loop3A_261, %parallel_loop3A_262] {strides = array<i32>} : memref<200x128xf32, #tpu.memory_space<vmem>>, vector<1x16xf32>,
        %parallel_loop3A_264 = vector.shape_cast %parallel_loop3A_263 : vector<1x16xf32> to vector<16xf32>
        %parallel_loop3A_265 = arith.addf %parallel_loop3A_260, %parallel_loop3A_264 : vector<16xf32>
        %parallel_loop3A_266 = arith.index_cast %parallel_loop3A_247 : i32 to index
        %parallel_loop3A_267 = arith.constant 0 : index
        %parallel_loop3A_268 = tpu.vector_load %arg9[%parallel_loop3A_266, %parallel_loop3A_267] {strides = array<i32>} : memref<128x128xf32, #tpu.memory_space<vmem>>, vector<1x16xf32>,
        %parallel_loop3A_269 = vector.shape_cast %parallel_loop3A_268 : vector<1x16xf32> to vector<16xf32>
        %parallel_loop3A_270 = vector.shape_cast %parallel_loop3A_265 : vector<16xf32> to vector<1x16xf32>
        tpu.vector_store %arg9[%parallel_loop3A_266, %parallel_loop3A_267], %parallel_loop3A_270 {strides = array<i32>} : memref<128x128xf32, #tpu.memory_space<vmem>>, vector<1x16xf32>,
        %parallel_loop3A_271 = arith.index_cast %parallel_loop3A_247 : i32 to index
        %parallel_loop3A_272 = arith.constant 16 : index
        %parallel_loop3A_273 = tpu.vector_load %arg9[%parallel_loop3A_271, %parallel_loop3A_272] {strides = array<i32>} : memref<128x128xf32, #tpu.memory_space<vmem>>, vector<1x16xf32>,
        %parallel_loop3A_274 = vector.shape_cast %parallel_loop3A_273 : vector<1x16xf32> to vector<16xf32>
        %parallel_loop3A_275 = arith.constant 11.3137083 : f32
        %parallel_loop3A_276 = vector.broadcast %parallel_loop3A_275 : f32 to vector<16xf32>
        %parallel_loop3A_277 = arith.mulf %parallel_loop3A_274, %parallel_loop3A_276 : vector<16xf32>
        %parallel_loop3A_278 = arith.index_cast %parallel_loop3A_253 : i32 to index
        %parallel_loop3A_279 = arith.constant 16 : index
        %parallel_loop3A_280 = tpu.vector_load %arg7[%parallel_loop3A_278, %parallel_loop3A_279] {strides = array<i32>} : memref<200x128xf32, #tpu.memory_space<vmem>>, vector<1x16xf32>,
        %parallel_loop3A_281 = vector.shape_cast %parallel_loop3A_280 : vector<1x16xf32> to vector<16xf32>
        %parallel_loop3A_282 = arith.addf %parallel_loop3A_277, %parallel_loop3A_281 : vector<16xf32>
        %parallel_loop3A_283 = arith.index_cast %parallel_loop3A_247 : i32 to index
        %parallel_loop3A_284 = arith.constant 16 : index
        %parallel_loop3A_285 = tpu.vector_load %arg9[%parallel_loop3A_283, %parallel_loop3A_284] {strides = array<i32>} : memref<128x128xf32, #tpu.memory_space<vmem>>, vector<1x16xf32>,
        %parallel_loop3A_286 = vector.shape_cast %parallel_loop3A_285 : vector<1x16xf32> to vector<16xf32>
        %parallel_loop3A_287 = vector.shape_cast %parallel_loop3A_282 : vector<16xf32> to vector<1x16xf32>
        tpu.vector_store %arg9[%parallel_loop3A_283, %parallel_loop3A_284], %parallel_loop3A_287 {strides = array<i32>} : memref<128x128xf32, #tpu.memory_space<vmem>>, vector<1x16xf32>,
        %parallel_loop3A_288 = arith.index_cast %parallel_loop3A_247 : i32 to index
        %parallel_loop3A_289 = arith.constant 32 : index
        %parallel_loop3A_290 = tpu.vector_load %arg9[%parallel_loop3A_288, %parallel_loop3A_289] {strides = array<i32>} : memref<128x128xf32, #tpu.memory_space<vmem>>, vector<1x16xf32>,
        %parallel_loop3A_291 = vector.shape_cast %parallel_loop3A_290 : vector<1x16xf32> to vector<16xf32>
        %parallel_loop3A_292 = arith.constant 11.3137083 : f32
        %parallel_loop3A_293 = vector.broadcast %parallel_loop3A_292 : f32 to vector<16xf32>
        %parallel_loop3A_294 = arith.mulf %parallel_loop3A_291, %parallel_loop3A_293 : vector<16xf32>
        %parallel_loop3A_295 = arith.index_cast %parallel_loop3A_253 : i32 to index
        %parallel_loop3A_296 = arith.constant 32 : index
        %parallel_loop3A_297 = tpu.vector_load %arg7[%parallel_loop3A_295, %parallel_loop3A_296] {strides = array<i32>} : memref<200x128xf32, #tpu.memory_space<vmem>>, vector<1x16xf32>,
        %parallel_loop3A_298 = vector.shape_cast %parallel_loop3A_297 : vector<1x16xf32> to vector<16xf32>
        %parallel_loop3A_299 = arith.addf %parallel_loop3A_294, %parallel_loop3A_298 : vector<16xf32>
        %parallel_loop3A_300 = arith.index_cast %parallel_loop3A_247 : i32 to index
        %parallel_loop3A_301 = arith.constant 32 : index
        %parallel_loop3A_302 = tpu.vector_load %arg9[%parallel_loop3A_300, %parallel_loop3A_301] {strides = array<i32>} : memref<128x128xf32, #tpu.memory_space<vmem>>, vector<1x16xf32>,
        %parallel_loop3A_303 = vector.shape_cast %parallel_loop3A_302 : vector<1x16xf32> to vector<16xf32>
        %parallel_loop3A_304 = vector.shape_cast %parallel_loop3A_299 : vector<16xf32> to vector<1x16xf32>
        tpu.vector_store %arg9[%parallel_loop3A_300, %parallel_loop3A_301], %parallel_loop3A_304 {strides = array<i32>} : memref<128x128xf32, #tpu.memory_space<vmem>>, vector<1x16xf32>,
        %parallel_loop3A_305 = arith.index_cast %parallel_loop3A_247 : i32 to index
        %parallel_loop3A_306 = arith.constant 48 : index
        %parallel_loop3A_307 = tpu.vector_load %arg9[%parallel_loop3A_305, %parallel_loop3A_306] {strides = array<i32>} : memref<128x128xf32, #tpu.memory_space<vmem>>, vector<1x16xf32>,
        %parallel_loop3A_308 = vector.shape_cast %parallel_loop3A_307 : vector<1x16xf32> to vector<16xf32>
        %parallel_loop3A_309 = arith.constant 11.3137083 : f32
        %parallel_loop3A_310 = vector.broadcast %parallel_loop3A_309 : f32 to vector<16xf32>
        %parallel_loop3A_311 = arith.mulf %parallel_loop3A_308, %parallel_loop3A_310 : vector<16xf32>
        %parallel_loop3A_312 = arith.index_cast %parallel_loop3A_253 : i32 to index
        %parallel_loop3A_313 = arith.constant 48 : index
        %parallel_loop3A_314 = tpu.vector_load %arg7[%parallel_loop3A_312, %parallel_loop3A_313] {strides = array<i32>} : memref<200x128xf32, #tpu.memory_space<vmem>>, vector<1x16xf32>,
        %parallel_loop3A_315 = vector.shape_cast %parallel_loop3A_314 : vector<1x16xf32> to vector<16xf32>
        %parallel_loop3A_316 = arith.addf %parallel_loop3A_311, %parallel_loop3A_315 : vector<16xf32>
        %parallel_loop3A_317 = arith.index_cast %parallel_loop3A_247 : i32 to index
        %parallel_loop3A_318 = arith.constant 48 : index
        %parallel_loop3A_319 = tpu.vector_load %arg9[%parallel_loop3A_317, %parallel_loop3A_318] {strides = array<i32>} : memref<128x128xf32, #tpu.memory_space<vmem>>, vector<1x16xf32>,
        %parallel_loop3A_320 = vector.shape_cast %parallel_loop3A_319 : vector<1x16xf32> to vector<16xf32>
        %parallel_loop3A_321 = vector.shape_cast %parallel_loop3A_316 : vector<16xf32> to vector<1x16xf32>
        tpu.vector_store %arg9[%parallel_loop3A_317, %parallel_loop3A_318], %parallel_loop3A_321 {strides = array<i32>} : memref<128x128xf32, #tpu.memory_space<vmem>>, vector<1x16xf32>,
        %parallel_loop3A_322 = arith.index_cast %parallel_loop3A_247 : i32 to index
        %parallel_loop3A_323 = arith.constant 64 : index
        %parallel_loop3A_324 = tpu.vector_load %arg9[%parallel_loop3A_322, %parallel_loop3A_323] {strides = array<i32>} : memref<128x128xf32, #tpu.memory_space<vmem>>, vector<1x16xf32>,
        %parallel_loop3A_325 = vector.shape_cast %parallel_loop3A_324 : vector<1x16xf32> to vector<16xf32>
        %parallel_loop3A_326 = arith.constant 11.3137083 : f32
        %parallel_loop3A_327 = vector.broadcast %parallel_loop3A_326 : f32 to vector<16xf32>
        %parallel_loop3A_328 = arith.mulf %parallel_loop3A_325, %parallel_loop3A_327 : vector<16xf32>
        %parallel_loop3A_329 = arith.index_cast %parallel_loop3A_253 : i32 to index
        %parallel_loop3A_330 = arith.constant 64 : index
        %parallel_loop3A_331 = tpu.vector_load %arg7[%parallel_loop3A_329, %parallel_loop3A_330] {strides = array<i32>} : memref<200x128xf32, #tpu.memory_space<vmem>>, vector<1x16xf32>,
        %parallel_loop3A_332 = vector.shape_cast %parallel_loop3A_331 : vector<1x16xf32> to vector<16xf32>
        %parallel_loop3A_333 = arith.addf %parallel_loop3A_328, %parallel_loop3A_332 : vector<16xf32>
        %parallel_loop3A_334 = arith.index_cast %parallel_loop3A_247 : i32 to index
        %parallel_loop3A_335 = arith.constant 64 : index
        %parallel_loop3A_336 = tpu.vector_load %arg9[%parallel_loop3A_334, %parallel_loop3A_335] {strides = array<i32>} : memref<128x128xf32, #tpu.memory_space<vmem>>, vector<1x16xf32>,
        %parallel_loop3A_337 = vector.shape_cast %parallel_loop3A_336 : vector<1x16xf32> to vector<16xf32>
        %parallel_loop3A_338 = vector.shape_cast %parallel_loop3A_333 : vector<16xf32> to vector<1x16xf32>
        tpu.vector_store %arg9[%parallel_loop3A_334, %parallel_loop3A_335], %parallel_loop3A_338 {strides = array<i32>} : memref<128x128xf32, #tpu.memory_space<vmem>>, vector<1x16xf32>,
        %parallel_loop3A_339 = arith.index_cast %parallel_loop3A_247 : i32 to index
        %parallel_loop3A_340 = arith.constant 80 : index
        %parallel_loop3A_341 = tpu.vector_load %arg9[%parallel_loop3A_339, %parallel_loop3A_340] {strides = array<i32>} : memref<128x128xf32, #tpu.memory_space<vmem>>, vector<1x16xf32>,
        %parallel_loop3A_342 = vector.shape_cast %parallel_loop3A_341 : vector<1x16xf32> to vector<16xf32>
        %parallel_loop3A_343 = arith.constant 11.3137083 : f32
        %parallel_loop3A_344 = vector.broadcast %parallel_loop3A_343 : f32 to vector<16xf32>
        %parallel_loop3A_345 = arith.mulf %parallel_loop3A_342, %parallel_loop3A_344 : vector<16xf32>
        %parallel_loop3A_346 = arith.index_cast %parallel_loop3A_253 : i32 to index
        %parallel_loop3A_347 = arith.constant 80 : index
        %parallel_loop3A_348 = tpu.vector_load %arg7[%parallel_loop3A_346, %parallel_loop3A_347] {strides = array<i32>} : memref<200x128xf32, #tpu.memory_space<vmem>>, vector<1x16xf32>,
        %parallel_loop3A_349 = vector.shape_cast %parallel_loop3A_348 : vector<1x16xf32> to vector<16xf32>
        %parallel_loop3A_350 = arith.addf %parallel_loop3A_345, %parallel_loop3A_349 : vector<16xf32>
        %parallel_loop3A_351 = arith.index_cast %parallel_loop3A_247 : i32 to index
        %parallel_loop3A_352 = arith.constant 80 : index
        %parallel_loop3A_353 = tpu.vector_load %arg9[%parallel_loop3A_351, %parallel_loop3A_352] {strides = array<i32>} : memref<128x128xf32, #tpu.memory_space<vmem>>, vector<1x16xf32>,
        %parallel_loop3A_354 = vector.shape_cast %parallel_loop3A_353 : vector<1x16xf32> to vector<16xf32>
        %parallel_loop3A_355 = vector.shape_cast %parallel_loop3A_350 : vector<16xf32> to vector<1x16xf32>
        tpu.vector_store %arg9[%parallel_loop3A_351, %parallel_loop3A_352], %parallel_loop3A_355 {strides = array<i32>} : memref<128x128xf32, #tpu.memory_space<vmem>>, vector<1x16xf32>,
        %parallel_loop3A_356 = arith.index_cast %parallel_loop3A_247 : i32 to index
        %parallel_loop3A_357 = arith.constant 96 : index
        %parallel_loop3A_358 = tpu.vector_load %arg9[%parallel_loop3A_356, %parallel_loop3A_357] {strides = array<i32>} : memref<128x128xf32, #tpu.memory_space<vmem>>, vector<1x16xf32>,
        %parallel_loop3A_359 = vector.shape_cast %parallel_loop3A_358 : vector<1x16xf32> to vector<16xf32>
        %parallel_loop3A_360 = arith.constant 11.3137083 : f32
        %parallel_loop3A_361 = vector.broadcast %parallel_loop3A_360 : f32 to vector<16xf32>
        %parallel_loop3A_362 = arith.mulf %parallel_loop3A_359, %parallel_loop3A_361 : vector<16xf32>
        %parallel_loop3A_363 = arith.index_cast %parallel_loop3A_253 : i32 to index
        %parallel_loop3A_364 = arith.constant 96 : index
        %parallel_loop3A_365 = tpu.vector_load %arg7[%parallel_loop3A_363, %parallel_loop3A_364] {strides = array<i32>} : memref<200x128xf32, #tpu.memory_space<vmem>>, vector<1x16xf32>,
        %parallel_loop3A_366 = vector.shape_cast %parallel_loop3A_365 : vector<1x16xf32> to vector<16xf32>
        %parallel_loop3A_367 = arith.addf %parallel_loop3A_362, %parallel_loop3A_366 : vector<16xf32>
        %parallel_loop3A_368 = arith.index_cast %parallel_loop3A_247 : i32 to index
        %parallel_loop3A_369 = arith.constant 96 : index
        %parallel_loop3A_370 = tpu.vector_load %arg9[%parallel_loop3A_368, %parallel_loop3A_369] {strides = array<i32>} : memref<128x128xf32, #tpu.memory_space<vmem>>, vector<1x16xf32>,
        %parallel_loop3A_371 = vector.shape_cast %parallel_loop3A_370 : vector<1x16xf32> to vector<16xf32>
        %parallel_loop3A_372 = vector.shape_cast %parallel_loop3A_367 : vector<16xf32> to vector<1x16xf32>
        tpu.vector_store %arg9[%parallel_loop3A_368, %parallel_loop3A_369], %parallel_loop3A_372 {strides = array<i32>} : memref<128x128xf32, #tpu.memory_space<vmem>>, vector<1x16xf32>,
        %parallel_loop3A_373 = arith.index_cast %parallel_loop3A_247 : i32 to index
        %parallel_loop3A_374 = arith.constant 112 : index
        %parallel_loop3A_375 = tpu.vector_load %arg9[%parallel_loop3A_373, %parallel_loop3A_374] {strides = array<i32>} : memref<128x128xf32, #tpu.memory_space<vmem>>, vector<1x16xf32>,
        %parallel_loop3A_376 = vector.shape_cast %parallel_loop3A_375 : vector<1x16xf32> to vector<16xf32>
        %parallel_loop3A_377 = arith.constant 11.3137083 : f32
        %parallel_loop3A_378 = vector.broadcast %parallel_loop3A_377 : f32 to vector<16xf32>
        %parallel_loop3A_379 = arith.mulf %parallel_loop3A_376, %parallel_loop3A_378 : vector<16xf32>
        %parallel_loop3A_380 = arith.index_cast %parallel_loop3A_253 : i32 to index
        %parallel_loop3A_381 = arith.constant 112 : index
        %parallel_loop3A_382 = tpu.vector_load %arg7[%parallel_loop3A_380, %parallel_loop3A_381] {strides = array<i32>} : memref<200x128xf32, #tpu.memory_space<vmem>>, vector<1x16xf32>,
        %parallel_loop3A_383 = vector.shape_cast %parallel_loop3A_382 : vector<1x16xf32> to vector<16xf32>
        %parallel_loop3A_384 = arith.addf %parallel_loop3A_379, %parallel_loop3A_383 : vector<16xf32>
        %parallel_loop3A_385 = arith.index_cast %parallel_loop3A_247 : i32 to index
        %parallel_loop3A_386 = arith.constant 112 : index
        %parallel_loop3A_387 = tpu.vector_load %arg9[%parallel_loop3A_385, %parallel_loop3A_386] {strides = array<i32>} : memref<128x128xf32, #tpu.memory_space<vmem>>, vector<1x16xf32>,
        %parallel_loop3A_388 = vector.shape_cast %parallel_loop3A_387 : vector<1x16xf32> to vector<16xf32>
        %parallel_loop3A_389 = vector.shape_cast %parallel_loop3A_384 : vector<16xf32> to vector<1x16xf32>
        tpu.vector_store %arg9[%parallel_loop3A_385, %parallel_loop3A_386], %parallel_loop3A_389 {strides = array<i32>} : memref<128x128xf32, #tpu.memory_space<vmem>>, vector<1x16xf32>,
      } {sc.loop_unroll_factor = 4 : i64, sc.parallel_access}
      %mul3A_138 = arith.constant 128 : i32
      %mul3A_139 = arith.muli %add3A_114, %mul3A_138 : i32
      %add3A_140 = arith.addi %mul3A_2, %mul3A_139 : i32
      %dma_start3A_141 = arith.constant 0 : i32
      %dma_start3A_142 = tpu.memref_slice %arg5[%add3A_140, %dma_start3A_141] : memref<204800x128xf32, #tpu.memory_space<hbm>> -> memref<128x128xf32, #tpu.memory_space<hbm>>
      %dma_start3A_143 = arith.constant 0 : i32
      %dma_start3A_144 = tpu.memref_slice %arg5[%add3A_140, %dma_start3A_143] : memref<204800x128xf32, #tpu.memory_space<hbm>> -> memref<128x128xf32, #tpu.memory_space<hbm>>
      tpu.enqueue_dma source(%arg9 : memref<128x128xf32, #tpu.memory_space<vmem>>) target(%dma_start3A_144 : memref<128x128xf32, #tpu.memory_space<hbm>>) target_semaphore(%arg19 : memref<!tpu.dma_semaphore, #tpu.memory_space<semaphore_mem>>)
      %mul3A_145 = arith.constant 5 : i32
      %mul3A_146 = arith.muli %scan3A_83, %mul3A_145 : i32
      %add3A_147 = arith.constant 2 : i32
      %add3A_148 = arith.addi %mul3A_146, %add3A_147 : i32
      %dma_wait3A_149 = arith.constant 0 : i32
      %dma_wait3A_150 = tpu.memref_slice %arg6[%add3A_148, %dma_wait3A_149] : memref<50x128xi32, #tpu.memory_space<vmem>> -> memref<1x128xi32, #tpu.memory_space<vmem>>
      %dma_wait3A_151 = tpu.memref_squeeze %dma_wait3A_150 : memref<1x128xi32, #tpu.memory_space<vmem>> -> memref<128xi32, #tpu.memory_space<vmem>>
      %dma_wait3A_152 = arith.constant 0 : i32
      %dma_wait3A_153 = arith.constant 0 : i32
      %dma_wait3A_154 = tpu.memref_slice %arg3[%dma_wait3A_152, %dma_wait3A_153] : memref<100000x128xf32, #tpu.memory_space<hbm>> -> memref<100000x128xf32, #tpu.memory_space<hbm>>
      tpu.wait_indirect_dma semaphore(%arg15 : memref<!tpu.dma_semaphore, #tpu.memory_space<semaphore_mem>>) src(%dma_wait3A_154 : memref<100000x128xf32, #tpu.memory_space<hbm>>) dst(%arg10 : memref<128x128xf32, #tpu.memory_space<vmem>>)
      %ge3A_155 = arith.constant 2 : i32
      %ge3A_156 = arith.cmpi sge, %add3A_148, %ge3A_155 : i32
      %add3A_157 = arith.constant 3 : i32
      %add3A_158 = arith.addi %add3A_148, %add3A_157 : i32
      %lt3A_159 = arith.constant 50 : i32
      %lt3A_160 = arith.cmpi slt, %add3A_158, %lt3A_159 : i32
      %and3A_161 = arith.andi %ge3A_156, %lt3A_160 : i1
      %convert_element_type3A_162 = arith.extui %and3A_161 : i1 to i32
      %cond3A_163 = arith.constant 0 : i32
      %cond3A_164 = arith.cmpi ne, %convert_element_type3A_162, %cond3A_163 : i32
      scf.if %cond3A_164 {
        %sub3A = arith.constant 2 : i32
        %sub3A_247 = arith.subi %add3A_148, %sub3A : i32
        %mul3A_248 = arith.constant 128 : i32
        %mul3A_249 = arith.muli %sub3A_247, %mul3A_248 : i32
        %add3A_250 = arith.addi %mul3A_2, %mul3A_249 : i32
        %dma_wait3A_251 = arith.constant 0 : i32
        %dma_wait3A_252 = tpu.memref_slice %arg5[%add3A_250, %dma_wait3A_251] : memref<204800x128xf32, #tpu.memory_space<hbm>> -> memref<128x128xf32, #tpu.memory_space<hbm>>
        %dma_wait3A_253 = arith.constant 0 : i32
        %dma_wait3A_254 = tpu.memref_slice %arg5[%add3A_250, %dma_wait3A_253] : memref<204800x128xf32, #tpu.memory_space<hbm>> -> memref<128x128xf32, #tpu.memory_space<hbm>>
        tpu.wait_dma2 semaphore(%arg18 : memref<!tpu.dma_semaphore, #tpu.memory_space<semaphore_mem>>) src(%arg8 : memref<128x128xf32, #tpu.memory_space<vmem>>) dst(%dma_wait3A_254 : memref<128x128xf32, #tpu.memory_space<hbm>>)
        %add3A_255 = arith.constant 3 : i32
        %add3A_256 = arith.addi %add3A_148, %add3A_255 : i32
        %dma_start3A_257 = arith.constant 0 : i32
        %dma_start3A_258 = tpu.memref_slice %arg6[%add3A_256, %dma_start3A_257] : memref<50x128xi32, #tpu.memory_space<vmem>> -> memref<1x128xi32, #tpu.memory_space<vmem>>
        %dma_start3A_259 = tpu.memref_squeeze %dma_start3A_258 : memref<1x128xi32, #tpu.memory_space<vmem>> -> memref<128xi32, #tpu.memory_space<vmem>>
        %dma_start3A_260 = arith.constant 0 : i32
        %dma_start3A_261 = arith.constant 0 : i32
        %dma_start3A_262 = tpu.memref_slice %arg3[%dma_start3A_260, %dma_start3A_261] : memref<100000x128xf32, #tpu.memory_space<hbm>> -> memref<100000x128xf32, #tpu.memory_space<hbm>>
        tpu.enqueue_indirect_dma source(%dma_start3A_262 : memref<100000x128xf32, #tpu.memory_space<hbm>>) target(%arg8 : memref<128x128xf32, #tpu.memory_space<vmem>>) offsets(%dma_start3A_259 : memref<128xi32, #tpu.memory_space<vmem>>) semaphore(%arg13 : memref<!tpu.dma_semaphore, #tpu.memory_space<semaphore_mem>>)
      } else {
      }
      %mul3A_165 = arith.constant 128 : i32
      %mul3A_166 = arith.muli %add3A_148, %mul3A_165 : i32
      %rem3A_167 = arith.constant 200 : i32
      %rem3A_168 = arith.remsi %mul3A_166, %rem3A_167 : i32
      %parallel_loop3A_169 = arith.constant 0 : i32
      %parallel_loop3A_170 = arith.constant 128 : i32
      %parallel_loop3A_171 = arith.constant 1 : i32
      scf.for %parallel_loop3A_247 = %parallel_loop3A_169 to %parallel_loop3A_170 step %parallel_loop3A_171  : i32 {
        %parallel_loop3A_248 = arith.addi %rem3A_168, %parallel_loop3A_247 : i32
        %parallel_loop3A_249 = arith.constant 200 : i32
        %parallel_loop3A_250 = arith.cmpi sge, %parallel_loop3A_248, %parallel_loop3A_249 : i32
        %parallel_loop3A_251 = arith.constant 200 : i32
        %parallel_loop3A_252 = arith.subi %parallel_loop3A_248, %parallel_loop3A_251 : i32
        %parallel_loop3A_253 = arith.select %parallel_loop3A_250, %parallel_loop3A_252, %parallel_loop3A_248 : i32
        %parallel_loop3A_254 = arith.index_cast %parallel_loop3A_247 : i32 to index
        %parallel_loop3A_255 = arith.constant 0 : index
        %parallel_loop3A_256 = tpu.vector_load %arg10[%parallel_loop3A_254, %parallel_loop3A_255] {strides = array<i32>} : memref<128x128xf32, #tpu.memory_space<vmem>>, vector<1x16xf32>,
        %parallel_loop3A_257 = vector.shape_cast %parallel_loop3A_256 : vector<1x16xf32> to vector<16xf32>
        %parallel_loop3A_258 = arith.constant 11.3137083 : f32
        %parallel_loop3A_259 = vector.broadcast %parallel_loop3A_258 : f32 to vector<16xf32>
        %parallel_loop3A_260 = arith.mulf %parallel_loop3A_257, %parallel_loop3A_259 : vector<16xf32>
        %parallel_loop3A_261 = arith.index_cast %parallel_loop3A_253 : i32 to index
        %parallel_loop3A_262 = arith.constant 0 : index
        %parallel_loop3A_263 = tpu.vector_load %arg7[%parallel_loop3A_261, %parallel_loop3A_262] {strides = array<i32>} : memref<200x128xf32, #tpu.memory_space<vmem>>, vector<1x16xf32>,
        %parallel_loop3A_264 = vector.shape_cast %parallel_loop3A_263 : vector<1x16xf32> to vector<16xf32>
        %parallel_loop3A_265 = arith.addf %parallel_loop3A_260, %parallel_loop3A_264 : vector<16xf32>
        %parallel_loop3A_266 = arith.index_cast %parallel_loop3A_247 : i32 to index
        %parallel_loop3A_267 = arith.constant 0 : index
        %parallel_loop3A_268 = tpu.vector_load %arg10[%parallel_loop3A_266, %parallel_loop3A_267] {strides = array<i32>} : memref<128x128xf32, #tpu.memory_space<vmem>>, vector<1x16xf32>,
        %parallel_loop3A_269 = vector.shape_cast %parallel_loop3A_268 : vector<1x16xf32> to vector<16xf32>
        %parallel_loop3A_270 = vector.shape_cast %parallel_loop3A_265 : vector<16xf32> to vector<1x16xf32>
        tpu.vector_store %arg10[%parallel_loop3A_266, %parallel_loop3A_267], %parallel_loop3A_270 {strides = array<i32>} : memref<128x128xf32, #tpu.memory_space<vmem>>, vector<1x16xf32>,
        %parallel_loop3A_271 = arith.index_cast %parallel_loop3A_247 : i32 to index
        %parallel_loop3A_272 = arith.constant 16 : index
        %parallel_loop3A_273 = tpu.vector_load %arg10[%parallel_loop3A_271, %parallel_loop3A_272] {strides = array<i32>} : memref<128x128xf32, #tpu.memory_space<vmem>>, vector<1x16xf32>,
        %parallel_loop3A_274 = vector.shape_cast %parallel_loop3A_273 : vector<1x16xf32> to vector<16xf32>
        %parallel_loop3A_275 = arith.constant 11.3137083 : f32
        %parallel_loop3A_276 = vector.broadcast %parallel_loop3A_275 : f32 to vector<16xf32>
        %parallel_loop3A_277 = arith.mulf %parallel_loop3A_274, %parallel_loop3A_276 : vector<16xf32>
        %parallel_loop3A_278 = arith.index_cast %parallel_loop3A_253 : i32 to index
        %parallel_loop3A_279 = arith.constant 16 : index
        %parallel_loop3A_280 = tpu.vector_load %arg7[%parallel_loop3A_278, %parallel_loop3A_279] {strides = array<i32>} : memref<200x128xf32, #tpu.memory_space<vmem>>, vector<1x16xf32>,
        %parallel_loop3A_281 = vector.shape_cast %parallel_loop3A_280 : vector<1x16xf32> to vector<16xf32>
        %parallel_loop3A_282 = arith.addf %parallel_loop3A_277, %parallel_loop3A_281 : vector<16xf32>
        %parallel_loop3A_283 = arith.index_cast %parallel_loop3A_247 : i32 to index
        %parallel_loop3A_284 = arith.constant 16 : index
        %parallel_loop3A_285 = tpu.vector_load %arg10[%parallel_loop3A_283, %parallel_loop3A_284] {strides = array<i32>} : memref<128x128xf32, #tpu.memory_space<vmem>>, vector<1x16xf32>,
        %parallel_loop3A_286 = vector.shape_cast %parallel_loop3A_285 : vector<1x16xf32> to vector<16xf32>
        %parallel_loop3A_287 = vector.shape_cast %parallel_loop3A_282 : vector<16xf32> to vector<1x16xf32>
        tpu.vector_store %arg10[%parallel_loop3A_283, %parallel_loop3A_284], %parallel_loop3A_287 {strides = array<i32>} : memref<128x128xf32, #tpu.memory_space<vmem>>, vector<1x16xf32>,
        %parallel_loop3A_288 = arith.index_cast %parallel_loop3A_247 : i32 to index
        %parallel_loop3A_289 = arith.constant 32 : index
        %parallel_loop3A_290 = tpu.vector_load %arg10[%parallel_loop3A_288, %parallel_loop3A_289] {strides = array<i32>} : memref<128x128xf32, #tpu.memory_space<vmem>>, vector<1x16xf32>,
        %parallel_loop3A_291 = vector.shape_cast %parallel_loop3A_290 : vector<1x16xf32> to vector<16xf32>
        %parallel_loop3A_292 = arith.constant 11.3137083 : f32
        %parallel_loop3A_293 = vector.broadcast %parallel_loop3A_292 : f32 to vector<16xf32>
        %parallel_loop3A_294 = arith.mulf %parallel_loop3A_291, %parallel_loop3A_293 : vector<16xf32>
        %parallel_loop3A_295 = arith.index_cast %parallel_loop3A_253 : i32 to index
        %parallel_loop3A_296 = arith.constant 32 : index
        %parallel_loop3A_297 = tpu.vector_load %arg7[%parallel_loop3A_295, %parallel_loop3A_296] {strides = array<i32>} : memref<200x128xf32, #tpu.memory_space<vmem>>, vector<1x16xf32>,
        %parallel_loop3A_298 = vector.shape_cast %parallel_loop3A_297 : vector<1x16xf32> to vector<16xf32>
        %parallel_loop3A_299 = arith.addf %parallel_loop3A_294, %parallel_loop3A_298 : vector<16xf32>
        %parallel_loop3A_300 = arith.index_cast %parallel_loop3A_247 : i32 to index
        %parallel_loop3A_301 = arith.constant 32 : index
        %parallel_loop3A_302 = tpu.vector_load %arg10[%parallel_loop3A_300, %parallel_loop3A_301] {strides = array<i32>} : memref<128x128xf32, #tpu.memory_space<vmem>>, vector<1x16xf32>,
        %parallel_loop3A_303 = vector.shape_cast %parallel_loop3A_302 : vector<1x16xf32> to vector<16xf32>
        %parallel_loop3A_304 = vector.shape_cast %parallel_loop3A_299 : vector<16xf32> to vector<1x16xf32>
        tpu.vector_store %arg10[%parallel_loop3A_300, %parallel_loop3A_301], %parallel_loop3A_304 {strides = array<i32>} : memref<128x128xf32, #tpu.memory_space<vmem>>, vector<1x16xf32>,
        %parallel_loop3A_305 = arith.index_cast %parallel_loop3A_247 : i32 to index
        %parallel_loop3A_306 = arith.constant 48 : index
        %parallel_loop3A_307 = tpu.vector_load %arg10[%parallel_loop3A_305, %parallel_loop3A_306] {strides = array<i32>} : memref<128x128xf32, #tpu.memory_space<vmem>>, vector<1x16xf32>,
        %parallel_loop3A_308 = vector.shape_cast %parallel_loop3A_307 : vector<1x16xf32> to vector<16xf32>
        %parallel_loop3A_309 = arith.constant 11.3137083 : f32
        %parallel_loop3A_310 = vector.broadcast %parallel_loop3A_309 : f32 to vector<16xf32>
        %parallel_loop3A_311 = arith.mulf %parallel_loop3A_308, %parallel_loop3A_310 : vector<16xf32>
        %parallel_loop3A_312 = arith.index_cast %parallel_loop3A_253 : i32 to index
        %parallel_loop3A_313 = arith.constant 48 : index
        %parallel_loop3A_314 = tpu.vector_load %arg7[%parallel_loop3A_312, %parallel_loop3A_313] {strides = array<i32>} : memref<200x128xf32, #tpu.memory_space<vmem>>, vector<1x16xf32>,
        %parallel_loop3A_315 = vector.shape_cast %parallel_loop3A_314 : vector<1x16xf32> to vector<16xf32>
        %parallel_loop3A_316 = arith.addf %parallel_loop3A_311, %parallel_loop3A_315 : vector<16xf32>
        %parallel_loop3A_317 = arith.index_cast %parallel_loop3A_247 : i32 to index
        %parallel_loop3A_318 = arith.constant 48 : index
        %parallel_loop3A_319 = tpu.vector_load %arg10[%parallel_loop3A_317, %parallel_loop3A_318] {strides = array<i32>} : memref<128x128xf32, #tpu.memory_space<vmem>>, vector<1x16xf32>,
        %parallel_loop3A_320 = vector.shape_cast %parallel_loop3A_319 : vector<1x16xf32> to vector<16xf32>
        %parallel_loop3A_321 = vector.shape_cast %parallel_loop3A_316 : vector<16xf32> to vector<1x16xf32>
        tpu.vector_store %arg10[%parallel_loop3A_317, %parallel_loop3A_318], %parallel_loop3A_321 {strides = array<i32>} : memref<128x128xf32, #tpu.memory_space<vmem>>, vector<1x16xf32>,
        %parallel_loop3A_322 = arith.index_cast %parallel_loop3A_247 : i32 to index
        %parallel_loop3A_323 = arith.constant 64 : index
        %parallel_loop3A_324 = tpu.vector_load %arg10[%parallel_loop3A_322, %parallel_loop3A_323] {strides = array<i32>} : memref<128x128xf32, #tpu.memory_space<vmem>>, vector<1x16xf32>,
        %parallel_loop3A_325 = vector.shape_cast %parallel_loop3A_324 : vector<1x16xf32> to vector<16xf32>
        %parallel_loop3A_326 = arith.constant 11.3137083 : f32
        %parallel_loop3A_327 = vector.broadcast %parallel_loop3A_326 : f32 to vector<16xf32>
        %parallel_loop3A_328 = arith.mulf %parallel_loop3A_325, %parallel_loop3A_327 : vector<16xf32>
        %parallel_loop3A_329 = arith.index_cast %parallel_loop3A_253 : i32 to index
        %parallel_loop3A_330 = arith.constant 64 : index
        %parallel_loop3A_331 = tpu.vector_load %arg7[%parallel_loop3A_329, %parallel_loop3A_330] {strides = array<i32>} : memref<200x128xf32, #tpu.memory_space<vmem>>, vector<1x16xf32>,
        %parallel_loop3A_332 = vector.shape_cast %parallel_loop3A_331 : vector<1x16xf32> to vector<16xf32>
        %parallel_loop3A_333 = arith.addf %parallel_loop3A_328, %parallel_loop3A_332 : vector<16xf32>
        %parallel_loop3A_334 = arith.index_cast %parallel_loop3A_247 : i32 to index
        %parallel_loop3A_335 = arith.constant 64 : index
        %parallel_loop3A_336 = tpu.vector_load %arg10[%parallel_loop3A_334, %parallel_loop3A_335] {strides = array<i32>} : memref<128x128xf32, #tpu.memory_space<vmem>>, vector<1x16xf32>,
        %parallel_loop3A_337 = vector.shape_cast %parallel_loop3A_336 : vector<1x16xf32> to vector<16xf32>
        %parallel_loop3A_338 = vector.shape_cast %parallel_loop3A_333 : vector<16xf32> to vector<1x16xf32>
        tpu.vector_store %arg10[%parallel_loop3A_334, %parallel_loop3A_335], %parallel_loop3A_338 {strides = array<i32>} : memref<128x128xf32, #tpu.memory_space<vmem>>, vector<1x16xf32>,
        %parallel_loop3A_339 = arith.index_cast %parallel_loop3A_247 : i32 to index
        %parallel_loop3A_340 = arith.constant 80 : index
        %parallel_loop3A_341 = tpu.vector_load %arg10[%parallel_loop3A_339, %parallel_loop3A_340] {strides = array<i32>} : memref<128x128xf32, #tpu.memory_space<vmem>>, vector<1x16xf32>,
        %parallel_loop3A_342 = vector.shape_cast %parallel_loop3A_341 : vector<1x16xf32> to vector<16xf32>
        %parallel_loop3A_343 = arith.constant 11.3137083 : f32
        %parallel_loop3A_344 = vector.broadcast %parallel_loop3A_343 : f32 to vector<16xf32>
        %parallel_loop3A_345 = arith.mulf %parallel_loop3A_342, %parallel_loop3A_344 : vector<16xf32>
        %parallel_loop3A_346 = arith.index_cast %parallel_loop3A_253 : i32 to index
        %parallel_loop3A_347 = arith.constant 80 : index
        %parallel_loop3A_348 = tpu.vector_load %arg7[%parallel_loop3A_346, %parallel_loop3A_347] {strides = array<i32>} : memref<200x128xf32, #tpu.memory_space<vmem>>, vector<1x16xf32>,
        %parallel_loop3A_349 = vector.shape_cast %parallel_loop3A_348 : vector<1x16xf32> to vector<16xf32>
        %parallel_loop3A_350 = arith.addf %parallel_loop3A_345, %parallel_loop3A_349 : vector<16xf32>
        %parallel_loop3A_351 = arith.index_cast %parallel_loop3A_247 : i32 to index
        %parallel_loop3A_352 = arith.constant 80 : index
        %parallel_loop3A_353 = tpu.vector_load %arg10[%parallel_loop3A_351, %parallel_loop3A_352] {strides = array<i32>} : memref<128x128xf32, #tpu.memory_space<vmem>>, vector<1x16xf32>,
        %parallel_loop3A_354 = vector.shape_cast %parallel_loop3A_353 : vector<1x16xf32> to vector<16xf32>
        %parallel_loop3A_355 = vector.shape_cast %parallel_loop3A_350 : vector<16xf32> to vector<1x16xf32>
        tpu.vector_store %arg10[%parallel_loop3A_351, %parallel_loop3A_352], %parallel_loop3A_355 {strides = array<i32>} : memref<128x128xf32, #tpu.memory_space<vmem>>, vector<1x16xf32>,
        %parallel_loop3A_356 = arith.index_cast %parallel_loop3A_247 : i32 to index
        %parallel_loop3A_357 = arith.constant 96 : index
        %parallel_loop3A_358 = tpu.vector_load %arg10[%parallel_loop3A_356, %parallel_loop3A_357] {strides = array<i32>} : memref<128x128xf32, #tpu.memory_space<vmem>>, vector<1x16xf32>,
        %parallel_loop3A_359 = vector.shape_cast %parallel_loop3A_358 : vector<1x16xf32> to vector<16xf32>
        %parallel_loop3A_360 = arith.constant 11.3137083 : f32
        %parallel_loop3A_361 = vector.broadcast %parallel_loop3A_360 : f32 to vector<16xf32>
        %parallel_loop3A_362 = arith.mulf %parallel_loop3A_359, %parallel_loop3A_361 : vector<16xf32>
        %parallel_loop3A_363 = arith.index_cast %parallel_loop3A_253 : i32 to index
        %parallel_loop3A_364 = arith.constant 96 : index
        %parallel_loop3A_365 = tpu.vector_load %arg7[%parallel_loop3A_363, %parallel_loop3A_364] {strides = array<i32>} : memref<200x128xf32, #tpu.memory_space<vmem>>, vector<1x16xf32>,
        %parallel_loop3A_366 = vector.shape_cast %parallel_loop3A_365 : vector<1x16xf32> to vector<16xf32>
        %parallel_loop3A_367 = arith.addf %parallel_loop3A_362, %parallel_loop3A_366 : vector<16xf32>
        %parallel_loop3A_368 = arith.index_cast %parallel_loop3A_247 : i32 to index
        %parallel_loop3A_369 = arith.constant 96 : index
        %parallel_loop3A_370 = tpu.vector_load %arg10[%parallel_loop3A_368, %parallel_loop3A_369] {strides = array<i32>} : memref<128x128xf32, #tpu.memory_space<vmem>>, vector<1x16xf32>,
        %parallel_loop3A_371 = vector.shape_cast %parallel_loop3A_370 : vector<1x16xf32> to vector<16xf32>
        %parallel_loop3A_372 = vector.shape_cast %parallel_loop3A_367 : vector<16xf32> to vector<1x16xf32>
        tpu.vector_store %arg10[%parallel_loop3A_368, %parallel_loop3A_369], %parallel_loop3A_372 {strides = array<i32>} : memref<128x128xf32, #tpu.memory_space<vmem>>, vector<1x16xf32>,
        %parallel_loop3A_373 = arith.index_cast %parallel_loop3A_247 : i32 to index
        %parallel_loop3A_374 = arith.constant 112 : index
        %parallel_loop3A_375 = tpu.vector_load %arg10[%parallel_loop3A_373, %parallel_loop3A_374] {strides = array<i32>} : memref<128x128xf32, #tpu.memory_space<vmem>>, vector<1x16xf32>,
        %parallel_loop3A_376 = vector.shape_cast %parallel_loop3A_375 : vector<1x16xf32> to vector<16xf32>
        %parallel_loop3A_377 = arith.constant 11.3137083 : f32
        %parallel_loop3A_378 = vector.broadcast %parallel_loop3A_377 : f32 to vector<16xf32>
        %parallel_loop3A_379 = arith.mulf %parallel_loop3A_376, %parallel_loop3A_378 : vector<16xf32>
        %parallel_loop3A_380 = arith.index_cast %parallel_loop3A_253 : i32 to index
        %parallel_loop3A_381 = arith.constant 112 : index
        %parallel_loop3A_382 = tpu.vector_load %arg7[%parallel_loop3A_380, %parallel_loop3A_381] {strides = array<i32>} : memref<200x128xf32, #tpu.memory_space<vmem>>, vector<1x16xf32>,
        %parallel_loop3A_383 = vector.shape_cast %parallel_loop3A_382 : vector<1x16xf32> to vector<16xf32>
        %parallel_loop3A_384 = arith.addf %parallel_loop3A_379, %parallel_loop3A_383 : vector<16xf32>
        %parallel_loop3A_385 = arith.index_cast %parallel_loop3A_247 : i32 to index
        %parallel_loop3A_386 = arith.constant 112 : index
        %parallel_loop3A_387 = tpu.vector_load %arg10[%parallel_loop3A_385, %parallel_loop3A_386] {strides = array<i32>} : memref<128x128xf32, #tpu.memory_space<vmem>>, vector<1x16xf32>,
        %parallel_loop3A_388 = vector.shape_cast %parallel_loop3A_387 : vector<1x16xf32> to vector<16xf32>
        %parallel_loop3A_389 = vector.shape_cast %parallel_loop3A_384 : vector<16xf32> to vector<1x16xf32>
        tpu.vector_store %arg10[%parallel_loop3A_385, %parallel_loop3A_386], %parallel_loop3A_389 {strides = array<i32>} : memref<128x128xf32, #tpu.memory_space<vmem>>, vector<1x16xf32>,
      } {sc.loop_unroll_factor = 4 : i64, sc.parallel_access}
      %mul3A_172 = arith.constant 128 : i32
      %mul3A_173 = arith.muli %add3A_148, %mul3A_172 : i32
      %add3A_174 = arith.addi %mul3A_2, %mul3A_173 : i32
      %dma_start3A_175 = arith.constant 0 : i32
      %dma_start3A_176 = tpu.memref_slice %arg5[%add3A_174, %dma_start3A_175] : memref<204800x128xf32, #tpu.memory_space<hbm>> -> memref<128x128xf32, #tpu.memory_space<hbm>>
      %dma_start3A_177 = arith.constant 0 : i32
      %dma_start3A_178 = tpu.memref_slice %arg5[%add3A_174, %dma_start3A_177] : memref<204800x128xf32, #tpu.memory_space<hbm>> -> memref<128x128xf32, #tpu.memory_space<hbm>>
      tpu.enqueue_dma source(%arg10 : memref<128x128xf32, #tpu.memory_space<vmem>>) target(%dma_start3A_178 : memref<128x128xf32, #tpu.memory_space<hbm>>) target_semaphore(%arg20 : memref<!tpu.dma_semaphore, #tpu.memory_space<semaphore_mem>>)
      %mul3A_179 = arith.constant 5 : i32
      %mul3A_180 = arith.muli %scan3A_83, %mul3A_179 : i32
      %add3A_181 = arith.constant 3 : i32
      %add3A_182 = arith.addi %mul3A_180, %add3A_181 : i32
      %dma_wait3A_183 = arith.constant 0 : i32
      %dma_wait3A_184 = tpu.memref_slice %arg6[%add3A_182, %dma_wait3A_183] : memref<50x128xi32, #tpu.memory_space<vmem>> -> memref<1x128xi32, #tpu.memory_space<vmem>>
      %dma_wait3A_185 = tpu.memref_squeeze %dma_wait3A_184 : memref<1x128xi32, #tpu.memory_space<vmem>> -> memref<128xi32, #tpu.memory_space<vmem>>
      %dma_wait3A_186 = arith.constant 0 : i32
      %dma_wait3A_187 = arith.constant 0 : i32
      %dma_wait3A_188 = tpu.memref_slice %arg3[%dma_wait3A_186, %dma_wait3A_187] : memref<100000x128xf32, #tpu.memory_space<hbm>> -> memref<100000x128xf32, #tpu.memory_space<hbm>>
      tpu.wait_indirect_dma semaphore(%arg16 : memref<!tpu.dma_semaphore, #tpu.memory_space<semaphore_mem>>) src(%dma_wait3A_188 : memref<100000x128xf32, #tpu.memory_space<hbm>>) dst(%arg11 : memref<128x128xf32, #tpu.memory_space<vmem>>)
      %ge3A_189 = arith.constant 2 : i32
      %ge3A_190 = arith.cmpi sge, %add3A_182, %ge3A_189 : i32
      %add3A_191 = arith.constant 3 : i32
      %add3A_192 = arith.addi %add3A_182, %add3A_191 : i32
      %lt3A_193 = arith.constant 50 : i32
      %lt3A_194 = arith.cmpi slt, %add3A_192, %lt3A_193 : i32
      %and3A_195 = arith.andi %ge3A_190, %lt3A_194 : i1
      %convert_element_type3A_196 = arith.extui %and3A_195 : i1 to i32
      %cond3A_197 = arith.constant 0 : i32
      %cond3A_198 = arith.cmpi ne, %convert_element_type3A_196, %cond3A_197 : i32
      scf.if %cond3A_198 {
        %sub3A = arith.constant 2 : i32
        %sub3A_247 = arith.subi %add3A_182, %sub3A : i32
        %mul3A_248 = arith.constant 128 : i32
        %mul3A_249 = arith.muli %sub3A_247, %mul3A_248 : i32
        %add3A_250 = arith.addi %mul3A_2, %mul3A_249 : i32
        %dma_wait3A_251 = arith.constant 0 : i32
        %dma_wait3A_252 = tpu.memref_slice %arg5[%add3A_250, %dma_wait3A_251] : memref<204800x128xf32, #tpu.memory_space<hbm>> -> memref<128x128xf32, #tpu.memory_space<hbm>>
        %dma_wait3A_253 = arith.constant 0 : i32
        %dma_wait3A_254 = tpu.memref_slice %arg5[%add3A_250, %dma_wait3A_253] : memref<204800x128xf32, #tpu.memory_space<hbm>> -> memref<128x128xf32, #tpu.memory_space<hbm>>
        tpu.wait_dma2 semaphore(%arg19 : memref<!tpu.dma_semaphore, #tpu.memory_space<semaphore_mem>>) src(%arg9 : memref<128x128xf32, #tpu.memory_space<vmem>>) dst(%dma_wait3A_254 : memref<128x128xf32, #tpu.memory_space<hbm>>)
        %add3A_255 = arith.constant 3 : i32
        %add3A_256 = arith.addi %add3A_182, %add3A_255 : i32
        %dma_start3A_257 = arith.constant 0 : i32
        %dma_start3A_258 = tpu.memref_slice %arg6[%add3A_256, %dma_start3A_257] : memref<50x128xi32, #tpu.memory_space<vmem>> -> memref<1x128xi32, #tpu.memory_space<vmem>>
        %dma_start3A_259 = tpu.memref_squeeze %dma_start3A_258 : memref<1x128xi32, #tpu.memory_space<vmem>> -> memref<128xi32, #tpu.memory_space<vmem>>
        %dma_start3A_260 = arith.constant 0 : i32
        %dma_start3A_261 = arith.constant 0 : i32
        %dma_start3A_262 = tpu.memref_slice %arg3[%dma_start3A_260, %dma_start3A_261] : memref<100000x128xf32, #tpu.memory_space<hbm>> -> memref<100000x128xf32, #tpu.memory_space<hbm>>
        tpu.enqueue_indirect_dma source(%dma_start3A_262 : memref<100000x128xf32, #tpu.memory_space<hbm>>) target(%arg9 : memref<128x128xf32, #tpu.memory_space<vmem>>) offsets(%dma_start3A_259 : memref<128xi32, #tpu.memory_space<vmem>>) semaphore(%arg14 : memref<!tpu.dma_semaphore, #tpu.memory_space<semaphore_mem>>)
      } else {
      }
      %mul3A_199 = arith.constant 128 : i32
      %mul3A_200 = arith.muli %add3A_182, %mul3A_199 : i32
      %rem3A_201 = arith.constant 200 : i32
      %rem3A_202 = arith.remsi %mul3A_200, %rem3A_201 : i32
      %parallel_loop3A_203 = arith.constant 0 : i32
      %parallel_loop3A_204 = arith.constant 128 : i32
      %parallel_loop3A_205 = arith.constant 1 : i32
      scf.for %parallel_loop3A_247 = %parallel_loop3A_203 to %parallel_loop3A_204 step %parallel_loop3A_205  : i32 {
        %parallel_loop3A_248 = arith.addi %rem3A_202, %parallel_loop3A_247 : i32
        %parallel_loop3A_249 = arith.constant 200 : i32
        %parallel_loop3A_250 = arith.cmpi sge, %parallel_loop3A_248, %parallel_loop3A_249 : i32
        %parallel_loop3A_251 = arith.constant 200 : i32
        %parallel_loop3A_252 = arith.subi %parallel_loop3A_248, %parallel_loop3A_251 : i32
        %parallel_loop3A_253 = arith.select %parallel_loop3A_250, %parallel_loop3A_252, %parallel_loop3A_248 : i32
        %parallel_loop3A_254 = arith.index_cast %parallel_loop3A_247 : i32 to index
        %parallel_loop3A_255 = arith.constant 0 : index
        %parallel_loop3A_256 = tpu.vector_load %arg11[%parallel_loop3A_254, %parallel_loop3A_255] {strides = array<i32>} : memref<128x128xf32, #tpu.memory_space<vmem>>, vector<1x16xf32>,
        %parallel_loop3A_257 = vector.shape_cast %parallel_loop3A_256 : vector<1x16xf32> to vector<16xf32>
        %parallel_loop3A_258 = arith.constant 11.3137083 : f32
        %parallel_loop3A_259 = vector.broadcast %parallel_loop3A_258 : f32 to vector<16xf32>
        %parallel_loop3A_260 = arith.mulf %parallel_loop3A_257, %parallel_loop3A_259 : vector<16xf32>
        %parallel_loop3A_261 = arith.index_cast %parallel_loop3A_253 : i32 to index
        %parallel_loop3A_262 = arith.constant 0 : index
        %parallel_loop3A_263 = tpu.vector_load %arg7[%parallel_loop3A_261, %parallel_loop3A_262] {strides = array<i32>} : memref<200x128xf32, #tpu.memory_space<vmem>>, vector<1x16xf32>,
        %parallel_loop3A_264 = vector.shape_cast %parallel_loop3A_263 : vector<1x16xf32> to vector<16xf32>
        %parallel_loop3A_265 = arith.addf %parallel_loop3A_260, %parallel_loop3A_264 : vector<16xf32>
        %parallel_loop3A_266 = arith.index_cast %parallel_loop3A_247 : i32 to index
        %parallel_loop3A_267 = arith.constant 0 : index
        %parallel_loop3A_268 = tpu.vector_load %arg11[%parallel_loop3A_266, %parallel_loop3A_267] {strides = array<i32>} : memref<128x128xf32, #tpu.memory_space<vmem>>, vector<1x16xf32>,
        %parallel_loop3A_269 = vector.shape_cast %parallel_loop3A_268 : vector<1x16xf32> to vector<16xf32>
        %parallel_loop3A_270 = vector.shape_cast %parallel_loop3A_265 : vector<16xf32> to vector<1x16xf32>
        tpu.vector_store %arg11[%parallel_loop3A_266, %parallel_loop3A_267], %parallel_loop3A_270 {strides = array<i32>} : memref<128x128xf32, #tpu.memory_space<vmem>>, vector<1x16xf32>,
        %parallel_loop3A_271 = arith.index_cast %parallel_loop3A_247 : i32 to index
        %parallel_loop3A_272 = arith.constant 16 : index
        %parallel_loop3A_273 = tpu.vector_load %arg11[%parallel_loop3A_271, %parallel_loop3A_272] {strides = array<i32>} : memref<128x128xf32, #tpu.memory_space<vmem>>, vector<1x16xf32>,
        %parallel_loop3A_274 = vector.shape_cast %parallel_loop3A_273 : vector<1x16xf32> to vector<16xf32>
        %parallel_loop3A_275 = arith.constant 11.3137083 : f32
        %parallel_loop3A_276 = vector.broadcast %parallel_loop3A_275 : f32 to vector<16xf32>
        %parallel_loop3A_277 = arith.mulf %parallel_loop3A_274, %parallel_loop3A_276 : vector<16xf32>
        %parallel_loop3A_278 = arith.index_cast %parallel_loop3A_253 : i32 to index
        %parallel_loop3A_279 = arith.constant 16 : index
        %parallel_loop3A_280 = tpu.vector_load %arg7[%parallel_loop3A_278, %parallel_loop3A_279] {strides = array<i32>} : memref<200x128xf32, #tpu.memory_space<vmem>>, vector<1x16xf32>,
        %parallel_loop3A_281 = vector.shape_cast %parallel_loop3A_280 : vector<1x16xf32> to vector<16xf32>
        %parallel_loop3A_282 = arith.addf %parallel_loop3A_277, %parallel_loop3A_281 : vector<16xf32>
        %parallel_loop3A_283 = arith.index_cast %parallel_loop3A_247 : i32 to index
        %parallel_loop3A_284 = arith.constant 16 : index
        %parallel_loop3A_285 = tpu.vector_load %arg11[%parallel_loop3A_283, %parallel_loop3A_284] {strides = array<i32>} : memref<128x128xf32, #tpu.memory_space<vmem>>, vector<1x16xf32>,
        %parallel_loop3A_286 = vector.shape_cast %parallel_loop3A_285 : vector<1x16xf32> to vector<16xf32>
        %parallel_loop3A_287 = vector.shape_cast %parallel_loop3A_282 : vector<16xf32> to vector<1x16xf32>
        tpu.vector_store %arg11[%parallel_loop3A_283, %parallel_loop3A_284], %parallel_loop3A_287 {strides = array<i32>} : memref<128x128xf32, #tpu.memory_space<vmem>>, vector<1x16xf32>,
        %parallel_loop3A_288 = arith.index_cast %parallel_loop3A_247 : i32 to index
        %parallel_loop3A_289 = arith.constant 32 : index
        %parallel_loop3A_290 = tpu.vector_load %arg11[%parallel_loop3A_288, %parallel_loop3A_289] {strides = array<i32>} : memref<128x128xf32, #tpu.memory_space<vmem>>, vector<1x16xf32>,
        %parallel_loop3A_291 = vector.shape_cast %parallel_loop3A_290 : vector<1x16xf32> to vector<16xf32>
        %parallel_loop3A_292 = arith.constant 11.3137083 : f32
        %parallel_loop3A_293 = vector.broadcast %parallel_loop3A_292 : f32 to vector<16xf32>
        %parallel_loop3A_294 = arith.mulf %parallel_loop3A_291, %parallel_loop3A_293 : vector<16xf32>
        %parallel_loop3A_295 = arith.index_cast %parallel_loop3A_253 : i32 to index
        %parallel_loop3A_296 = arith.constant 32 : index
        %parallel_loop3A_297 = tpu.vector_load %arg7[%parallel_loop3A_295, %parallel_loop3A_296] {strides = array<i32>} : memref<200x128xf32, #tpu.memory_space<vmem>>, vector<1x16xf32>,
        %parallel_loop3A_298 = vector.shape_cast %parallel_loop3A_297 : vector<1x16xf32> to vector<16xf32>
        %parallel_loop3A_299 = arith.addf %parallel_loop3A_294, %parallel_loop3A_298 : vector<16xf32>
        %parallel_loop3A_300 = arith.index_cast %parallel_loop3A_247 : i32 to index
        %parallel_loop3A_301 = arith.constant 32 : index
        %parallel_loop3A_302 = tpu.vector_load %arg11[%parallel_loop3A_300, %parallel_loop3A_301] {strides = array<i32>} : memref<128x128xf32, #tpu.memory_space<vmem>>, vector<1x16xf32>,
        %parallel_loop3A_303 = vector.shape_cast %parallel_loop3A_302 : vector<1x16xf32> to vector<16xf32>
        %parallel_loop3A_304 = vector.shape_cast %parallel_loop3A_299 : vector<16xf32> to vector<1x16xf32>
        tpu.vector_store %arg11[%parallel_loop3A_300, %parallel_loop3A_301], %parallel_loop3A_304 {strides = array<i32>} : memref<128x128xf32, #tpu.memory_space<vmem>>, vector<1x16xf32>,
        %parallel_loop3A_305 = arith.index_cast %parallel_loop3A_247 : i32 to index
        %parallel_loop3A_306 = arith.constant 48 : index
        %parallel_loop3A_307 = tpu.vector_load %arg11[%parallel_loop3A_305, %parallel_loop3A_306] {strides = array<i32>} : memref<128x128xf32, #tpu.memory_space<vmem>>, vector<1x16xf32>,
        %parallel_loop3A_308 = vector.shape_cast %parallel_loop3A_307 : vector<1x16xf32> to vector<16xf32>
        %parallel_loop3A_309 = arith.constant 11.3137083 : f32
        %parallel_loop3A_310 = vector.broadcast %parallel_loop3A_309 : f32 to vector<16xf32>
        %parallel_loop3A_311 = arith.mulf %parallel_loop3A_308, %parallel_loop3A_310 : vector<16xf32>
        %parallel_loop3A_312 = arith.index_cast %parallel_loop3A_253 : i32 to index
        %parallel_loop3A_313 = arith.constant 48 : index
        %parallel_loop3A_314 = tpu.vector_load %arg7[%parallel_loop3A_312, %parallel_loop3A_313] {strides = array<i32>} : memref<200x128xf32, #tpu.memory_space<vmem>>, vector<1x16xf32>,
        %parallel_loop3A_315 = vector.shape_cast %parallel_loop3A_314 : vector<1x16xf32> to vector<16xf32>
        %parallel_loop3A_316 = arith.addf %parallel_loop3A_311, %parallel_loop3A_315 : vector<16xf32>
        %parallel_loop3A_317 = arith.index_cast %parallel_loop3A_247 : i32 to index
        %parallel_loop3A_318 = arith.constant 48 : index
        %parallel_loop3A_319 = tpu.vector_load %arg11[%parallel_loop3A_317, %parallel_loop3A_318] {strides = array<i32>} : memref<128x128xf32, #tpu.memory_space<vmem>>, vector<1x16xf32>,
        %parallel_loop3A_320 = vector.shape_cast %parallel_loop3A_319 : vector<1x16xf32> to vector<16xf32>
        %parallel_loop3A_321 = vector.shape_cast %parallel_loop3A_316 : vector<16xf32> to vector<1x16xf32>
        tpu.vector_store %arg11[%parallel_loop3A_317, %parallel_loop3A_318], %parallel_loop3A_321 {strides = array<i32>} : memref<128x128xf32, #tpu.memory_space<vmem>>, vector<1x16xf32>,
        %parallel_loop3A_322 = arith.index_cast %parallel_loop3A_247 : i32 to index
        %parallel_loop3A_323 = arith.constant 64 : index
        %parallel_loop3A_324 = tpu.vector_load %arg11[%parallel_loop3A_322, %parallel_loop3A_323] {strides = array<i32>} : memref<128x128xf32, #tpu.memory_space<vmem>>, vector<1x16xf32>,
        %parallel_loop3A_325 = vector.shape_cast %parallel_loop3A_324 : vector<1x16xf32> to vector<16xf32>
        %parallel_loop3A_326 = arith.constant 11.3137083 : f32
        %parallel_loop3A_327 = vector.broadcast %parallel_loop3A_326 : f32 to vector<16xf32>
        %parallel_loop3A_328 = arith.mulf %parallel_loop3A_325, %parallel_loop3A_327 : vector<16xf32>
        %parallel_loop3A_329 = arith.index_cast %parallel_loop3A_253 : i32 to index
        %parallel_loop3A_330 = arith.constant 64 : index
        %parallel_loop3A_331 = tpu.vector_load %arg7[%parallel_loop3A_329, %parallel_loop3A_330] {strides = array<i32>} : memref<200x128xf32, #tpu.memory_space<vmem>>, vector<1x16xf32>,
        %parallel_loop3A_332 = vector.shape_cast %parallel_loop3A_331 : vector<1x16xf32> to vector<16xf32>
        %parallel_loop3A_333 = arith.addf %parallel_loop3A_328, %parallel_loop3A_332 : vector<16xf32>
        %parallel_loop3A_334 = arith.index_cast %parallel_loop3A_247 : i32 to index
        %parallel_loop3A_335 = arith.constant 64 : index
        %parallel_loop3A_336 = tpu.vector_load %arg11[%parallel_loop3A_334, %parallel_loop3A_335] {strides = array<i32>} : memref<128x128xf32, #tpu.memory_space<vmem>>, vector<1x16xf32>,
        %parallel_loop3A_337 = vector.shape_cast %parallel_loop3A_336 : vector<1x16xf32> to vector<16xf32>
        %parallel_loop3A_338 = vector.shape_cast %parallel_loop3A_333 : vector<16xf32> to vector<1x16xf32>
        tpu.vector_store %arg11[%parallel_loop3A_334, %parallel_loop3A_335], %parallel_loop3A_338 {strides = array<i32>} : memref<128x128xf32, #tpu.memory_space<vmem>>, vector<1x16xf32>,
        %parallel_loop3A_339 = arith.index_cast %parallel_loop3A_247 : i32 to index
        %parallel_loop3A_340 = arith.constant 80 : index
        %parallel_loop3A_341 = tpu.vector_load %arg11[%parallel_loop3A_339, %parallel_loop3A_340] {strides = array<i32>} : memref<128x128xf32, #tpu.memory_space<vmem>>, vector<1x16xf32>,
        %parallel_loop3A_342 = vector.shape_cast %parallel_loop3A_341 : vector<1x16xf32> to vector<16xf32>
        %parallel_loop3A_343 = arith.constant 11.3137083 : f32
        %parallel_loop3A_344 = vector.broadcast %parallel_loop3A_343 : f32 to vector<16xf32>
        %parallel_loop3A_345 = arith.mulf %parallel_loop3A_342, %parallel_loop3A_344 : vector<16xf32>
        %parallel_loop3A_346 = arith.index_cast %parallel_loop3A_253 : i32 to index
        %parallel_loop3A_347 = arith.constant 80 : index
        %parallel_loop3A_348 = tpu.vector_load %arg7[%parallel_loop3A_346, %parallel_loop3A_347] {strides = array<i32>} : memref<200x128xf32, #tpu.memory_space<vmem>>, vector<1x16xf32>,
        %parallel_loop3A_349 = vector.shape_cast %parallel_loop3A_348 : vector<1x16xf32> to vector<16xf32>
        %parallel_loop3A_350 = arith.addf %parallel_loop3A_345, %parallel_loop3A_349 : vector<16xf32>
        %parallel_loop3A_351 = arith.index_cast %parallel_loop3A_247 : i32 to index
        %parallel_loop3A_352 = arith.constant 80 : index
        %parallel_loop3A_353 = tpu.vector_load %arg11[%parallel_loop3A_351, %parallel_loop3A_352] {strides = array<i32>} : memref<128x128xf32, #tpu.memory_space<vmem>>, vector<1x16xf32>,
        %parallel_loop3A_354 = vector.shape_cast %parallel_loop3A_353 : vector<1x16xf32> to vector<16xf32>
        %parallel_loop3A_355 = vector.shape_cast %parallel_loop3A_350 : vector<16xf32> to vector<1x16xf32>
        tpu.vector_store %arg11[%parallel_loop3A_351, %parallel_loop3A_352], %parallel_loop3A_355 {strides = array<i32>} : memref<128x128xf32, #tpu.memory_space<vmem>>, vector<1x16xf32>,
        %parallel_loop3A_356 = arith.index_cast %parallel_loop3A_247 : i32 to index
        %parallel_loop3A_357 = arith.constant 96 : index
        %parallel_loop3A_358 = tpu.vector_load %arg11[%parallel_loop3A_356, %parallel_loop3A_357] {strides = array<i32>} : memref<128x128xf32, #tpu.memory_space<vmem>>, vector<1x16xf32>,
        %parallel_loop3A_359 = vector.shape_cast %parallel_loop3A_358 : vector<1x16xf32> to vector<16xf32>
        %parallel_loop3A_360 = arith.constant 11.3137083 : f32
        %parallel_loop3A_361 = vector.broadcast %parallel_loop3A_360 : f32 to vector<16xf32>
        %parallel_loop3A_362 = arith.mulf %parallel_loop3A_359, %parallel_loop3A_361 : vector<16xf32>
        %parallel_loop3A_363 = arith.index_cast %parallel_loop3A_253 : i32 to index
        %parallel_loop3A_364 = arith.constant 96 : index
        %parallel_loop3A_365 = tpu.vector_load %arg7[%parallel_loop3A_363, %parallel_loop3A_364] {strides = array<i32>} : memref<200x128xf32, #tpu.memory_space<vmem>>, vector<1x16xf32>,
        %parallel_loop3A_366 = vector.shape_cast %parallel_loop3A_365 : vector<1x16xf32> to vector<16xf32>
        %parallel_loop3A_367 = arith.addf %parallel_loop3A_362, %parallel_loop3A_366 : vector<16xf32>
        %parallel_loop3A_368 = arith.index_cast %parallel_loop3A_247 : i32 to index
        %parallel_loop3A_369 = arith.constant 96 : index
        %parallel_loop3A_370 = tpu.vector_load %arg11[%parallel_loop3A_368, %parallel_loop3A_369] {strides = array<i32>} : memref<128x128xf32, #tpu.memory_space<vmem>>, vector<1x16xf32>,
        %parallel_loop3A_371 = vector.shape_cast %parallel_loop3A_370 : vector<1x16xf32> to vector<16xf32>
        %parallel_loop3A_372 = vector.shape_cast %parallel_loop3A_367 : vector<16xf32> to vector<1x16xf32>
        tpu.vector_store %arg11[%parallel_loop3A_368, %parallel_loop3A_369], %parallel_loop3A_372 {strides = array<i32>} : memref<128x128xf32, #tpu.memory_space<vmem>>, vector<1x16xf32>,
        %parallel_loop3A_373 = arith.index_cast %parallel_loop3A_247 : i32 to index
        %parallel_loop3A_374 = arith.constant 112 : index
        %parallel_loop3A_375 = tpu.vector_load %arg11[%parallel_loop3A_373, %parallel_loop3A_374] {strides = array<i32>} : memref<128x128xf32, #tpu.memory_space<vmem>>, vector<1x16xf32>,
        %parallel_loop3A_376 = vector.shape_cast %parallel_loop3A_375 : vector<1x16xf32> to vector<16xf32>
        %parallel_loop3A_377 = arith.constant 11.3137083 : f32
        %parallel_loop3A_378 = vector.broadcast %parallel_loop3A_377 : f32 to vector<16xf32>
        %parallel_loop3A_379 = arith.mulf %parallel_loop3A_376, %parallel_loop3A_378 : vector<16xf32>
        %parallel_loop3A_380 = arith.index_cast %parallel_loop3A_253 : i32 to index
        %parallel_loop3A_381 = arith.constant 112 : index
        %parallel_loop3A_382 = tpu.vector_load %arg7[%parallel_loop3A_380, %parallel_loop3A_381] {strides = array<i32>} : memref<200x128xf32, #tpu.memory_space<vmem>>, vector<1x16xf32>,
        %parallel_loop3A_383 = vector.shape_cast %parallel_loop3A_382 : vector<1x16xf32> to vector<16xf32>
        %parallel_loop3A_384 = arith.addf %parallel_loop3A_379, %parallel_loop3A_383 : vector<16xf32>
        %parallel_loop3A_385 = arith.index_cast %parallel_loop3A_247 : i32 to index
        %parallel_loop3A_386 = arith.constant 112 : index
        %parallel_loop3A_387 = tpu.vector_load %arg11[%parallel_loop3A_385, %parallel_loop3A_386] {strides = array<i32>} : memref<128x128xf32, #tpu.memory_space<vmem>>, vector<1x16xf32>,
        %parallel_loop3A_388 = vector.shape_cast %parallel_loop3A_387 : vector<1x16xf32> to vector<16xf32>
        %parallel_loop3A_389 = vector.shape_cast %parallel_loop3A_384 : vector<16xf32> to vector<1x16xf32>
        tpu.vector_store %arg11[%parallel_loop3A_385, %parallel_loop3A_386], %parallel_loop3A_389 {strides = array<i32>} : memref<128x128xf32, #tpu.memory_space<vmem>>, vector<1x16xf32>,
      } {sc.loop_unroll_factor = 4 : i64, sc.parallel_access}
      %mul3A_206 = arith.constant 128 : i32
      %mul3A_207 = arith.muli %add3A_182, %mul3A_206 : i32
      %add3A_208 = arith.addi %mul3A_2, %mul3A_207 : i32
      %dma_start3A_209 = arith.constant 0 : i32
      %dma_start3A_210 = tpu.memref_slice %arg5[%add3A_208, %dma_start3A_209] : memref<204800x128xf32, #tpu.memory_space<hbm>> -> memref<128x128xf32, #tpu.memory_space<hbm>>
      %dma_start3A_211 = arith.constant 0 : i32
      %dma_start3A_212 = tpu.memref_slice %arg5[%add3A_208, %dma_start3A_211] : memref<204800x128xf32, #tpu.memory_space<hbm>> -> memref<128x128xf32, #tpu.memory_space<hbm>>
      tpu.enqueue_dma source(%arg11 : memref<128x128xf32, #tpu.memory_space<vmem>>) target(%dma_start3A_212 : memref<128x128xf32, #tpu.memory_space<hbm>>) target_semaphore(%arg21 : memref<!tpu.dma_semaphore, #tpu.memory_space<semaphore_mem>>)
      %mul3A_213 = arith.constant 5 : i32
      %mul3A_214 = arith.muli %scan3A_83, %mul3A_213 : i32
      %add3A_215 = arith.constant 4 : i32
      %add3A_216 = arith.addi %mul3A_214, %add3A_215 : i32
      %dma_wait3A_217 = arith.constant 0 : i32
      %dma_wait3A_218 = tpu.memref_slice %arg6[%add3A_216, %dma_wait3A_217] : memref<50x128xi32, #tpu.memory_space<vmem>> -> memref<1x128xi32, #tpu.memory_space<vmem>>
      %dma_wait3A_219 = tpu.memref_squeeze %dma_wait3A_218 : memref<1x128xi32, #tpu.memory_space<vmem>> -> memref<128xi32, #tpu.memory_space<vmem>>
      %dma_wait3A_220 = arith.constant 0 : i32
      %dma_wait3A_221 = arith.constant 0 : i32
      %dma_wait3A_222 = tpu.memref_slice %arg3[%dma_wait3A_220, %dma_wait3A_221] : memref<100000x128xf32, #tpu.memory_space<hbm>> -> memref<100000x128xf32, #tpu.memory_space<hbm>>
      tpu.wait_indirect_dma semaphore(%arg17 : memref<!tpu.dma_semaphore, #tpu.memory_space<semaphore_mem>>) src(%dma_wait3A_222 : memref<100000x128xf32, #tpu.memory_space<hbm>>) dst(%arg12 : memref<128x128xf32, #tpu.memory_space<vmem>>)
      %ge3A_223 = arith.constant 2 : i32
      %ge3A_224 = arith.cmpi sge, %add3A_216, %ge3A_223 : i32
      %add3A_225 = arith.constant 3 : i32
      %add3A_226 = arith.addi %add3A_216, %add3A_225 : i32
      %lt3A_227 = arith.constant 50 : i32
      %lt3A_228 = arith.cmpi slt, %add3A_226, %lt3A_227 : i32
      %and3A_229 = arith.andi %ge3A_224, %lt3A_228 : i1
      %convert_element_type3A_230 = arith.extui %and3A_229 : i1 to i32
      %cond3A_231 = arith.constant 0 : i32
      %cond3A_232 = arith.cmpi ne, %convert_element_type3A_230, %cond3A_231 : i32
      scf.if %cond3A_232 {
        %sub3A = arith.constant 2 : i32
        %sub3A_247 = arith.subi %add3A_216, %sub3A : i32
        %mul3A_248 = arith.constant 128 : i32
        %mul3A_249 = arith.muli %sub3A_247, %mul3A_248 : i32
        %add3A_250 = arith.addi %mul3A_2, %mul3A_249 : i32
        %dma_wait3A_251 = arith.constant 0 : i32
        %dma_wait3A_252 = tpu.memref_slice %arg5[%add3A_250, %dma_wait3A_251] : memref<204800x128xf32, #tpu.memory_space<hbm>> -> memref<128x128xf32, #tpu.memory_space<hbm>>
        %dma_wait3A_253 = arith.constant 0 : i32
        %dma_wait3A_254 = tpu.memref_slice %arg5[%add3A_250, %dma_wait3A_253] : memref<204800x128xf32, #tpu.memory_space<hbm>> -> memref<128x128xf32, #tpu.memory_space<hbm>>
        tpu.wait_dma2 semaphore(%arg20 : memref<!tpu.dma_semaphore, #tpu.memory_space<semaphore_mem>>) src(%arg10 : memref<128x128xf32, #tpu.memory_space<vmem>>) dst(%dma_wait3A_254 : memref<128x128xf32, #tpu.memory_space<hbm>>)
        %add3A_255 = arith.constant 3 : i32
        %add3A_256 = arith.addi %add3A_216, %add3A_255 : i32
        %dma_start3A_257 = arith.constant 0 : i32
        %dma_start3A_258 = tpu.memref_slice %arg6[%add3A_256, %dma_start3A_257] : memref<50x128xi32, #tpu.memory_space<vmem>> -> memref<1x128xi32, #tpu.memory_space<vmem>>
        %dma_start3A_259 = tpu.memref_squeeze %dma_start3A_258 : memref<1x128xi32, #tpu.memory_space<vmem>> -> memref<128xi32, #tpu.memory_space<vmem>>
        %dma_start3A_260 = arith.constant 0 : i32
        %dma_start3A_261 = arith.constant 0 : i32
        %dma_start3A_262 = tpu.memref_slice %arg3[%dma_start3A_260, %dma_start3A_261] : memref<100000x128xf32, #tpu.memory_space<hbm>> -> memref<100000x128xf32, #tpu.memory_space<hbm>>
        tpu.enqueue_indirect_dma source(%dma_start3A_262 : memref<100000x128xf32, #tpu.memory_space<hbm>>) target(%arg10 : memref<128x128xf32, #tpu.memory_space<vmem>>) offsets(%dma_start3A_259 : memref<128xi32, #tpu.memory_space<vmem>>) semaphore(%arg15 : memref<!tpu.dma_semaphore, #tpu.memory_space<semaphore_mem>>)
      } else {
      }
      %mul3A_233 = arith.constant 128 : i32
      %mul3A_234 = arith.muli %add3A_216, %mul3A_233 : i32
      %rem3A_235 = arith.constant 200 : i32
      %rem3A_236 = arith.remsi %mul3A_234, %rem3A_235 : i32
      %parallel_loop3A_237 = arith.constant 0 : i32
      %parallel_loop3A_238 = arith.constant 128 : i32
      %parallel_loop3A_239 = arith.constant 1 : i32
      scf.for %parallel_loop3A_247 = %parallel_loop3A_237 to %parallel_loop3A_238 step %parallel_loop3A_239  : i32 {
        %parallel_loop3A_248 = arith.addi %rem3A_236, %parallel_loop3A_247 : i32
        %parallel_loop3A_249 = arith.constant 200 : i32
        %parallel_loop3A_250 = arith.cmpi sge, %parallel_loop3A_248, %parallel_loop3A_249 : i32
        %parallel_loop3A_251 = arith.constant 200 : i32
        %parallel_loop3A_252 = arith.subi %parallel_loop3A_248, %parallel_loop3A_251 : i32
        %parallel_loop3A_253 = arith.select %parallel_loop3A_250, %parallel_loop3A_252, %parallel_loop3A_248 : i32
        %parallel_loop3A_254 = arith.index_cast %parallel_loop3A_247 : i32 to index
        %parallel_loop3A_255 = arith.constant 0 : index
        %parallel_loop3A_256 = tpu.vector_load %arg12[%parallel_loop3A_254, %parallel_loop3A_255] {strides = array<i32>} : memref<128x128xf32, #tpu.memory_space<vmem>>, vector<1x16xf32>,
        %parallel_loop3A_257 = vector.shape_cast %parallel_loop3A_256 : vector<1x16xf32> to vector<16xf32>
        %parallel_loop3A_258 = arith.constant 11.3137083 : f32
        %parallel_loop3A_259 = vector.broadcast %parallel_loop3A_258 : f32 to vector<16xf32>
        %parallel_loop3A_260 = arith.mulf %parallel_loop3A_257, %parallel_loop3A_259 : vector<16xf32>
        %parallel_loop3A_261 = arith.index_cast %parallel_loop3A_253 : i32 to index
        %parallel_loop3A_262 = arith.constant 0 : index
        %parallel_loop3A_263 = tpu.vector_load %arg7[%parallel_loop3A_261, %parallel_loop3A_262] {strides = array<i32>} : memref<200x128xf32, #tpu.memory_space<vmem>>, vector<1x16xf32>,
        %parallel_loop3A_264 = vector.shape_cast %parallel_loop3A_263 : vector<1x16xf32> to vector<16xf32>
        %parallel_loop3A_265 = arith.addf %parallel_loop3A_260, %parallel_loop3A_264 : vector<16xf32>
        %parallel_loop3A_266 = arith.index_cast %parallel_loop3A_247 : i32 to index
        %parallel_loop3A_267 = arith.constant 0 : index
        %parallel_loop3A_268 = tpu.vector_load %arg12[%parallel_loop3A_266, %parallel_loop3A_267] {strides = array<i32>} : memref<128x128xf32, #tpu.memory_space<vmem>>, vector<1x16xf32>,
        %parallel_loop3A_269 = vector.shape_cast %parallel_loop3A_268 : vector<1x16xf32> to vector<16xf32>
        %parallel_loop3A_270 = vector.shape_cast %parallel_loop3A_265 : vector<16xf32> to vector<1x16xf32>
        tpu.vector_store %arg12[%parallel_loop3A_266, %parallel_loop3A_267], %parallel_loop3A_270 {strides = array<i32>} : memref<128x128xf32, #tpu.memory_space<vmem>>, vector<1x16xf32>,
        %parallel_loop3A_271 = arith.index_cast %parallel_loop3A_247 : i32 to index
        %parallel_loop3A_272 = arith.constant 16 : index
        %parallel_loop3A_273 = tpu.vector_load %arg12[%parallel_loop3A_271, %parallel_loop3A_272] {strides = array<i32>} : memref<128x128xf32, #tpu.memory_space<vmem>>, vector<1x16xf32>,
        %parallel_loop3A_274 = vector.shape_cast %parallel_loop3A_273 : vector<1x16xf32> to vector<16xf32>
        %parallel_loop3A_275 = arith.constant 11.3137083 : f32
        %parallel_loop3A_276 = vector.broadcast %parallel_loop3A_275 : f32 to vector<16xf32>
        %parallel_loop3A_277 = arith.mulf %parallel_loop3A_274, %parallel_loop3A_276 : vector<16xf32>
        %parallel_loop3A_278 = arith.index_cast %parallel_loop3A_253 : i32 to index
        %parallel_loop3A_279 = arith.constant 16 : index
        %parallel_loop3A_280 = tpu.vector_load %arg7[%parallel_loop3A_278, %parallel_loop3A_279] {strides = array<i32>} : memref<200x128xf32, #tpu.memory_space<vmem>>, vector<1x16xf32>,
        %parallel_loop3A_281 = vector.shape_cast %parallel_loop3A_280 : vector<1x16xf32> to vector<16xf32>
        %parallel_loop3A_282 = arith.addf %parallel_loop3A_277, %parallel_loop3A_281 : vector<16xf32>
        %parallel_loop3A_283 = arith.index_cast %parallel_loop3A_247 : i32 to index
        %parallel_loop3A_284 = arith.constant 16 : index
        %parallel_loop3A_285 = tpu.vector_load %arg12[%parallel_loop3A_283, %parallel_loop3A_284] {strides = array<i32>} : memref<128x128xf32, #tpu.memory_space<vmem>>, vector<1x16xf32>,
        %parallel_loop3A_286 = vector.shape_cast %parallel_loop3A_285 : vector<1x16xf32> to vector<16xf32>
        %parallel_loop3A_287 = vector.shape_cast %parallel_loop3A_282 : vector<16xf32> to vector<1x16xf32>
        tpu.vector_store %arg12[%parallel_loop3A_283, %parallel_loop3A_284], %parallel_loop3A_287 {strides = array<i32>} : memref<128x128xf32, #tpu.memory_space<vmem>>, vector<1x16xf32>,
        %parallel_loop3A_288 = arith.index_cast %parallel_loop3A_247 : i32 to index
        %parallel_loop3A_289 = arith.constant 32 : index
        %parallel_loop3A_290 = tpu.vector_load %arg12[%parallel_loop3A_288, %parallel_loop3A_289] {strides = array<i32>} : memref<128x128xf32, #tpu.memory_space<vmem>>, vector<1x16xf32>,
        %parallel_loop3A_291 = vector.shape_cast %parallel_loop3A_290 : vector<1x16xf32> to vector<16xf32>
        %parallel_loop3A_292 = arith.constant 11.3137083 : f32
        %parallel_loop3A_293 = vector.broadcast %parallel_loop3A_292 : f32 to vector<16xf32>
        %parallel_loop3A_294 = arith.mulf %parallel_loop3A_291, %parallel_loop3A_293 : vector<16xf32>
        %parallel_loop3A_295 = arith.index_cast %parallel_loop3A_253 : i32 to index
        %parallel_loop3A_296 = arith.constant 32 : index
        %parallel_loop3A_297 = tpu.vector_load %arg7[%parallel_loop3A_295, %parallel_loop3A_296] {strides = array<i32>} : memref<200x128xf32, #tpu.memory_space<vmem>>, vector<1x16xf32>,
        %parallel_loop3A_298 = vector.shape_cast %parallel_loop3A_297 : vector<1x16xf32> to vector<16xf32>
        %parallel_loop3A_299 = arith.addf %parallel_loop3A_294, %parallel_loop3A_298 : vector<16xf32>
        %parallel_loop3A_300 = arith.index_cast %parallel_loop3A_247 : i32 to index
        %parallel_loop3A_301 = arith.constant 32 : index
        %parallel_loop3A_302 = tpu.vector_load %arg12[%parallel_loop3A_300, %parallel_loop3A_301] {strides = array<i32>} : memref<128x128xf32, #tpu.memory_space<vmem>>, vector<1x16xf32>,
        %parallel_loop3A_303 = vector.shape_cast %parallel_loop3A_302 : vector<1x16xf32> to vector<16xf32>
        %parallel_loop3A_304 = vector.shape_cast %parallel_loop3A_299 : vector<16xf32> to vector<1x16xf32>
        tpu.vector_store %arg12[%parallel_loop3A_300, %parallel_loop3A_301], %parallel_loop3A_304 {strides = array<i32>} : memref<128x128xf32, #tpu.memory_space<vmem>>, vector<1x16xf32>,
        %parallel_loop3A_305 = arith.index_cast %parallel_loop3A_247 : i32 to index
        %parallel_loop3A_306 = arith.constant 48 : index
        %parallel_loop3A_307 = tpu.vector_load %arg12[%parallel_loop3A_305, %parallel_loop3A_306] {strides = array<i32>} : memref<128x128xf32, #tpu.memory_space<vmem>>, vector<1x16xf32>,
        %parallel_loop3A_308 = vector.shape_cast %parallel_loop3A_307 : vector<1x16xf32> to vector<16xf32>
        %parallel_loop3A_309 = arith.constant 11.3137083 : f32
        %parallel_loop3A_310 = vector.broadcast %parallel_loop3A_309 : f32 to vector<16xf32>
        %parallel_loop3A_311 = arith.mulf %parallel_loop3A_308, %parallel_loop3A_310 : vector<16xf32>
        %parallel_loop3A_312 = arith.index_cast %parallel_loop3A_253 : i32 to index
        %parallel_loop3A_313 = arith.constant 48 : index
        %parallel_loop3A_314 = tpu.vector_load %arg7[%parallel_loop3A_312, %parallel_loop3A_313] {strides = array<i32>} : memref<200x128xf32, #tpu.memory_space<vmem>>, vector<1x16xf32>,
        %parallel_loop3A_315 = vector.shape_cast %parallel_loop3A_314 : vector<1x16xf32> to vector<16xf32>
        %parallel_loop3A_316 = arith.addf %parallel_loop3A_311, %parallel_loop3A_315 : vector<16xf32>
        %parallel_loop3A_317 = arith.index_cast %parallel_loop3A_247 : i32 to index
        %parallel_loop3A_318 = arith.constant 48 : index
        %parallel_loop3A_319 = tpu.vector_load %arg12[%parallel_loop3A_317, %parallel_loop3A_318] {strides = array<i32>} : memref<128x128xf32, #tpu.memory_space<vmem>>, vector<1x16xf32>,
        %parallel_loop3A_320 = vector.shape_cast %parallel_loop3A_319 : vector<1x16xf32> to vector<16xf32>
        %parallel_loop3A_321 = vector.shape_cast %parallel_loop3A_316 : vector<16xf32> to vector<1x16xf32>
        tpu.vector_store %arg12[%parallel_loop3A_317, %parallel_loop3A_318], %parallel_loop3A_321 {strides = array<i32>} : memref<128x128xf32, #tpu.memory_space<vmem>>, vector<1x16xf32>,
        %parallel_loop3A_322 = arith.index_cast %parallel_loop3A_247 : i32 to index
        %parallel_loop3A_323 = arith.constant 64 : index
        %parallel_loop3A_324 = tpu.vector_load %arg12[%parallel_loop3A_322, %parallel_loop3A_323] {strides = array<i32>} : memref<128x128xf32, #tpu.memory_space<vmem>>, vector<1x16xf32>,
        %parallel_loop3A_325 = vector.shape_cast %parallel_loop3A_324 : vector<1x16xf32> to vector<16xf32>
        %parallel_loop3A_326 = arith.constant 11.3137083 : f32
        %parallel_loop3A_327 = vector.broadcast %parallel_loop3A_326 : f32 to vector<16xf32>
        %parallel_loop3A_328 = arith.mulf %parallel_loop3A_325, %parallel_loop3A_327 : vector<16xf32>
        %parallel_loop3A_329 = arith.index_cast %parallel_loop3A_253 : i32 to index
        %parallel_loop3A_330 = arith.constant 64 : index
        %parallel_loop3A_331 = tpu.vector_load %arg7[%parallel_loop3A_329, %parallel_loop3A_330] {strides = array<i32>} : memref<200x128xf32, #tpu.memory_space<vmem>>, vector<1x16xf32>,
        %parallel_loop3A_332 = vector.shape_cast %parallel_loop3A_331 : vector<1x16xf32> to vector<16xf32>
        %parallel_loop3A_333 = arith.addf %parallel_loop3A_328, %parallel_loop3A_332 : vector<16xf32>
        %parallel_loop3A_334 = arith.index_cast %parallel_loop3A_247 : i32 to index
        %parallel_loop3A_335 = arith.constant 64 : index
        %parallel_loop3A_336 = tpu.vector_load %arg12[%parallel_loop3A_334, %parallel_loop3A_335] {strides = array<i32>} : memref<128x128xf32, #tpu.memory_space<vmem>>, vector<1x16xf32>,
        %parallel_loop3A_337 = vector.shape_cast %parallel_loop3A_336 : vector<1x16xf32> to vector<16xf32>
        %parallel_loop3A_338 = vector.shape_cast %parallel_loop3A_333 : vector<16xf32> to vector<1x16xf32>
        tpu.vector_store %arg12[%parallel_loop3A_334, %parallel_loop3A_335], %parallel_loop3A_338 {strides = array<i32>} : memref<128x128xf32, #tpu.memory_space<vmem>>, vector<1x16xf32>,
        %parallel_loop3A_339 = arith.index_cast %parallel_loop3A_247 : i32 to index
        %parallel_loop3A_340 = arith.constant 80 : index
        %parallel_loop3A_341 = tpu.vector_load %arg12[%parallel_loop3A_339, %parallel_loop3A_340] {strides = array<i32>} : memref<128x128xf32, #tpu.memory_space<vmem>>, vector<1x16xf32>,
        %parallel_loop3A_342 = vector.shape_cast %parallel_loop3A_341 : vector<1x16xf32> to vector<16xf32>
        %parallel_loop3A_343 = arith.constant 11.3137083 : f32
        %parallel_loop3A_344 = vector.broadcast %parallel_loop3A_343 : f32 to vector<16xf32>
        %parallel_loop3A_345 = arith.mulf %parallel_loop3A_342, %parallel_loop3A_344 : vector<16xf32>
        %parallel_loop3A_346 = arith.index_cast %parallel_loop3A_253 : i32 to index
        %parallel_loop3A_347 = arith.constant 80 : index
        %parallel_loop3A_348 = tpu.vector_load %arg7[%parallel_loop3A_346, %parallel_loop3A_347] {strides = array<i32>} : memref<200x128xf32, #tpu.memory_space<vmem>>, vector<1x16xf32>,
        %parallel_loop3A_349 = vector.shape_cast %parallel_loop3A_348 : vector<1x16xf32> to vector<16xf32>
        %parallel_loop3A_350 = arith.addf %parallel_loop3A_345, %parallel_loop3A_349 : vector<16xf32>
        %parallel_loop3A_351 = arith.index_cast %parallel_loop3A_247 : i32 to index
        %parallel_loop3A_352 = arith.constant 80 : index
        %parallel_loop3A_353 = tpu.vector_load %arg12[%parallel_loop3A_351, %parallel_loop3A_352] {strides = array<i32>} : memref<128x128xf32, #tpu.memory_space<vmem>>, vector<1x16xf32>,
        %parallel_loop3A_354 = vector.shape_cast %parallel_loop3A_353 : vector<1x16xf32> to vector<16xf32>
        %parallel_loop3A_355 = vector.shape_cast %parallel_loop3A_350 : vector<16xf32> to vector<1x16xf32>
        tpu.vector_store %arg12[%parallel_loop3A_351, %parallel_loop3A_352], %parallel_loop3A_355 {strides = array<i32>} : memref<128x128xf32, #tpu.memory_space<vmem>>, vector<1x16xf32>,
        %parallel_loop3A_356 = arith.index_cast %parallel_loop3A_247 : i32 to index
        %parallel_loop3A_357 = arith.constant 96 : index
        %parallel_loop3A_358 = tpu.vector_load %arg12[%parallel_loop3A_356, %parallel_loop3A_357] {strides = array<i32>} : memref<128x128xf32, #tpu.memory_space<vmem>>, vector<1x16xf32>,
        %parallel_loop3A_359 = vector.shape_cast %parallel_loop3A_358 : vector<1x16xf32> to vector<16xf32>
        %parallel_loop3A_360 = arith.constant 11.3137083 : f32
        %parallel_loop3A_361 = vector.broadcast %parallel_loop3A_360 : f32 to vector<16xf32>
        %parallel_loop3A_362 = arith.mulf %parallel_loop3A_359, %parallel_loop3A_361 : vector<16xf32>
        %parallel_loop3A_363 = arith.index_cast %parallel_loop3A_253 : i32 to index
        %parallel_loop3A_364 = arith.constant 96 : index
        %parallel_loop3A_365 = tpu.vector_load %arg7[%parallel_loop3A_363, %parallel_loop3A_364] {strides = array<i32>} : memref<200x128xf32, #tpu.memory_space<vmem>>, vector<1x16xf32>,
        %parallel_loop3A_366 = vector.shape_cast %parallel_loop3A_365 : vector<1x16xf32> to vector<16xf32>
        %parallel_loop3A_367 = arith.addf %parallel_loop3A_362, %parallel_loop3A_366 : vector<16xf32>
        %parallel_loop3A_368 = arith.index_cast %parallel_loop3A_247 : i32 to index
        %parallel_loop3A_369 = arith.constant 96 : index
        %parallel_loop3A_370 = tpu.vector_load %arg12[%parallel_loop3A_368, %parallel_loop3A_369] {strides = array<i32>} : memref<128x128xf32, #tpu.memory_space<vmem>>, vector<1x16xf32>,
        %parallel_loop3A_371 = vector.shape_cast %parallel_loop3A_370 : vector<1x16xf32> to vector<16xf32>
        %parallel_loop3A_372 = vector.shape_cast %parallel_loop3A_367 : vector<16xf32> to vector<1x16xf32>
        tpu.vector_store %arg12[%parallel_loop3A_368, %parallel_loop3A_369], %parallel_loop3A_372 {strides = array<i32>} : memref<128x128xf32, #tpu.memory_space<vmem>>, vector<1x16xf32>,
        %parallel_loop3A_373 = arith.index_cast %parallel_loop3A_247 : i32 to index
        %parallel_loop3A_374 = arith.constant 112 : index
        %parallel_loop3A_375 = tpu.vector_load %arg12[%parallel_loop3A_373, %parallel_loop3A_374] {strides = array<i32>} : memref<128x128xf32, #tpu.memory_space<vmem>>, vector<1x16xf32>,
        %parallel_loop3A_376 = vector.shape_cast %parallel_loop3A_375 : vector<1x16xf32> to vector<16xf32>
        %parallel_loop3A_377 = arith.constant 11.3137083 : f32
        %parallel_loop3A_378 = vector.broadcast %parallel_loop3A_377 : f32 to vector<16xf32>
        %parallel_loop3A_379 = arith.mulf %parallel_loop3A_376, %parallel_loop3A_378 : vector<16xf32>
        %parallel_loop3A_380 = arith.index_cast %parallel_loop3A_253 : i32 to index
        %parallel_loop3A_381 = arith.constant 112 : index
        %parallel_loop3A_382 = tpu.vector_load %arg7[%parallel_loop3A_380, %parallel_loop3A_381] {strides = array<i32>} : memref<200x128xf32, #tpu.memory_space<vmem>>, vector<1x16xf32>,
        %parallel_loop3A_383 = vector.shape_cast %parallel_loop3A_382 : vector<1x16xf32> to vector<16xf32>
        %parallel_loop3A_384 = arith.addf %parallel_loop3A_379, %parallel_loop3A_383 : vector<16xf32>
        %parallel_loop3A_385 = arith.index_cast %parallel_loop3A_247 : i32 to index
        %parallel_loop3A_386 = arith.constant 112 : index
        %parallel_loop3A_387 = tpu.vector_load %arg12[%parallel_loop3A_385, %parallel_loop3A_386] {strides = array<i32>} : memref<128x128xf32, #tpu.memory_space<vmem>>, vector<1x16xf32>,
        %parallel_loop3A_388 = vector.shape_cast %parallel_loop3A_387 : vector<1x16xf32> to vector<16xf32>
        %parallel_loop3A_389 = vector.shape_cast %parallel_loop3A_384 : vector<16xf32> to vector<1x16xf32>
        tpu.vector_store %arg12[%parallel_loop3A_385, %parallel_loop3A_386], %parallel_loop3A_389 {strides = array<i32>} : memref<128x128xf32, #tpu.memory_space<vmem>>, vector<1x16xf32>,
      } {sc.loop_unroll_factor = 4 : i64, sc.parallel_access}
      %mul3A_240 = arith.constant 128 : i32
      %mul3A_241 = arith.muli %add3A_216, %mul3A_240 : i32
      %add3A_242 = arith.addi %mul3A_2, %mul3A_241 : i32
      %dma_start3A_243 = arith.constant 0 : i32
      %dma_start3A_244 = tpu.memref_slice %arg5[%add3A_242, %dma_start3A_243] : memref<204800x128xf32, #tpu.memory_space<hbm>> -> memref<128x128xf32, #tpu.memory_space<hbm>>
      %dma_start3A_245 = arith.constant 0 : i32
      %dma_start3A_246 = tpu.memref_slice %arg5[%add3A_242, %dma_start3A_245] : memref<204800x128xf32, #tpu.memory_space<hbm>> -> memref<128x128xf32, #tpu.memory_space<hbm>>
      tpu.enqueue_dma source(%arg12 : memref<128x128xf32, #tpu.memory_space<vmem>>) target(%dma_start3A_246 : memref<128x128xf32, #tpu.memory_space<hbm>>) target_semaphore(%arg22 : memref<!tpu.dma_semaphore, #tpu.memory_space<semaphore_mem>>)
    }
    %scan3A_52 = arith.constant 10 : i32
    %add3A_53 = arith.constant 5760 : i32
    %add3A_54 = arith.addi %mul3A_2, %add3A_53 : i32
    %dma_wait3A_55 = arith.constant 0 : i32
    %dma_wait3A_56 = tpu.memref_slice %arg5[%add3A_54, %dma_wait3A_55] : memref<204800x128xf32, #tpu.memory_space<hbm>> -> memref<128x128xf32, #tpu.memory_space<hbm>>
    %dma_wait3A_57 = arith.constant 0 : i32
    %dma_wait3A_58 = tpu.memref_slice %arg5[%add3A_54, %dma_wait3A_57] : memref<204800x128xf32, #tpu.memory_space<hbm>> -> memref<128x128xf32, #tpu.memory_space<hbm>>
    tpu.wait_dma2 semaphore(%arg18 : memref<!tpu.dma_semaphore, #tpu.memory_space<semaphore_mem>>) src(%arg8 : memref<128x128xf32, #tpu.memory_space<vmem>>) dst(%dma_wait3A_58 : memref<128x128xf32, #tpu.memory_space<hbm>>)
    %add3A_59 = arith.constant 5888 : i32
    %add3A_60 = arith.addi %mul3A_2, %add3A_59 : i32
    %dma_wait3A_61 = arith.constant 0 : i32
    %dma_wait3A_62 = tpu.memref_slice %arg5[%add3A_60, %dma_wait3A_61] : memref<204800x128xf32, #tpu.memory_space<hbm>> -> memref<128x128xf32, #tpu.memory_space<hbm>>
    %dma_wait3A_63 = arith.constant 0 : i32
    %dma_wait3A_64 = tpu.memref_slice %arg5[%add3A_60, %dma_wait3A_63] : memref<204800x128xf32, #tpu.memory_space<hbm>> -> memref<128x128xf32, #tpu.memory_space<hbm>>
    tpu.wait_dma2 semaphore(%arg19 : memref<!tpu.dma_semaphore, #tpu.memory_space<semaphore_mem>>) src(%arg9 : memref<128x128xf32, #tpu.memory_space<vmem>>) dst(%dma_wait3A_64 : memref<128x128xf32, #tpu.memory_space<hbm>>)
    %add3A_65 = arith.constant 6016 : i32
    %add3A_66 = arith.addi %mul3A_2, %add3A_65 : i32
    %dma_wait3A_67 = arith.constant 0 : i32
    %dma_wait3A_68 = tpu.memref_slice %arg5[%add3A_66, %dma_wait3A_67] : memref<204800x128xf32, #tpu.memory_space<hbm>> -> memref<128x128xf32, #tpu.memory_space<hbm>>
    %dma_wait3A_69 = arith.constant 0 : i32
    %dma_wait3A_70 = tpu.memref_slice %arg5[%add3A_66, %dma_wait3A_69] : memref<204800x128xf32, #tpu.memory_space<hbm>> -> memref<128x128xf32, #tpu.memory_space<hbm>>
    tpu.wait_dma2 semaphore(%arg20 : memref<!tpu.dma_semaphore, #tpu.memory_space<semaphore_mem>>) src(%arg10 : memref<128x128xf32, #tpu.memory_space<vmem>>) dst(%dma_wait3A_70 : memref<128x128xf32, #tpu.memory_space<hbm>>)
    %add3A_71 = arith.constant 6144 : i32
    %add3A_72 = arith.addi %mul3A_2, %add3A_71 : i32
    %dma_wait3A_73 = arith.constant 0 : i32
    %dma_wait3A_74 = tpu.memref_slice %arg5[%add3A_72, %dma_wait3A_73] : memref<204800x128xf32, #tpu.memory_space<hbm>> -> memref<128x128xf32, #tpu.memory_space<hbm>>
    %dma_wait3A_75 = arith.constant 0 : i32
    %dma_wait3A_76 = tpu.memref_slice %arg5[%add3A_72, %dma_wait3A_75] : memref<204800x128xf32, #tpu.memory_space<hbm>> -> memref<128x128xf32, #tpu.memory_space<hbm>>
    tpu.wait_dma2 semaphore(%arg21 : memref<!tpu.dma_semaphore, #tpu.memory_space<semaphore_mem>>) src(%arg11 : memref<128x128xf32, #tpu.memory_space<vmem>>) dst(%dma_wait3A_76 : memref<128x128xf32, #tpu.memory_space<hbm>>)
    %add3A_77 = arith.constant 6272 : i32
    %add3A_78 = arith.addi %mul3A_2, %add3A_77 : i32
    %dma_wait3A_79 = arith.constant 0 : i32
    %dma_wait3A_80 = tpu.memref_slice %arg5[%add3A_78, %dma_wait3A_79] : memref<204800x128xf32, #tpu.memory_space<hbm>> -> memref<128x128xf32, #tpu.memory_space<hbm>>
    %dma_wait3A_81 = arith.constant 0 : i32
    %dma_wait3A_82 = tpu.memref_slice %arg5[%add3A_78, %dma_wait3A_81] : memref<204800x128xf32, #tpu.memory_space<hbm>> -> memref<128x128xf32, #tpu.memory_space<hbm>>
    tpu.wait_dma2 semaphore(%arg22 : memref<!tpu.dma_semaphore, #tpu.memory_space<semaphore_mem>>) src(%arg12 : memref<128x128xf32, #tpu.memory_space<vmem>>) dst(%dma_wait3A_82 : memref<128x128xf32, #tpu.memory_space<hbm>>)
    return
  }
}

</mosaic_0001>

<sc_bundles>
// kernel: kernel.3.cloned.1.call-start
scs
__scs_entry_jumppad:
0x0: {  	(pc) =	sbr.rel $0x88, $3  }
0x1: {  	(tag) =	ssettag $0x0;
	lr =	simm.s32 $0x1  }
0x2: {  	[smem:$0x3F9E] =	sst lr;
	_ =	strace $0xD0000000  }
0x3: {  	_ = 	snop  }
0x4: {  	_ = 	snop  }
0x5: {  	_ = 	snop  }
0x6: {  	_ = 	snop  }
0x7: {  	_ = 	snop  }
__scs_overlays_trampoline_lowered:
0x8: {  	[smem:$0x3FAD] =	sst s0  }
0x9: {  	[smem:$0x3FAE] =	sst s1  }
0xa: {  	[smem:$0x3FAF] =	sst s2  }
0xb: {  	[smem:$0x3FB0] =	sst s3  }
0xc: {  	[smem:$0x3FB1] =	sst s4  }
0xd: {  	[smem:$0x3FB2] =	sst s5  }
0xe: {  	[smem:$0x3FB3] =	sst s6  }
0xf: {  	[smem:$0x3FB4] =	sst s7  }
0x10: {  	[smem:$0x3FB5] =	sst s8  }
0x11: {  	[smem:$0x3FB6] =	sst s9;
	s0 =	simm.s32 @!p0 $0x0  }
0x12: {  	s1 =	sld [smem:$0x3F9C];
	s0 =	simm.s32 @p0 $0x1  }
0x13: {  	[smem:$0x3FB7] =	sst s0;
	s0 =	simm.s32 @!p1 $0x0  }
0x14: {  	s2 =	sld [smem:$0x3F9B];
	s0 =	simm.s32 @p1 $0x1  }
0x15: {  	[smem:$0x3FB8] =	sst s0;
	s0 =	simm.s32 @!p2 $0x0  }
0x16: {  	s3 =	sld [smem:$0x3FDB];
	s0 =	simm.s32 @p2 $0x1  }
0x17: {  	s4 =	simm.s32 $0x1BF5;
	[smem:$0x3FBA] =	sst s0  }
0x18: {  	s0 =	sld [smem:$0x3F9D];
	_ =	swait.ge [sflag:s4], $0x0  }
0x19: {  	s7 =	sld [smem:$0x3F9E]  }
0x1a: {  	s8 =	sadd.s32 $0xFFFFE003, lr  }
0x1b: {  	s9 =	sadd.s32 $0xFFFFFEF7, lr;
	s5 =	simm.s32 $0xFFFFFFFF;
	p2 =	slt.u32 s8, $0xFFFFF086  }
0x1c: {  	p1 =	slt.u32 s9, $0xF7A;
	s5 =	simm.s32 @!p2 $0x0  }
0x1d: {  	s5 =	simm.s32 @p1 $0x1;
	p0 =	seq.s32 s7, s2  }
0x1e: {  	s7 =	smul.u32 @!p0 $0xF7A, s2;
	p2 =	seq.s32 @!p0 s5, $0x0  }
0x1f: {  	s9 =	smul.u32 $0xF7A, s1;
	s8 =	simm.s32 @!p0 $0x1BF5;
	p2 =	por !p2, p0  }
0x20: {  	[sflag:s8] =	ssyncset.s32 @!p0 $0xFFFFF086;
	s6 =	sadd.s32 @!p0 s3, s7;
	s7 =	simm.s32 @!p0 $0x108  }
0x21: {  	s3 =	sadd.s32 s3, s9;
	s6 =	sadd.s32 @!p0 $0x88, s6;
	s7 =	simm.s32 @p2 $0x1082  }
0x22: {  	[simem:s7], [sflag:s8] =	dma.local @!p0 [hbm:s6], $0xF7A  }
0x23: {  	s9 =	sor.u32 $0xD0000000, s2;
	s6 =	simm.s32 $0x108;
	_ =	swait.ge @!p0 [sflag:s8], $0x0  }
0x24: {  	s3 =	sadd.s32 $0x88, s3;
	s6 =	simm.s32 @!p1 $0x1082;
	[sflag:s4] =	ssyncset.s32 $0xFFFFF086  }
0x25: {  	[simem:s6], [sflag:s4] =	dma.local [hbm:s3], $0xF7A  }
0x26: {  	[smem:$0x3F9E] =	sst s1;
	(tag) =	ssettag s2;
	_ =	strace s9  }
0x27: {  	s1 =	sld [smem:$0x3FAE]  }
0x28: {  	s2 =	sld [smem:$0x3FAF]  }
0x29: {  	s4 =	sld [smem:$0x3FB1]  }
0x2a: {  	p0 =	seq.s32 s5, $0x0;
	s5 =	sld [smem:$0x3FB2]  }
0x2b: {  	s6 =	sld [smem:$0x3FB3]  }
0x2c: {  	s7 =	sld [smem:$0x3FB4]  }
0x2d: {  	s3 =	simm.s32 $0x108;
	s8 =	sld [smem:$0x3FB5]  }
0x2e: {  	s3 =	simm.s32 @!p0 $0x1082;
	s9 =	sld [smem:$0x3FB6]  }
0x2f: {  	lr =	sadd.s32 s0, s3;
	s0 =	sld [smem:$0x3FAD]  }
0x30: {  	s3 =	sld [smem:$0x3FB0]  }
0x31: {  	[smem:$0x3FB9] =	sst s10  }
0x32: {  	s10 =	sld [smem:$0x3FB7];
	_ =	sdelay $0x3  }
0x33: {  	p0 =	seq.s32 s10, $0x1;
	s10 =	sld [smem:$0x3FB9];
	_ =	sdelay $0x3  }
0x34: {  	[smem:$0x3FB9] =	sst s10  }
0x35: {  	s10 =	sld [smem:$0x3FB8];
	_ =	sdelay $0x3  }
0x36: {  	p1 =	seq.s32 s10, $0x1;
	s10 =	sld [smem:$0x3FB9];
	_ =	sdelay $0x3  }
0x37: {  	[smem:$0x3FB9] =	sst s10  }
0x38: {  	s10 =	sld [smem:$0x3FBA]  }
0x39: {  	_ = 	snop;
	(pc) =	sbr.ind lr, $3  }
0x3a: {  	_ = 	snop  }
0x3b: {  	_ = 	snop  }
0x3c: {  	p2 =	seq.s32 s10, $0x1;
	s10 =	sld [smem:$0x3FB9]  }
0x3d: {  	_ =	shalt  }
0x3e: {  	_ =	shalt  }
0x3f: {  	_ =	shalt  }
0x40: {  	_ =	shalt  }
0x41: {  	_ =	shalt  }
0x42: {  	_ =	shalt  }
0x43: {  	_ =	shalt  }
0x44: {  	_ =	shalt  }
0x45: {  	_ =	shalt  }
0x46: {  	_ =	shalt  }
0x47: {  	_ =	shalt  }
0x48: {  	_ =	shalt  }
0x49: {  	_ =	shalt  }
0x4a: {  	_ =	shalt  }
0x4b: {  	_ =	shalt  }
0x4c: {  	_ =	shalt  }
0x4d: {  	_ =	shalt  }
0x4e: {  	_ =	shalt  }
0x4f: {  	_ =	shalt  }
0x50: {  	_ =	shalt  }
0x51: {  	_ =	shalt  }
0x52: {  	_ =	shalt  }
0x53: {  	_ =	shalt  }
0x54: {  	_ =	shalt  }
0x55: {  	_ =	shalt  }
0x56: {  	_ =	shalt  }
0x57: {  	_ =	shalt  }
0x58: {  	_ =	shalt  }
0x59: {  	_ =	shalt  }
0x5a: {  	_ =	shalt  }
0x5b: {  	_ =	shalt  }
0x5c: {  	_ =	shalt  }
0x5d: {  	_ =	shalt  }
0x5e: {  	_ =	shalt  }
0x5f: {  	_ =	shalt  }
0x60: {  	_ =	shalt  }
0x61: {  	_ =	shalt  }
0x62: {  	_ =	shalt  }
0x63: {  	_ =	shalt  }
0x64: {  	_ =	shalt  }
0x65: {  	_ =	shalt  }
0x66: {  	_ =	shalt  }
0x67: {  	_ =	shalt  }
0x68: {  	_ =	shalt  }
0x69: {  	_ =	shalt  }
0x6a: {  	_ =	shalt  }
0x6b: {  	_ =	shalt  }
0x6c: {  	_ =	shalt  }
0x6d: {  	_ =	shalt  }
0x6e: {  	_ =	shalt  }
0x6f: {  	_ =	shalt  }
0x70: {  	_ =	shalt  }
0x71: {  	_ =	shalt  }
0x72: {  	_ =	shalt  }
0x73: {  	_ =	shalt  }
0x74: {  	_ =	shalt  }
0x75: {  	_ =	shalt  }
0x76: {  	_ =	shalt  }
0x77: {  	_ =	shalt  }
0x78: {  	_ =	shalt  }
0x79: {  	_ =	shalt  }
0x7a: {  	_ =	shalt  }
0x7b: {  	_ =	shalt  }
0x7c: {  	_ =	shalt  }
0x7d: {  	_ =	shalt  }
0x7e: {  	_ =	shalt  }
0x7f: {  	_ =	shalt  }
0x80: {  	_ =	shalt  }
0x81: {  	_ =	shalt  }
0x82: {  	_ =	shalt  }
0x83: {  	_ =	shalt  }
0x84: {  	_ =	shalt  }
0x85: {  	_ =	shalt  }
0x86: {  	_ =	shalt  }
0x87: {  	_ =	shalt  }
.Lfunc_end0:
.L_simem_size_0:
called_computation_lowered:
.L_overlay_start_0:
0x88: {  	s2 =	sld [smem:$0x3FD9]  }
0x89: {  	s3 =	sld [smem:$0x3FFE];
	_ =	sdelay $0x1  }
0x8a: {  	s1 =	srdreg.scid  }
0x8b: {  	s0 =	sand.u32 $0x1, s1  }
0x8c: {  	s17 =	sshll.u32 s0, $0xA;
	s2 =	sadd.s32 s3, s2  }
0x8d: {  	s2 =	sadd.s32 s2, s17  }
0x8e: {  	[smem:$0x3FC5] =	sst s2  }
0x8f: {  	_ = 	snop  }
0x90: {  	s2 =	sld [smem:$0x3FC8]  }
0x91: {  	s18 =	sld [smem:$0x3FC7]  }
0x92: {  	s4 =	sld [smem:$0x3FD0];
	(tm) =	ssettm $0x1  }
0x93: {  	s5 =	sld [smem:$0x3FFB];
	_ =	sdelay $0x3  }
0x94: {  	_ =	strace s5  }
0x95: {  	s5 =	sld [smem:$0x3FFC];
	_ =	sdelay $0x3  }
0x96: {  	_ =	strace s5  }
0x97: {  	s5 =	sld [smem:$0x3FFD];
	_ =	sdelay $0x3  }
0x98: {  	_ =	strace s5  }
0x99: {  	_ =	strace $0x8FFFFFFF  }
0x9a: {  	s19 =	sld [smem:$0x3FDB];
	_ =	sdelay $0x1  }
0x9b: {  	s6 =	simm.s32 $_scs_section_size  }
0x9c: {  	s7 =	simm.s32 $_size__tile_overlayer_lowered;
	s8 =	simm.s32 $_tile_overlayer_lowered  }
0x9d: {  	s22 =	simm.s32 $0x1BFF;
	s21 =	sshll.u32 s8, $0x1;
	s5 =	sadd.s32 s6, s19  }
0x9e: {  	s9 =	simm.s32 $0x0;
	s20 =	sshll.u32 s7, $0x1;
	s7 =	sadd.s32 s21, s5  }
0x9f: {  	[timem:s9], [sflag:s22] =	dma.local [hbm:s7], s20  }
0xa0: {  	_ =	swait.ge [sflag:s22], s20  }
0xa1: {  	s6 =	ssub.s32 $0x0, s20;
	[sflag:s22] =	ssyncset.done $0x0  }
0xa2: {  	[sflag:s22] =	ssyncadd.s32 s6;
	_ =	sdelay $0x1  }
0xa3: {  	s23 =	simm.s32 $0x1B8B  }
0xa4: {  	_ =	swait.ge [sflag:s23], $0x1  }
0xa5: {  	[sflag:s23] =	ssyncset.done $0x0  }
0xa6: {  	s25 =	simm.s32 $0x1B8E;
	s24 =	sld [smem:$0x3FFE];
	[sflag:s23] =	ssyncadd.s32 $0xFFFFFFFF  }
0xa7: {  	s26 =	simm.s32 $execute0_lowered;
	[smem:$0x3FD2] =	sst s25  }
0xa8: {  	s7 =	sshll.u32 s26, $0x1;
	_ =	strace $0x80000046;
	[dreg:$0x1] =	wrdreg $0xFFFFFFFF  }
0xa9: {  	s28 =	simm.s32 $_size_execute0_lowered;
	s5 =	sadd.s32 s5, s7;
	[dreg:$0x0] =	wrdreg $0x0  }
0xaa: {  	s7 =	sshll.u32 s28, $0x1;
	[dreg:$0x2] =	wrdreg s5  }
0xab: {  	[dreg:$0x3] =	wrdreg s7  }
0xac: {  	[dreg:$0x4] =	wrdreg $0xC0  }
0xad: {  	_ =	task [dreg:s9], $0x5FFFF  }
0xae: {  	[dreg:$0x1] =	wrdreg $0xFFFFFFFF  }
0xaf: {  	[dreg:$0x0] =	wrdreg $0x60  }
0xb0: {  	[dreg:$0x2] =	wrdreg s24  }
0xb1: {  	[dreg:$0x3] =	wrdreg s2  }
0xb2: {  	[dreg:$0x4] =	wrdreg s18  }
0xb3: {  	[dreg:$0x5] =	wrdreg s4  }
0xb4: {  	[dreg:$0x6] =	wrdreg $0x9  }
0xb5: {  	_ =	task.clear_ibuf [dreg:s9], $0x7FFFF;
	_ =	strace $0x90000046  }
0xb6: {  	s29 =	simm.s32 $0x9;
	_ =	strace $0x80000048  }
0xb7: {  	_ =	swait.ge [sflag:s29], $0x1  }
0xb8: {  	[sflag:s29] =	ssyncadd.s32 $0xFFFFFFFF  }
0xb9: {  	_ =	strace $0x90000048  }
0xba: {  	_ =	sfence  }
0xbb: {  	s30 =	sld [smem:$0x0];
	_ =	sdelay $0x2  }
0xbc: {  	s31 =	sshll.u32 s1, $0xD;
	s1 =	sshrl.u32 s1, $0x2  }
0xbd: {  	s3 =	sand.u32 $0x4000, s31;
	s1 =	sadd.s32 s1, s30  }
0xbe: {  	s0 =	sor.u32 s3, s0;
	s1 =	sshll.u32 s1, $0x11  }
0xbf: {  	s0 =	sor.u32 s1, s0  }
0xc0: {  	s0 =	sadd.s32 $0x8F2B, s0  }
0xc1: {  	[sflag:s0] =	ssyncadd.remote.s32 $0x1  }
0xc2: {  	_ =	sfence.sel $0xFFFF  }
0xc3: {  	[dreg:$0x0] =	wrdreg $0xFFFFFFFF;
	(pc) =	sbr.abs _section_cstart, $3  }
0xc4: {  	[dreg:$0x1] =	wrdreg $0xFFFFFFFF  }
0xc5: {  	_ =	task.clear_ibuf [dreg:s9], $0x2FFFF;
	_ =	strace $0x9FFFFFFF  }
0xc6: {  	(tm) =	ssettm $0x7FFFFFFF  }
0xc7: {  	_ =	shalt  }
tec
execute0_lowered:
.L_overlay_start_1:
0x0: {  	(tag) =	ssettag $0x1  }
0x1: {  	s1 =	srdreg.scid;
	s2 =	stileid.u32  }
0x2: {  	s1 =	sand.u32 $0x1, s1;
	s2 =	sshll.u32 s2, $0x1  }
0x3: {  	s0 =	rddreg [dreg:$0x0];
	s2 =	sor.u32 s1, s2;
	s1 =	ssub.s32 $0x2, s1  }
0x4: {  	s30 =	rddreg [dreg:$0x1];
	s3 =	smul.u32 $0x380, s2;
	s4 =	sshrl.u32 s1, $0x1  }
0x5: {  	s21 =	rddreg [dreg:$0x3];
	s8 =	simm.s32 $0x0;
	s1 =	ssub.s32 s1, s4  }
0x6: {  	[smem:$0x7FF] =	sst s8;
	s0 =	sadd.s32 s3, s0;
	s31 =	smax.u32 s1, $0x1  }
0x7: {  	_ =	strace $0x80000047;
	s0 =	sadd.s32 $0x400, s0;
	[dreg:$0x6] =	wrdreg s31  }
0x8: {  	s26 =	smul.u32 $0x1900, s2;
	s2 =	simm.s32 $0x0;
	[dreg:$0x5] =	wrdreg s0  }
.LBB2_1:
0x9: {  	[dreg:$0x7] =	wrdreg s2  }
0xa: {  	s0 =	rddreg [dreg:$0x5];
	s20 =	simm.s32 $0xC  }
0xb: {  	[tilespmem:s8], [sflag:$0xC] =	stream.linear.gather [hbm4b:s0+s8], $0x1900, $0x38;
	[tilespmem:$0x1C000] =	vst v63  }
0xc: {  	_ =	swait.ge [sflag:s20], $0x1900  }
0xd: {  	[sflag:s20] =	ssyncset.done $0x0  }
0xe: {  	[sflag:s20] =	ssyncadd.s32 $0xFFFFE700  }
0xf: {  	s1 =	simm.s32 $0x1C00;
	s0 =	rddreg [dreg:$0x2]  }
0x10: {  	[tilespmem:s1], [sflag:$0xB] =	stream.linear.gather [hbm4b:s0+s8], $0x6400, $0x38;
	[tilespmem:$0x1C000] =	vst v63  }
0x11: {  	s29 =	simm.s32 $0x80;
	s22 =	simm.s32 $0x8000  }
0x12: {  	[tilespmem:s22], [sflag:$0x1] =	stream.indirect.gather [hbm4b:s30+s29], $0x80, s8, s29, $0xb8;
	[tilespmem:$0x1C000] =	vst v63  }
0x13: {  	s23 =	simm.s32 $0xC000  }
0x14: {  	[tilespmem:s23], [sflag:$0x2] =	stream.indirect.gather [hbm4b:s30+s29], $0x80, s29, s29, $0xb8;
	[tilespmem:$0x1C000] =	vst v63  }
0x15: {  	s6 =	simm.s32 $0x100;
	s24 =	simm.s32 $0x10000  }
0x16: {  	[tilespmem:s24], [sflag:$0x3] =	stream.indirect.gather [hbm4b:s30+s29], $0x80, s6, s29, $0xb8;
	[tilespmem:$0x1C000] =	vst v63  }
0x17: {  	s13 =	simm.s32 $0x180;
	s25 =	simm.s32 $0x14000;
	s14 =	simm.s32 $0x200  }
0x18: {  	[tilespmem:s25], [sflag:$0x4] =	stream.indirect.gather [hbm4b:s30+s29], $0x80, s13, s29, $0xb8;
	[tilespmem:$0x1C000] =	vst v63  }
0x19: {  	s28 =	simm.s32 $0x18000;
	s31 =	simm.s32 $0xB;
	s3 =	simm.s32 $0x8180  }
0x1a: {  	[tilespmem:s28], [sflag:$0x5] =	stream.indirect.gather [hbm4b:s30+s29], $0x80, s14, s29, $0xb8;
	[tilespmem:$0x1C000] =	vst v63  }
0x1b: {  	s10 =	simm.s32 $0xC180;
	s7 =	simm.s32 $0x10180;
	_ =	swait.ge [sflag:s31], $0x6400  }
0x1c: {  	s12 =	simm.s32 $0x0;
	s9 =	simm.s32 $0x0;
	[sflag:s31] =	ssyncset.done $0x0  }
0x1d: {  	s16 =	simm.s32 $0x0;
	s0 =	simm.s32 $0x4180;
	[sflag:s31] =	ssyncadd.s32 $0xFFFF9C00  }
.LBB2_2:
0x1e: {  	s2 =	smov.u32 s26;
	s1 =	smulhi.u32 $0x51EB851F, s9  }
0x1f: {  	s8 =	smov.u32 s21;
	s4 =	simm.s32 $0x1;
	s28 =	smul.u32 $0x5, s16  }
0x20: {  	p0 =	seq.s32 s16, $0x0;
	s31 =	smov.u32 s30;
	_ =	swait.ge [sflag:s4], $0x4000  }
0x21: {  	s1 =	sshrl.u32 s1, $0x6;
	[sflag:s4] =	ssyncset.done $0x0;
	s11 =	sadd.s32 $0x3, s28  }
0x22: {  	[sflag:s4] =	ssyncadd.s32 $0xFFFFC000;
	s4 =	simm.s32 @!p0 $0x9;
	s5 =	smul.u32 $0xC8, s1  }
0x23: {  	s1 =	smul.u32 $0x6400, s1;
	_ =	swait.ge @!p0 [sflag:s4], $0x4000;
	[dreg:$0xc] =	wrdreg s11  }
0x24: {  	s18 =	simm.s32 $0x8100;
	[dreg:$0xb] =	wrdreg s12;
	[sflag:s4] =	ssyncset.done @!p0 $0x0  }
0x25: {  	s17 =	ssub.s32 s9, s5;
	s5 =	simm.s32 @!p0 $0x80;
	s20 =	ssub.s32 s12, s1  }
0x26: {  	[sflag:s4] =	ssyncadd.s32 @!p0 $0xFFFFC000;
	s4 =	sshll.u32 @!p0 s11, $0x7;
	s23 =	sadd.s32 $0xFFFFFFFC, s17  }
0x27: {  	s11 =	simm.s32 @!p0 $0x14000;
	s4 =	sand.u32 @!p0 $0x3FFFFF80, s4;
	s24 =	sadd.s32 $0x7, s23  }
0x28: {  	[tilespmem:s11], [sflag:$0x4] =	stream.indirect.gather @!p0 [hbm4b:s30+s5], $0x80, s4, s5, $0xb8;
	[tilespmem:$0x1C000] =	vst v63  }
0x29: {  	s19 =	smov.u32 s20;
	p1 =	sgt.u32 s24, $0xC7;
	s5 =	simm.s32 $0xFFFF9D80;
	v0 =	vld [tilespmem:s18+$0x80]  }
0x2a: {  	s25 =	sadd.s32 $0x5, s23;
	s26 =	sadd.s32 $0x6, s23;
	s5 =	simm.s32 @!p1 $0x180;
	v1 =	vld [tilespmem:s18+$0xFFFFFF00]  }
0x2b: {  	s11 =	simm.s32 $0xFFFF9C80;
	p1 =	sgt.u32 s25, $0xC7;
	v3 =	vld [tilespmem:s18+$0xFFFFFF80];
	s1 =	sadd.s32 s5, s20  }
0x2c: {  	p2 =	sgt.u32 s26, $0xC7;
	s11 =	simm.s32 @!p1 $0x80;
	s5 =	simm.s32 $0xFFFF9D00;
	v2 =	vld [tilespmem:s1+$0x1C00]  }
0x2d: {  	s30 =	sadd.s32 $0x4, s23;
	v4 =	vld [tilespmem:s18+$0x0];
	s5 =	simm.s32 @!p2 $0x100;
	s4 =	sadd.s32 s11, s20  }
0x2e: {  	p1 =	sgt.u32 s30, $0xC7;
	s11 =	sadd.s32 $0xFFFF9C00, s20;
	s21 =	sadd.s32 s5, s20;
	v5 =	vld [tilespmem:s4+$0x1C00]  }
0x2f: {  	s19 =	smov.u32 @p1 s11;
	v6 =	vld [tilespmem:s21+$0x1C00];
	v0 =	vmul.f32 $1.131370830e+01, v0  }
0x30: {  	v7 =	vld [tilespmem:s19+$0x1C00]  }
0x31: {  	v8 =	vld [tilespmem:s18+$0xFFFFFF10];
	v0 =	vadd.f32 v2, v0;
	v2 =	vmul.f32 $1.131370830e+01, v3  }
0x32: {  	v4 =	vmul.f32 $1.131370830e+01, v4;
	v3 =	vld [tilespmem:s18+$0x90]  }
0x33: {  	[tilespmem:s18+$0x80] =	vst v0;
	v0 =	vmul.f32 $1.131370830e+01, v1;
	v1 =	vadd.f32 v5, v2;
	v5 =	vld [tilespmem:s18+$0xFFFFFF90]  }
0x34: {  	v4 =	vadd.f32 v6, v4;
	v2 =	vld [tilespmem:s1+$0x1C10]  }
0x35: {  	v0 =	vadd.f32 v7, v0;
	[tilespmem:s18+$0xFFFFFF80] =	vst v1;
	v1 =	vld [tilespmem:s18+$0x10]  }
0x36: {  	[tilespmem:s18+$0x0] =	vst v4;
	v6 =	vld [tilespmem:s4+$0x1C10]  }
0x37: {  	v3 =	vmul.f32 $1.131370830e+01, v3;
	[tilespmem:s18+$0xFFFFFF00] =	vst v0;
	v0 =	vld [tilespmem:s21+$0x1C10]  }
0x38: {  	v4 =	vld [tilespmem:s19+$0x1C10]  }
0x39: {  	v7 =	vld [tilespmem:s18+$0xFFFFFF20];
	v2 =	vadd.f32 v2, v3;
	v3 =	vmul.f32 $1.131370830e+01, v5  }
0x3a: {  	v5 =	vld [tilespmem:s18+$0xA0];
	v1 =	vmul.f32 $1.131370830e+01, v1  }
0x3b: {  	[tilespmem:s18+$0x90] =	vst v2;
	v2 =	vmul.f32 $1.131370830e+01, v8;
	v3 =	vadd.f32 v6, v3;
	v8 =	vld [tilespmem:s18+$0xFFFFFFA0]  }
0x3c: {  	v6 =	vld [tilespmem:s1+$0x1C20];
	v0 =	vadd.f32 v0, v1  }
0x3d: {  	v1 =	vadd.f32 v4, v2;
	[tilespmem:s18+$0xFFFFFF90] =	vst v3;
	v2 =	vld [tilespmem:s18+$0x20]  }
0x3e: {  	v3 =	vld [tilespmem:s4+$0x1C20];
	[tilespmem:s18+$0x10] =	vst v0  }
0x3f: {  	v0 =	vmul.f32 $1.131370830e+01, v5;
	[tilespmem:s18+$0xFFFFFF10] =	vst v1;
	v1 =	vld [tilespmem:s21+$0x1C20]  }
0x40: {  	v4 =	vld [tilespmem:s19+$0x1C20]  }
0x41: {  	v5 =	vmul.f32 $1.131370830e+01, v8;
	v8 =	vld [tilespmem:s18+$0xFFFFFF30];
	v0 =	vadd.f32 v6, v0  }
0x42: {  	v6 =	vld [tilespmem:s18+$0xB0];
	v2 =	vmul.f32 $1.131370830e+01, v2  }
0x43: {  	[tilespmem:s18+$0xA0] =	vst v0;
	v0 =	vmul.f32 $1.131370830e+01, v7;
	v3 =	vadd.f32 v3, v5;
	v7 =	vld [tilespmem:s18+$0xFFFFFFB0]  }
0x44: {  	v5 =	vld [tilespmem:s1+$0x1C30];
	v1 =	vadd.f32 v1, v2  }
0x45: {  	v2 =	vld [tilespmem:s18+$0x30];
	v0 =	vadd.f32 v4, v0;
	[tilespmem:s18+$0xFFFFFFA0] =	vst v3  }
0x46: {  	v3 =	vld [tilespmem:s4+$0x1C30];
	[tilespmem:s18+$0x20] =	vst v1  }
0x47: {  	v1 =	vmul.f32 $1.131370830e+01, v6;
	[tilespmem:s18+$0xFFFFFF20] =	vst v0;
	v0 =	vld [tilespmem:s21+$0x1C30]  }
0x48: {  	v4 =	vld [tilespmem:s19+$0x1C30]  }
0x49: {  	v6 =	vld [tilespmem:s18+$0xC0];
	v1 =	vadd.f32 v5, v1;
	v5 =	vmul.f32 $1.131370830e+01, v7  }
0x4a: {  	v7 =	vld [tilespmem:s18+$0xFFFFFF40];
	v2 =	vmul.f32 $1.131370830e+01, v2  }
0x4b: {  	[tilespmem:s18+$0xB0] =	vst v1;
	v1 =	vmul.f32 $1.131370830e+01, v8;
	v3 =	vadd.f32 v3, v5;
	v8 =	vld [tilespmem:s18+$0xFFFFFFC0]  }
0x4c: {  	v5 =	vld [tilespmem:s1+$0x1C40];
	v0 =	vadd.f32 v0, v2  }
0x4d: {  	v2 =	vld [tilespmem:s18+$0x40];
	v1 =	vadd.f32 v4, v1;
	[tilespmem:s18+$0xFFFFFFB0] =	vst v3  }
0x4e: {  	v3 =	vld [tilespmem:s4+$0x1C40];
	[tilespmem:s18+$0x30] =	vst v0  }
0x4f: {  	v0 =	vmul.f32 $1.131370830e+01, v6;
	[tilespmem:s18+$0xFFFFFF30] =	vst v1;
	v1 =	vld [tilespmem:s21+$0x1C40]  }
0x50: {  	v4 =	vld [tilespmem:s19+$0x1C40]  }
0x51: {  	v0 =	vadd.f32 v5, v0;
	v5 =	vmul.f32 $1.131370830e+01, v8  }
0x52: {  	v6 =	vld [tilespmem:s18+$0xD0];
	v2 =	vmul.f32 $1.131370830e+01, v2  }
0x53: {  	[tilespmem:s18+$0xC0] =	vst v0;
	v0 =	vmul.f32 $1.131370830e+01, v7;
	v3 =	vadd.f32 v3, v5;
	v7 =	vld [tilespmem:s18+$0xFFFFFFD0]  }
0x54: {  	v5 =	vld [tilespmem:s1+$0x1C50];
	v1 =	vadd.f32 v1, v2  }
0x55: {  	v2 =	vld [tilespmem:s18+$0x50];
	v0 =	vadd.f32 v4, v0;
	[tilespmem:s18+$0xFFFFFFC0] =	vst v3  }
0x56: {  	v3 =	vld [tilespmem:s4+$0x1C50];
	[tilespmem:s18+$0x40] =	vst v1  }
0x57: {  	v8 =	vld [tilespmem:s18+$0xFFFFFF50];
	v1 =	vmul.f32 $1.131370830e+01, v6;
	[tilespmem:s18+$0xFFFFFF40] =	vst v0  }
0x58: {  	v0 =	vld [tilespmem:s21+$0x1C50];
	[dreg:$0xa] =	wrdreg s14  }
0x59: {  	s15 =	smulhi.u32 $0x51EB851F, s13;
	v4 =	vld [tilespmem:s19+$0x1C50];
	v1 =	vadd.f32 v5, v1;
	v5 =	vmul.f32 $1.131370830e+01, v7  }
0x5a: {  	s26 =	smulhi.u32 $0x51EB851F, s29;
	v6 =	vld [tilespmem:s18+$0xE0];
	[dreg:$0x9] =	wrdreg s13  }
0x5b: {  	s24 =	sshrl.u32 s15, $0x6;
	s25 =	smulhi.u32 $0x51EB851F, s6;
	v2 =	vmul.f32 $1.131370830e+01, v2;
	v7 =	vld [tilespmem:s18+$0xFFFFFF60];
	[tilespmem:s18+$0xD0] =	vst v1;
	v3 =	vadd.f32 v3, v5  }
0x5c: {  	s11 =	smul.u32 $0xC8, s24;
	v1 =	vmul.f32 $1.131370830e+01, v8;
	v5 =	vld [tilespmem:s1+$0x1C60]  }
0x5d: {  	s30 =	sshrl.u32 s25, $0x6;
	s24 =	smul.u32 $0xFFFF9C00, s24;
	v8 =	vld [tilespmem:s18+$0xFFFFFFE0];
	v0 =	vadd.f32 v0, v2;
	[tilespmem:s18+$0xFFFFFFD0] =	vst v3  }
0x5e: {  	s25 =	ssub.s32 s9, s11;
	s11 =	smul.u32 $0xFFFF9C00, s30;
	v2 =	vld [tilespmem:s18+$0x60];
	v1 =	vadd.f32 v4, v1;
	[dreg:$0x8] =	wrdreg s6  }
0x5f: {  	s14 =	smulhi.u32 $0x51EB851F, s14;
	v3 =	vld [tilespmem:s4+$0x1C60];
	[tilespmem:s18+$0x50] =	vst v0;
	v0 =	vmul.f32 $1.131370830e+01, v6  }
0x60: {  	s15 =	sshrl.u32 s26, $0x6;
	s13 =	smul.u32 $0xC8, s30;
	[tilespmem:s18+$0xFFFFFF50] =	vst v1;
	v4 =	vld [tilespmem:s21+$0x1C60]  }
0x61: {  	s5 =	sshrl.u32 s14, $0x6;
	s14 =	smul.u32 $0xC8, s15;
	v9 =	vld [tilespmem:s19+$0x1C60];
	v5 =	vadd.f32 v5, v0  }
0x62: {  	s15 =	smul.u32 $0xFFFF9C00, s15;
	v6 =	vmul.f32 $1.131370830e+01, v8;
	v1 =	vld [tilespmem:s18+$0xF0]  }
0x63: {  	s23 =	smul.u32 $0xC8, s5;
	v0 =	vld [tilespmem:s18+$0xFFFFFF70];
	[tilespmem:s18+$0xE0] =	vst v5  }
0x64: {  	s22 =	smul.u32 $0xFFFF9C00, s5;
	v5 =	vmul.f32 $1.131370830e+01, v7;
	v7 =	vmul.f32 $1.131370830e+01, v2;
	v8 =	vadd.f32 v3, v6;
	v2 =	vld [tilespmem:s1+$0x1C70]  }
0x65: {  	s12 =	ssub.s32 s9, s13;
	s13 =	smul.u32 $0x280, s16;
	s5 =	simm.s32 $0x8100;
	v3 =	vld [tilespmem:s18+$0xFFFFFFF0]  }
0x66: {  	s14 =	ssub.s32 s9, s14;
	s23 =	ssub.s32 s9, s23;
	s1 =	simm.s32 $0x0;
	v6 =	vadd.f32 v4, v7;
	v4 =	vld [tilespmem:s18+$0x70];
	v5 =	vadd.f32 v9, v5;
	[tilespmem:s18+$0xFFFFFFE0] =	vst v8  }
.LBB2_3:
0x67: {  	s26 =	sadd.s32 s1, s17;
	s1 =	sadd.s32 $0x4, s1;
	s20 =	sadd.s32 $0x200, s20  }
0x68: {  	v7 =	vld [tilespmem:s4+$0x1C70];
	[tilespmem:s18+$0x60] =	vst v6;
	v1 =	vmul.f32 $1.131370830e+01, v1;
	s4 =	sadd.s32 $0x5, s26;
	s6 =	sadd.s32 $0x7, s26;
	p1 =	slt.u32 s1, $0x7C  }
0x69: {  	[tilespmem:s18+$0xFFFFFF60] =	vst v5;
	v0 =	vmul.f32 $1.131370830e+01, v0;
	v5 =	vld [tilespmem:s21+$0x1C70];
	s21 =	sadd.s32 $0x6, s26;
	s18 =	sadd.s32 $0x200, s18;
	p3 =	sgt.u32 s6, $0xC7  }
0x6a: {  	v6 =	vld [tilespmem:s19+$0x1C70];
	v1 =	vadd.f32 v2, v1;
	p2 =	sgt.u32 s4, $0xC7;
	s4 =	simm.s32 $0xFFFF9D80;
	s6 =	sadd.s32 $0x4, s26  }
0x6b: {  	p4 =	sgt.u32 s21, $0xC7;
	v2 =	vld [tilespmem:s18+$0x80];
	s4 =	simm.s32 @!p3 $0x180;
	v3 =	vmul.f32 $1.131370830e+01, v3;
	p3 =	sgt.u32 s6, $0xC7  }
0x6c: {  	s6 =	simm.s32 $0xFFFF9D00;
	v8 =	vld [tilespmem:s18+$0xFFFFFF00];
	s26 =	sadd.s32 s4, s20;
	v4 =	vmul.f32 $1.131370830e+01, v4;
	[tilespmem:s5+$0xF0] =	vst v1;
	s4 =	simm.s32 $0xFFFF9C80  }
0x6d: {  	s30 =	sadd.s32 $0xFFFF9C00, s20;
	s6 =	simm.s32 @!p4 $0x100;
	s4 =	simm.s32 @!p2 $0x80;
	v1 =	vld [tilespmem:s26+$0x1C00];
	v3 =	vadd.f32 v7, v3  }
0x6e: {  	s19 =	smov.u32 s20;
	s21 =	sadd.s32 s6, s20;
	v7 =	vld [tilespmem:s18+$0xFFFFFF80];
	s4 =	sadd.s32 s4, s20;
	v4 =	vadd.f32 v5, v4  }
0x6f: {  	s19 =	smov.u32 @p3 s30;
	v5 =	vld [tilespmem:s18+$0x0];
	v0 =	vadd.f32 v6, v0;
	[tilespmem:s5+$0xFFFFFFF0] =	vst v3  }
0x70: {  	v3 =	vld [tilespmem:s4+$0x1C00];
	v2 =	vmul.f32 $1.131370830e+01, v2;
	[tilespmem:s5+$0x70] =	vst v4  }
0x71: {  	v4 =	vmul.f32 $1.131370830e+01, v8;
	v6 =	vld [tilespmem:s21+$0x1C00];
	[tilespmem:s5+$0xFFFFFF70] =	vst v0;
	s5 =	smov.u32 s18  }
0x72: {  	v0 =	vld [tilespmem:s19+$0x1C00];
	v1 =	vadd.f32 v1, v2  }
0x73: {  	v2 =	vmul.f32 $1.131370830e+01, v7;
	v7 =	vld [tilespmem:s18+$0x90]  }
0x74: {  	v8 =	vld [tilespmem:s18+$0xFFFFFF10];
	v5 =	vmul.f32 $1.131370830e+01, v5;
	[tilespmem:s18+$0x80] =	vst v1  }
0x75: {  	v1 =	vadd.f32 v3, v2;
	v2 =	vld [tilespmem:s26+$0x1C10]  }
0x76: {  	v3 =	vld [tilespmem:s18+$0xFFFFFF90];
	v5 =	vadd.f32 v6, v5  }
0x77: {  	v0 =	vadd.f32 v0, v4;
	[tilespmem:s18+$0xFFFFFF80] =	vst v1;
	v1 =	vld [tilespmem:s18+$0x10]  }
0x78: {  	v4 =	vld [tilespmem:s4+$0x1C10];
	[tilespmem:s18+$0x0] =	vst v5;
	v5 =	vmul.f32 $1.131370830e+01, v7  }
0x79: {  	[tilespmem:s18+$0xFFFFFF00] =	vst v0;
	v0 =	vmul.f32 $1.131370830e+01, v8;
	v6 =	vld [tilespmem:s21+$0x1C10]  }
0x7a: {  	v7 =	vld [tilespmem:s19+$0x1C10];
	v2 =	vadd.f32 v2, v5  }
0x7b: {  	v3 =	vmul.f32 $1.131370830e+01, v3;
	v5 =	vld [tilespmem:s18+$0xA0]  }
0x7c: {  	v8 =	vld [tilespmem:s18+$0xFFFFFF20];
	v1 =	vmul.f32 $1.131370830e+01, v1;
	[tilespmem:s18+$0x90] =	vst v2  }
0x7d: {  	v2 =	vadd.f32 v4, v3;
	v3 =	vld [tilespmem:s26+$0x1C20]  }
0x7e: {  	v4 =	vld [tilespmem:s18+$0xFFFFFFA0];
	v1 =	vadd.f32 v6, v1  }
0x7f: {  	v0 =	vadd.f32 v7, v0;
	[tilespmem:s18+$0xFFFFFF90] =	vst v2;
	v2 =	vld [tilespmem:s18+$0x20]  }
0x80: {  	v6 =	vld [tilespmem:s4+$0x1C20];
	[tilespmem:s18+$0x10] =	vst v1;
	v1 =	vmul.f32 $1.131370830e+01, v5  }
0x81: {  	[tilespmem:s18+$0xFFFFFF10] =	vst v0;
	v0 =	vmul.f32 $1.131370830e+01, v8;
	v5 =	vld [tilespmem:s21+$0x1C20]  }
0x82: {  	v7 =	vld [tilespmem:s19+$0x1C20];
	v1 =	vadd.f32 v3, v1  }
0x83: {  	v3 =	vmul.f32 $1.131370830e+01, v4;
	v4 =	vld [tilespmem:s18+$0xB0]  }
0x84: {  	v8 =	vld [tilespmem:s18+$0xFFFFFF30];
	v2 =	vmul.f32 $1.131370830e+01, v2;
	[tilespmem:s18+$0xA0] =	vst v1  }
0x85: {  	v1 =	vadd.f32 v6, v3;
	v3 =	vld [tilespmem:s26+$0x1C30]  }
0x86: {  	v6 =	vld [tilespmem:s18+$0xFFFFFFB0];
	v2 =	vadd.f32 v5, v2  }
0x87: {  	v0 =	vadd.f32 v7, v0;
	[tilespmem:s18+$0xFFFFFFA0] =	vst v1;
	v1 =	vld [tilespmem:s18+$0x30]  }
0x88: {  	v5 =	vld [tilespmem:s4+$0x1C30];
	[tilespmem:s18+$0x20] =	vst v2;
	v2 =	vmul.f32 $1.131370830e+01, v4  }
0x89: {  	[tilespmem:s18+$0xFFFFFF20] =	vst v0;
	v0 =	vmul.f32 $1.131370830e+01, v8;
	v4 =	vld [tilespmem:s21+$0x1C30]  }
0x8a: {  	v7 =	vld [tilespmem:s19+$0x1C30];
	v2 =	vadd.f32 v3, v2  }
0x8b: {  	v3 =	vmul.f32 $1.131370830e+01, v6;
	v6 =	vld [tilespmem:s18+$0xC0]  }
0x8c: {  	v8 =	vld [tilespmem:s18+$0xFFFFFF40];
	v1 =	vmul.f32 $1.131370830e+01, v1;
	[tilespmem:s18+$0xB0] =	vst v2  }
0x8d: {  	v2 =	vadd.f32 v5, v3;
	v3 =	vld [tilespmem:s26+$0x1C40]  }
0x8e: {  	v5 =	vld [tilespmem:s18+$0xFFFFFFC0];
	v1 =	vadd.f32 v4, v1  }
0x8f: {  	v0 =	vadd.f32 v7, v0;
	[tilespmem:s18+$0xFFFFFFB0] =	vst v2;
	v2 =	vld [tilespmem:s18+$0x40]  }
0x90: {  	v4 =	vld [tilespmem:s4+$0x1C40];
	[tilespmem:s18+$0x30] =	vst v1;
	v1 =	vmul.f32 $1.131370830e+01, v6  }
0x91: {  	[tilespmem:s18+$0xFFFFFF30] =	vst v0;
	v0 =	vmul.f32 $1.131370830e+01, v8;
	v6 =	vld [tilespmem:s21+$0x1C40]  }
0x92: {  	v7 =	vld [tilespmem:s19+$0x1C40];
	v1 =	vadd.f32 v3, v1  }
0x93: {  	v3 =	vmul.f32 $1.131370830e+01, v5;
	v5 =	vld [tilespmem:s18+$0xD0]  }
0x94: {  	v8 =	vld [tilespmem:s18+$0xFFFFFF50];
	v2 =	vmul.f32 $1.131370830e+01, v2;
	[tilespmem:s18+$0xC0] =	vst v1  }
0x95: {  	v1 =	vadd.f32 v4, v3;
	v3 =	vld [tilespmem:s26+$0x1C50]  }
0x96: {  	v4 =	vld [tilespmem:s18+$0xFFFFFFD0];
	v2 =	vadd.f32 v6, v2  }
0x97: {  	v0 =	vadd.f32 v7, v0;
	[tilespmem:s18+$0xFFFFFFC0] =	vst v1;
	v1 =	vld [tilespmem:s18+$0x50]  }
0x98: {  	v6 =	vld [tilespmem:s4+$0x1C50];
	[tilespmem:s18+$0x40] =	vst v2;
	v2 =	vmul.f32 $1.131370830e+01, v5  }
0x99: {  	[tilespmem:s18+$0xFFFFFF40] =	vst v0;
	v0 =	vmul.f32 $1.131370830e+01, v8;
	v5 =	vld [tilespmem:s21+$0x1C50]  }
0x9a: {  	v7 =	vld [tilespmem:s19+$0x1C50];
	v2 =	vadd.f32 v3, v2  }
0x9b: {  	v3 =	vmul.f32 $1.131370830e+01, v4;
	v4 =	vld [tilespmem:s18+$0xE0]  }
0x9c: {  	v8 =	vld [tilespmem:s18+$0xFFFFFF60];
	v1 =	vmul.f32 $1.131370830e+01, v1;
	[tilespmem:s18+$0xD0] =	vst v2  }
0x9d: {  	v2 =	vadd.f32 v6, v3;
	v3 =	vld [tilespmem:s26+$0x1C60]  }
0x9e: {  	v6 =	vld [tilespmem:s18+$0xFFFFFFE0];
	v1 =	vadd.f32 v5, v1  }
0x9f: {  	v0 =	vadd.f32 v7, v0;
	[tilespmem:s18+$0xFFFFFFD0] =	vst v2;
	v2 =	vld [tilespmem:s18+$0x60]  }
0xa0: {  	v5 =	vld [tilespmem:s4+$0x1C60];
	[tilespmem:s18+$0x50] =	vst v1;
	v1 =	vmul.f32 $1.131370830e+01, v4  }
0xa1: {  	[tilespmem:s18+$0xFFFFFF50] =	vst v0;
	v4 =	vmul.f32 $1.131370830e+01, v8;
	v7 =	vld [tilespmem:s21+$0x1C60]  }
0xa2: {  	v8 =	vld [tilespmem:s19+$0x1C60];
	v3 =	vadd.f32 v3, v1  }
.Ltmp0:
0xa3: {  	v6 =	vmul.f32 $1.131370830e+01, v6;
	v1 =	vld [tilespmem:s18+$0xF0];
	(pc) =	sbr.rel @p1 .LBB2_3-.Ltmp0, $4  }
0xa4: {  	v0 =	vld [tilespmem:s18+$0xFFFFFF70];
	v9 =	vmul.f32 $1.131370830e+01, v2;
	[tilespmem:s18+$0xE0] =	vst v3  }
0xa5: {  	v10 =	vadd.f32 v5, v6;
	v2 =	vld [tilespmem:s26+$0x1C70]  }
0xa6: {  	v3 =	vld [tilespmem:s18+$0xFFFFFFF0];
	v6 =	vadd.f32 v7, v9  }
0xa7: {  	v5 =	vadd.f32 v8, v4;
	[tilespmem:s18+$0xFFFFFFE0] =	vst v10;
	v4 =	vld [tilespmem:s18+$0x70]  }
0xa8: {  	v7 =	vld [tilespmem:s4+$0x1C70];
	[tilespmem:s18+$0x60] =	vst v6  }
0xa9: {  	[tilespmem:s18+$0xFFFFFF60] =	vst v5;
	v5 =	vld [tilespmem:s21+$0x1C70]  }
0xaa: {  	v1 =	vmul.f32 $1.131370830e+01, v1;
	v6 =	vld [tilespmem:s19+$0x1C70]  }
0xab: {  	v3 =	vmul.f32 $1.131370830e+01, v3  }
0xac: {  	v1 =	vadd.f32 v2, v1;
	v2 =	vmul.f32 $1.131370830e+01, v4  }
0xad: {  	v0 =	vmul.f32 $1.131370830e+01, v0;
	v3 =	vadd.f32 v7, v3  }
0xae: {  	[tilespmem:s5+$0xF0] =	vst v1;
	v1 =	vadd.f32 v5, v2  }
0xaf: {  	s1 =	sadd.s32 s2, s13;
	v0 =	vadd.f32 v6, v0;
	[tilespmem:s5+$0xFFFFFFF0] =	vst v3  }
0xb0: {  	s17 =	simm.s32 $0x0;
	s1 =	sshll.u32 s1, $0x4;
	[tilespmem:s5+$0x70] =	vst v1  }
0xb1: {  	s18 =	simm.s32 $0x8000;
	s1 =	sadd.s32 s8, s1;
	s19 =	simm.s32 $0x2;
	[tilespmem:s5+$0xFFFFFF70] =	vst v0  }
0xb2: {  	[hbm4b:s1+s17] =	stream.linear.scatter [tilespmem:s18], [sflag:$0x6], $0x4000, $0x38;
	[tilespmem:$0x1C000] =	vst v63  }
0xb3: {  	_ =	swait.ge [sflag:s19], $0x4000  }
0xb4: {  	s28 =	sadd.s32 $0x4, s28;
	[sflag:s19] =	ssyncset.done $0x0  }
0xb5: {  	s20 =	sadd.s32 $0xFFFFFFFC, s14;
	s1 =	simm.s32 @!p0 $0xA;
	[sflag:s19] =	ssyncadd.s32 $0xFFFFC000  }
0xb6: {  	s4 =	simm.s32 @!p0 $0x80;
	s21 =	sadd.s32 $0x86, s20;
	_ =	swait.ge @!p0 [sflag:s1], $0x4000  }
0xb7: {  	s26 =	sadd.s32 $0x84, s20;
	s6 =	sadd.s32 $0x85, s20;
	[sflag:s1] =	ssyncset.done @!p0 $0x0  }
0xb8: {  	p1 =	sgt.u32 s6, $0xC7;
	[sflag:s1] =	ssyncadd.s32 @!p0 $0xFFFFC000;
	s1 =	sshll.u32 @!p0 s28, $0x7  }
0xb9: {  	s5 =	simm.s32 @!p0 $0x18000;
	s17 =	simm.s32 $0xC100;
	s1 =	sand.u32 @!p0 $0x3FFFFF80, s1  }
0xba: {  	[tilespmem:s5], [sflag:$0x5] =	stream.indirect.gather @!p0 [hbm4b:s31+s4], $0x80, s1, s4, $0xb8;
	[tilespmem:$0x1C000] =	vst v63  }
0xbb: {  	s6 =	simm.s32 $0xFFFF9B00;
	p0 =	sgt.u32 s21, $0xC7;
	s1 =	simm.s32 $0xFFFF9B80;
	v0 =	vld [tilespmem:s17+$0x0]  }
0xbc: {  	s6 =	simm.s32 @!p1 $0xFFFFFF00;
	s18 =	sadd.s32 s0, s15;
	s1 =	simm.s32 @!p0 $0xFFFFFF80;
	v1 =	vld [tilespmem:s17+$0xFFFFFF00]  }
0xbd: {  	s5 =	simm.s32 $0xFFFF9A80;
	p0 =	sgt.u32 s26, $0xC7;
	v3 =	vld [tilespmem:s17+$0xFFFFFF80];
	s1 =	sadd.s32 s1, s18  }
0xbe: {  	s19 =	sadd.s32 s6, s18;
	s5 =	simm.s32 @!p0 $0xFFFFFE80;
	v2 =	vld [tilespmem:s1+$0x1C00]  }
0xbf: {  	v6 =	vld [tilespmem:s19+$0x1C00];
	s4 =	sadd.s32 s5, s18  }
0xc0: {  	v5 =	vld [tilespmem:s4+$0x1C00]  }
0xc1: {  	s30 =	smov.u32 s31;
	s31 =	sadd.s32 $0x87, s20;
	v4 =	vld [tilespmem:s17+$0x80];
	v0 =	vmul.f32 $1.131370830e+01, v0  }
0xc2: {  	v7 =	vld [tilespmem:s17+$0x10];
	p0 =	sgt.u32 s31, $0xC7;
	s5 =	sadd.s32 $0xFFFF9C00, s18;
	v3 =	vmul.f32 $1.131370830e+01, v3  }
0xc3: {  	v8 =	vld [tilespmem:s17+$0xFFFFFF10];
	s18 =	smov.u32 @p0 s5;
	v1 =	vmul.f32 $1.131370830e+01, v1;
	v0 =	vadd.f32 v2, v0  }
0xc4: {  	v2 =	vld [tilespmem:s18+$0x1C00];
	v3 =	vadd.f32 v6, v3  }
0xc5: {  	v1 =	vadd.f32 v5, v1;
	v5 =	vld [tilespmem:s17+$0xFFFFFF90];
	[tilespmem:s17+$0x0] =	vst v0  }
0xc6: {  	v0 =	vmul.f32 $1.131370830e+01, v4;
	[tilespmem:s17+$0xFFFFFF80] =	vst v3;
	v4 =	vld [tilespmem:s1+$0x1C10]  }
0xc7: {  	[tilespmem:s17+$0xFFFFFF00] =	vst v1;
	v1 =	vld [tilespmem:s17+$0x90]  }
0xc8: {  	v6 =	vld [tilespmem:s19+$0x1C10]  }
0xc9: {  	v0 =	vadd.f32 v2, v0;
	v2 =	vld [tilespmem:s4+$0x1C10]  }
0xca: {  	v3 =	vmul.f32 $1.131370830e+01, v7  }
0xcb: {  	v7 =	vld [tilespmem:s17+$0x20];
	[tilespmem:s17+$0x80] =	vst v0  }
0xcc: {  	v5 =	vmul.f32 $1.131370830e+01, v5;
	v0 =	vadd.f32 v4, v3;
	v3 =	vld [tilespmem:s18+$0x1C10];
	v4 =	vmul.f32 $1.131370830e+01, v8  }
0xcd: {  	v8 =	vld [tilespmem:s17+$0xFFFFFF20]  }
0xce: {  	[tilespmem:s17+$0x10] =	vst v0;
	v0 =	vmul.f32 $1.131370830e+01, v1;
	v1 =	vadd.f32 v2, v4;
	v4 =	vadd.f32 v6, v5;
	v5 =	vld [tilespmem:s17+$0xFFFFFFA0]  }
0xcf: {  	v2 =	vld [tilespmem:s1+$0x1C20]  }
0xd0: {  	[tilespmem:s17+$0xFFFFFF10] =	vst v1;
	v1 =	vld [tilespmem:s17+$0xA0]  }
0xd1: {  	[tilespmem:s17+$0xFFFFFF90] =	vst v4;
	v0 =	vadd.f32 v3, v0;
	v3 =	vld [tilespmem:s4+$0x1C20]  }
0xd2: {  	v6 =	vld [tilespmem:s19+$0x1C20]  }
0xd3: {  	v4 =	vmul.f32 $1.131370830e+01, v7  }
0xd4: {  	v7 =	vld [tilespmem:s17+$0x30];
	[tilespmem:s17+$0x90] =	vst v0  }
0xd5: {  	v5 =	vmul.f32 $1.131370830e+01, v5;
	v0 =	vadd.f32 v2, v4;
	v2 =	vld [tilespmem:s18+$0x1C20];
	v4 =	vmul.f32 $1.131370830e+01, v8  }
0xd6: {  	v8 =	vld [tilespmem:s17+$0xFFFFFF30]  }
0xd7: {  	[tilespmem:s17+$0x20] =	vst v0;
	v0 =	vmul.f32 $1.131370830e+01, v1;
	v1 =	vadd.f32 v3, v4;
	v4 =	vadd.f32 v6, v5;
	v5 =	vld [tilespmem:s17+$0xFFFFFFB0]  }
0xd8: {  	v3 =	vld [tilespmem:s1+$0x1C30]  }
0xd9: {  	[tilespmem:s17+$0xFFFFFF20] =	vst v1;
	v1 =	vld [tilespmem:s17+$0xB0]  }
0xda: {  	[tilespmem:s17+$0xFFFFFFA0] =	vst v4;
	v0 =	vadd.f32 v2, v0;
	v2 =	vld [tilespmem:s4+$0x1C30]  }
0xdb: {  	v6 =	vld [tilespmem:s19+$0x1C30]  }
0xdc: {  	v4 =	vmul.f32 $1.131370830e+01, v7  }
0xdd: {  	v7 =	vld [tilespmem:s17+$0x40];
	[tilespmem:s17+$0xA0] =	vst v0  }
0xde: {  	v5 =	vmul.f32 $1.131370830e+01, v5;
	v0 =	vadd.f32 v3, v4;
	v3 =	vld [tilespmem:s18+$0x1C30];
	v4 =	vmul.f32 $1.131370830e+01, v8  }
0xdf: {  	v8 =	vld [tilespmem:s17+$0xFFFFFF40]  }
0xe0: {  	[tilespmem:s17+$0x30] =	vst v0;
	v0 =	vmul.f32 $1.131370830e+01, v1;
	v1 =	vadd.f32 v2, v4;
	v4 =	vadd.f32 v6, v5;
	v5 =	vld [tilespmem:s17+$0xFFFFFFC0]  }
0xe1: {  	v2 =	vld [tilespmem:s1+$0x1C40]  }
0xe2: {  	[tilespmem:s17+$0xFFFFFF30] =	vst v1;
	v1 =	vld [tilespmem:s17+$0xC0]  }
0xe3: {  	[tilespmem:s17+$0xFFFFFFB0] =	vst v4;
	v0 =	vadd.f32 v3, v0;
	v3 =	vld [tilespmem:s4+$0x1C40]  }
0xe4: {  	v6 =	vld [tilespmem:s19+$0x1C40]  }
0xe5: {  	v4 =	vmul.f32 $1.131370830e+01, v7  }
0xe6: {  	v7 =	vld [tilespmem:s17+$0x50];
	[tilespmem:s17+$0xB0] =	vst v0  }
0xe7: {  	v5 =	vmul.f32 $1.131370830e+01, v5;
	v0 =	vadd.f32 v2, v4;
	v2 =	vld [tilespmem:s18+$0x1C40];
	v4 =	vmul.f32 $1.131370830e+01, v8  }
0xe8: {  	v8 =	vld [tilespmem:s17+$0xFFFFFF50]  }
0xe9: {  	[tilespmem:s17+$0x40] =	vst v0;
	v0 =	vmul.f32 $1.131370830e+01, v1;
	v1 =	vadd.f32 v3, v4;
	v4 =	vadd.f32 v6, v5;
	v5 =	vld [tilespmem:s17+$0xFFFFFFD0]  }
0xea: {  	v3 =	vld [tilespmem:s1+$0x1C50]  }
0xeb: {  	[tilespmem:s17+$0xFFFFFF40] =	vst v1;
	v1 =	vld [tilespmem:s17+$0xD0]  }
0xec: {  	[tilespmem:s17+$0xFFFFFFC0] =	vst v4;
	v0 =	vadd.f32 v2, v0;
	v2 =	vld [tilespmem:s4+$0x1C50]  }
0xed: {  	v4 =	vmul.f32 $1.131370830e+01, v7;
	v6 =	vld [tilespmem:s19+$0x1C50]  }
0xee: {  	[tilespmem:s17+$0xC0] =	vst v0  }
0xef: {  	v0 =	vadd.f32 v3, v4;
	v3 =	vld [tilespmem:s18+$0x1C50]  }
0xf0: {  	v7 =	vld [tilespmem:s17+$0x60];
	v5 =	vmul.f32 $1.131370830e+01, v5;
	v4 =	vmul.f32 $1.131370830e+01, v8  }
0xf1: {  	v8 =	vld [tilespmem:s17+$0xFFFFFF60]  }
0xf2: {  	[tilespmem:s17+$0x50] =	vst v0;
	v0 =	vmul.f32 $1.131370830e+01, v1;
	v1 =	vadd.f32 v2, v4;
	v4 =	vadd.f32 v6, v5;
	v5 =	vld [tilespmem:s17+$0xFFFFFFE0]  }
0xf3: {  	v2 =	vld [tilespmem:s1+$0x1C60]  }
0xf4: {  	[tilespmem:s17+$0xFFFFFF50] =	vst v1;
	v1 =	vld [tilespmem:s17+$0xE0];
	v0 =	vadd.f32 v3, v0  }
0xf5: {  	[tilespmem:s17+$0xFFFFFFD0] =	vst v4;
	v6 =	vld [tilespmem:s4+$0x1C60]  }
0xf6: {  	v3 =	vmul.f32 $1.131370830e+01, v7;
	v7 =	vld [tilespmem:s19+$0x1C60];
	[tilespmem:s17+$0xD0] =	vst v0  }
0xf7: {  	v9 =	vld [tilespmem:s18+$0x1C60]  }
0xf8: {  	v4 =	vmul.f32 $1.131370830e+01, v8;
	v0 =	vld [tilespmem:s17+$0xFFFFFF70];
	v2 =	vadd.f32 v2, v3  }
0xf9: {  	v3 =	vld [tilespmem:s17+$0x70]  }
0xfa: {  	[tilespmem:s17+$0x60] =	vst v2;
	v2 =	vmul.f32 $1.131370830e+01, v5;
	v5 =	vmul.f32 $1.131370830e+01, v1;
	v8 =	vadd.f32 v6, v4;
	v1 =	vld [tilespmem:s17+$0xFFFFFFF0]  }
0xfb: {  	s20 =	sadd.s32 $0x80, s13;
	v4 =	vld [tilespmem:s1+$0x1C70]  }
0xfc: {  	s21 =	simm.s32 $0x0;
	s5 =	simm.s32 $0xC100;
	s1 =	smov.u32 s0;
	v6 =	vadd.f32 v7, v2;
	[tilespmem:s17+$0xFFFFFF60] =	vst v8;
	v2 =	vld [tilespmem:s17+$0xF0];
	v5 =	vadd.f32 v9, v5  }
.LBB2_5:
0xfd: {  	s6 =	sadd.s32 s21, s14;
	s21 =	sadd.s32 $0x4, s21;
	v7 =	vld [tilespmem:s4+$0x1C70]  }
0xfe: {  	[tilespmem:s17+$0xFFFFFFE0] =	vst v6;
	v3 =	vmul.f32 $1.131370830e+01, v3;
	s1 =	sadd.s32 $0x200, s1;
	s4 =	sadd.s32 $0x84, s6;
	s26 =	sadd.s32 $0x86, s6  }
0xff: {  	p0 =	slt.u32 s21, $0x7C;
	v6 =	vld [tilespmem:s19+$0x1C70];
	[tilespmem:s17+$0xE0] =	vst v5;
	s17 =	sadd.s32 $0x200, s17;
	s19 =	sadd.s32 $0x85, s6  }
0x100: {  	v0 =	vmul.f32 $1.131370830e+01, v0;
	p1 =	sgt.u32 s26, $0xC7;
	v3 =	vadd.f32 v4, v3;
	v4 =	vld [tilespmem:s18+$0x1C70];
	s18 =	sadd.s32 s1, s15;
	s26 =	simm.s32 $0xFFFF9B80  }
0x101: {  	p2 =	sgt.u32 s19, $0xC7;
	s19 =	simm.s32 $0xFFFF9B00;
	v5 =	vld [tilespmem:s17+$0x0];
	s26 =	simm.s32 @!p1 $0xFFFFFF80;
	v1 =	vmul.f32 $1.131370830e+01, v1  }
0x102: {  	p1 =	sgt.u32 s4, $0xC7;
	s4 =	simm.s32 $0xFFFF9A80;
	v8 =	vld [tilespmem:s17+$0xFFFFFF00];
	s26 =	sadd.s32 s26, s18;
	[tilespmem:s5+$0x70] =	vst v3;
	v2 =	vmul.f32 $1.131370830e+01, v2  }
0x103: {  	s6 =	sadd.s32 $0x87, s6;
	s19 =	simm.s32 @!p2 $0xFFFFFF00;
	s4 =	simm.s32 @!p1 $0xFFFFFE80;
	v3 =	vld [tilespmem:s26+$0x1C00];
	v0 =	vadd.f32 v7, v0  }
0x104: {  	p1 =	sgt.u32 s6, $0xC7;
	s6 =	sadd.s32 $0xFFFF9C00, s18;
	s4 =	sadd.s32 s4, s18;
	v7 =	vld [tilespmem:s17+$0xFFFFFF80];
	v1 =	vadd.f32 v6, v1  }
0x105: {  	s19 =	sadd.s32 s19, s18;
	s18 =	smov.u32 @p1 s6;
	v6 =	vld [tilespmem:s17+$0x80];
	[tilespmem:s5+$0xFFFFFF70] =	vst v0;
	v0 =	vadd.f32 v4, v2  }
0x106: {  	v2 =	vld [tilespmem:s4+$0x1C00];
	v4 =	vmul.f32 $1.131370830e+01, v5;
	[tilespmem:s5+$0xFFFFFFF0] =	vst v1  }
0x107: {  	v1 =	vmul.f32 $1.131370830e+01, v8;
	v5 =	vld [tilespmem:s19+$0x1C00];
	[tilespmem:s5+$0xF0] =	vst v0;
	s5 =	smov.u32 s17  }
0x108: {  	v0 =	vadd.f32 v3, v4;
	v3 =	vld [tilespmem:s18+$0x1C00]  }
0x109: {  	v4 =	vmul.f32 $1.131370830e+01, v7;
	v7 =	vld [tilespmem:s17+$0x10]  }
0x10a: {  	v8 =	vld [tilespmem:s17+$0xFFFFFF10];
	[tilespmem:s17+$0x0] =	vst v0;
	v0 =	vmul.f32 $1.131370830e+01, v6  }
0x10b: {  	v1 =	vadd.f32 v2, v1;
	v2 =	vld [tilespmem:s26+$0x1C10]  }
0x10c: {  	v4 =	vadd.f32 v5, v4;
	v5 =	vld [tilespmem:s17+$0xFFFFFF90]  }
0x10d: {  	[tilespmem:s17+$0xFFFFFF00] =	vst v1;
	v0 =	vadd.f32 v3, v0;
	v1 =	vld [tilespmem:s17+$0x90]  }
0x10e: {  	v3 =	vld [tilespmem:s4+$0x1C10];
	[tilespmem:s17+$0xFFFFFF80] =	vst v4;
	v4 =	vmul.f32 $1.131370830e+01, v7  }
0x10f: {  	v6 =	vmul.f32 $1.131370830e+01, v8;
	v7 =	vld [tilespmem:s19+$0x1C10];
	[tilespmem:s17+$0x80] =	vst v0  }
0x110: {  	v0 =	vadd.f32 v2, v4;
	v2 =	vld [tilespmem:s18+$0x1C10]  }
0x111: {  	v4 =	vmul.f32 $1.131370830e+01, v5;
	v5 =	vld [tilespmem:s17+$0x20]  }
0x112: {  	v8 =	vld [tilespmem:s17+$0xFFFFFF20];
	[tilespmem:s17+$0x10] =	vst v0;
	v0 =	vmul.f32 $1.131370830e+01, v1  }
0x113: {  	v1 =	vadd.f32 v3, v6;
	v3 =	vld [tilespmem:s26+$0x1C20]  }
0x114: {  	v4 =	vadd.f32 v7, v4;
	v6 =	vld [tilespmem:s17+$0xFFFFFFA0]  }
0x115: {  	[tilespmem:s17+$0xFFFFFF10] =	vst v1;
	v0 =	vadd.f32 v2, v0;
	v1 =	vld [tilespmem:s17+$0xA0]  }
0x116: {  	v2 =	vld [tilespmem:s4+$0x1C20];
	[tilespmem:s17+$0xFFFFFF90] =	vst v4;
	v4 =	vmul.f32 $1.131370830e+01, v5  }
0x117: {  	v5 =	vmul.f32 $1.131370830e+01, v8;
	v7 =	vld [tilespmem:s19+$0x1C20];
	[tilespmem:s17+$0x90] =	vst v0  }
0x118: {  	v0 =	vadd.f32 v3, v4;
	v3 =	vld [tilespmem:s18+$0x1C20]  }
0x119: {  	v4 =	vmul.f32 $1.131370830e+01, v6;
	v6 =	vld [tilespmem:s17+$0x30]  }
0x11a: {  	v8 =	vld [tilespmem:s17+$0xFFFFFF30];
	[tilespmem:s17+$0x20] =	vst v0;
	v0 =	vmul.f32 $1.131370830e+01, v1  }
0x11b: {  	v1 =	vadd.f32 v2, v5;
	v2 =	vld [tilespmem:s26+$0x1C30]  }
0x11c: {  	v4 =	vadd.f32 v7, v4;
	v5 =	vld [tilespmem:s17+$0xFFFFFFB0]  }
0x11d: {  	[tilespmem:s17+$0xFFFFFF20] =	vst v1;
	v0 =	vadd.f32 v3, v0;
	v1 =	vld [tilespmem:s17+$0xB0]  }
0x11e: {  	v3 =	vld [tilespmem:s4+$0x1C30];
	[tilespmem:s17+$0xFFFFFFA0] =	vst v4;
	v4 =	vmul.f32 $1.131370830e+01, v6  }
0x11f: {  	v6 =	vmul.f32 $1.131370830e+01, v8;
	v7 =	vld [tilespmem:s19+$0x1C30];
	[tilespmem:s17+$0xA0] =	vst v0  }
0x120: {  	v0 =	vadd.f32 v2, v4;
	v2 =	vld [tilespmem:s18+$0x1C30]  }
0x121: {  	v4 =	vmul.f32 $1.131370830e+01, v5;
	v5 =	vld [tilespmem:s17+$0x40]  }
0x122: {  	v8 =	vld [tilespmem:s17+$0xFFFFFF40];
	[tilespmem:s17+$0x30] =	vst v0;
	v0 =	vmul.f32 $1.131370830e+01, v1  }
0x123: {  	v1 =	vadd.f32 v3, v6;
	v3 =	vld [tilespmem:s26+$0x1C40]  }
0x124: {  	v4 =	vadd.f32 v7, v4;
	v6 =	vld [tilespmem:s17+$0xFFFFFFC0]  }
0x125: {  	[tilespmem:s17+$0xFFFFFF30] =	vst v1;
	v0 =	vadd.f32 v2, v0;
	v1 =	vld [tilespmem:s17+$0xC0]  }
0x126: {  	v2 =	vld [tilespmem:s4+$0x1C40];
	[tilespmem:s17+$0xFFFFFFB0] =	vst v4;
	v4 =	vmul.f32 $1.131370830e+01, v5  }
0x127: {  	v5 =	vmul.f32 $1.131370830e+01, v8;
	v7 =	vld [tilespmem:s19+$0x1C40];
	[tilespmem:s17+$0xB0] =	vst v0  }
0x128: {  	v0 =	vadd.f32 v3, v4;
	v3 =	vld [tilespmem:s18+$0x1C40]  }
0x129: {  	v4 =	vmul.f32 $1.131370830e+01, v6;
	v6 =	vld [tilespmem:s17+$0x50]  }
0x12a: {  	v8 =	vld [tilespmem:s17+$0xFFFFFF50];
	[tilespmem:s17+$0x40] =	vst v0;
	v0 =	vmul.f32 $1.131370830e+01, v1  }
0x12b: {  	v1 =	vadd.f32 v2, v5;
	v2 =	vld [tilespmem:s26+$0x1C50]  }
0x12c: {  	v4 =	vadd.f32 v7, v4;
	v5 =	vld [tilespmem:s17+$0xFFFFFFD0]  }
0x12d: {  	[tilespmem:s17+$0xFFFFFF40] =	vst v1;
	v0 =	vadd.f32 v3, v0;
	v1 =	vld [tilespmem:s17+$0xD0]  }
0x12e: {  	v3 =	vld [tilespmem:s4+$0x1C50];
	[tilespmem:s17+$0xFFFFFFC0] =	vst v4;
	v4 =	vmul.f32 $1.131370830e+01, v6  }
0x12f: {  	v6 =	vmul.f32 $1.131370830e+01, v8;
	v7 =	vld [tilespmem:s19+$0x1C50];
	[tilespmem:s17+$0xC0] =	vst v0  }
0x130: {  	v0 =	vadd.f32 v2, v4;
	v2 =	vld [tilespmem:s18+$0x1C50]  }
0x131: {  	v4 =	vmul.f32 $1.131370830e+01, v5;
	v5 =	vld [tilespmem:s17+$0x60]  }
0x132: {  	v8 =	vld [tilespmem:s17+$0xFFFFFF60];
	[tilespmem:s17+$0x50] =	vst v0;
	v0 =	vmul.f32 $1.131370830e+01, v1  }
0x133: {  	v1 =	vadd.f32 v3, v6;
	v3 =	vld [tilespmem:s26+$0x1C60]  }
0x134: {  	v4 =	vadd.f32 v7, v4;
	v6 =	vld [tilespmem:s17+$0xFFFFFFE0]  }
0x135: {  	[tilespmem:s17+$0xFFFFFF50] =	vst v1;
	v0 =	vadd.f32 v2, v0;
	v1 =	vld [tilespmem:s17+$0xE0]  }
0x136: {  	v2 =	vld [tilespmem:s4+$0x1C60];
	[tilespmem:s17+$0xFFFFFFD0] =	vst v4;
	v4 =	vmul.f32 $1.131370830e+01, v5  }
0x137: {  	v5 =	vmul.f32 $1.131370830e+01, v8;
	v7 =	vld [tilespmem:s19+$0x1C60];
	[tilespmem:s17+$0xD0] =	vst v0  }
0x138: {  	v4 =	vadd.f32 v3, v4;
	v8 =	vld [tilespmem:s18+$0x1C60]  }
.Ltmp1:
0x139: {  	v6 =	vmul.f32 $1.131370830e+01, v6;
	v3 =	vld [tilespmem:s17+$0x70];
	(pc) =	sbr.rel @p0 .LBB2_5-.Ltmp1, $4  }
0x13a: {  	v0 =	vld [tilespmem:s17+$0xFFFFFF70];
	[tilespmem:s17+$0x60] =	vst v4;
	v9 =	vmul.f32 $1.131370830e+01, v1  }
0x13b: {  	v2 =	vadd.f32 v2, v5;
	v4 =	vld [tilespmem:s26+$0x1C70]  }
0x13c: {  	v6 =	vadd.f32 v7, v6;
	v1 =	vld [tilespmem:s17+$0xFFFFFFF0]  }
0x13d: {  	[tilespmem:s17+$0xFFFFFF60] =	vst v2;
	v5 =	vadd.f32 v8, v9;
	v2 =	vld [tilespmem:s17+$0xF0]  }
0x13e: {  	v7 =	vld [tilespmem:s4+$0x1C70];
	[tilespmem:s17+$0xFFFFFFE0] =	vst v6  }
0x13f: {  	v6 =	vld [tilespmem:s19+$0x1C70];
	[tilespmem:s17+$0xE0] =	vst v5  }
0x140: {  	v3 =	vmul.f32 $1.131370830e+01, v3;
	v5 =	vld [tilespmem:s18+$0x1C70]  }
0x141: {  	v0 =	vmul.f32 $1.131370830e+01, v0  }
0x142: {  	v3 =	vadd.f32 v4, v3;
	v1 =	vmul.f32 $1.131370830e+01, v1  }
0x143: {  	v2 =	vmul.f32 $1.131370830e+01, v2;
	v0 =	vadd.f32 v7, v0  }
0x144: {  	[tilespmem:s5+$0x70] =	vst v3;
	v1 =	vadd.f32 v6, v1  }
0x145: {  	s1 =	sadd.s32 s2, s20;
	s21 =	smov.u32 s8;
	s15 =	simm.s32 $0xC000;
	[tilespmem:s5+$0xFFFFFF70] =	vst v0;
	v0 =	vadd.f32 v5, v2  }
0x146: {  	p0 =	seq.s32 s16, $0x9;
	s1 =	sshll.u32 s1, $0x4;
	s17 =	simm.s32 $0x3;
	[tilespmem:s5+$0xFFFFFFF0] =	vst v1  }
0x147: {  	s4 =	smul.u32 @!p0 $0xA00, s16;
	s1 =	sadd.s32 s8, s1;
	s8 =	simm.s32 $0x0;
	[tilespmem:s5+$0xF0] =	vst v0  }
0x148: {  	[hbm4b:s1+s8] =	stream.linear.scatter [tilespmem:s15], [sflag:$0x7], $0x4000, $0x38;
	[tilespmem:$0x1C000] =	vst v63  }
0x149: {  	s18 =	sadd.s32 $0xFFFFFFFC, s12;
	_ =	swait.ge [sflag:s17], $0x4000  }
0x14a: {  	s14 =	sshra.s32 @!p0 s4, $0x2;
	s4 =	simm.s32 @!p0 $0x80;
	[sflag:s17] =	ssyncset.done $0x0  }
0x14b: {  	s19 =	sadd.s32 $0x106, s18;
	s1 =	simm.s32 @!p0 $0x6;
	[sflag:s17] =	ssyncadd.s32 $0xFFFFC000  }
0x14c: {  	s20 =	sadd.s32 $0x104, s18;
	s6 =	sadd.s32 $0x105, s18;
	_ =	swait.ge @!p0 [sflag:s1], $0x4000  }
0x14d: {  	p1 =	sgt.u32 s19, $0xC7;
	s5 =	simm.s32 @!p0 $0x8000;
	[sflag:s1] =	ssyncset.done @!p0 $0x0  }
0x14e: {  	s15 =	simm.s32 $0x10100;
	[sflag:s1] =	ssyncadd.s32 @!p0 $0xFFFFC000;
	s1 =	sadd.s32 @!p0 $0x280, s14  }
0x14f: {  	[tilespmem:s5], [sflag:$0x1] =	stream.indirect.gather @!p0 [hbm4b:s30+s4], $0x80, s1, s4, $0xb8;
	[tilespmem:$0x1C000] =	vst v63  }
0x150: {  	p2 =	sgt.u32 s6, $0xC7;
	s6 =	simm.s32 $0xFFFF9B00;
	s1 =	simm.s32 $0xFFFF9B80;
	v0 =	vld [tilespmem:s15+$0x0]  }
0x151: {  	s6 =	simm.s32 @!p2 $0xFFFFFF00;
	s17 =	sadd.s32 s3, s11;
	s1 =	simm.s32 @!p1 $0xFFFFFF80;
	v1 =	vld [tilespmem:s15+$0xFFFFFF00]  }
0x152: {  	s5 =	simm.s32 $0xFFFF9A80;
	p1 =	sgt.u32 s20, $0xC7;
	v3 =	vld [tilespmem:s15+$0xFFFFFF80];
	s1 =	sadd.s32 s1, s17  }
0x153: {  	s31 =	sadd.s32 $0x107, s18;
	s18 =	sadd.s32 s6, s17;
	s5 =	simm.s32 @!p1 $0xFFFFFE80;
	v2 =	vld [tilespmem:s1+$0x1C00]  }
0x154: {  	v6 =	vld [tilespmem:s18+$0x1C00];
	s4 =	sadd.s32 s5, s17  }
0x155: {  	v5 =	vld [tilespmem:s4+$0x1C00]  }
0x156: {  	v4 =	vld [tilespmem:s15+$0x80];
	v0 =	vmul.f32 $1.131370830e+01, v0  }
0x157: {  	v7 =	vld [tilespmem:s15+$0x10];
	p1 =	sgt.u32 s31, $0xC7;
	s5 =	sadd.s32 $0xFFFF9C00, s17;
	v3 =	vmul.f32 $1.131370830e+01, v3  }
0x158: {  	v8 =	vld [tilespmem:s15+$0xFFFFFF10];
	s17 =	smov.u32 @p1 s5;
	v1 =	vmul.f32 $1.131370830e+01, v1;
	v0 =	vadd.f32 v2, v0  }
0x159: {  	v2 =	vld [tilespmem:s17+$0x1C00];
	v3 =	vadd.f32 v6, v3  }
0x15a: {  	v1 =	vadd.f32 v5, v1;
	v5 =	vld [tilespmem:s15+$0xFFFFFF90];
	[tilespmem:s15+$0x0] =	vst v0  }
0x15b: {  	v0 =	vmul.f32 $1.131370830e+01, v4;
	[tilespmem:s15+$0xFFFFFF80] =	vst v3;
	v4 =	vld [tilespmem:s1+$0x1C10]  }
0x15c: {  	[tilespmem:s15+$0xFFFFFF00] =	vst v1;
	v1 =	vld [tilespmem:s15+$0x90]  }
0x15d: {  	v6 =	vld [tilespmem:s18+$0x1C10]  }
0x15e: {  	v0 =	vadd.f32 v2, v0;
	v2 =	vld [tilespmem:s4+$0x1C10]  }
0x15f: {  	v3 =	vmul.f32 $1.131370830e+01, v7  }
0x160: {  	v7 =	vld [tilespmem:s15+$0x20];
	[tilespmem:s15+$0x80] =	vst v0  }
0x161: {  	v5 =	vmul.f32 $1.131370830e+01, v5;
	v0 =	vadd.f32 v4, v3;
	v3 =	vld [tilespmem:s17+$0x1C10];
	v4 =	vmul.f32 $1.131370830e+01, v8  }
0x162: {  	v8 =	vld [tilespmem:s15+$0xFFFFFF20]  }
0x163: {  	[tilespmem:s15+$0x10] =	vst v0;
	v0 =	vmul.f32 $1.131370830e+01, v1;
	v1 =	vadd.f32 v2, v4;
	v4 =	vadd.f32 v6, v5;
	v5 =	vld [tilespmem:s15+$0xFFFFFFA0]  }
0x164: {  	v2 =	vld [tilespmem:s1+$0x1C20]  }
0x165: {  	[tilespmem:s15+$0xFFFFFF10] =	vst v1;
	v1 =	vld [tilespmem:s15+$0xA0]  }
0x166: {  	[tilespmem:s15+$0xFFFFFF90] =	vst v4;
	v0 =	vadd.f32 v3, v0;
	v3 =	vld [tilespmem:s4+$0x1C20]  }
0x167: {  	v6 =	vld [tilespmem:s18+$0x1C20]  }
0x168: {  	v4 =	vmul.f32 $1.131370830e+01, v7  }
0x169: {  	v7 =	vld [tilespmem:s15+$0x30];
	[tilespmem:s15+$0x90] =	vst v0  }
0x16a: {  	v5 =	vmul.f32 $1.131370830e+01, v5;
	v0 =	vadd.f32 v2, v4;
	v2 =	vld [tilespmem:s17+$0x1C20];
	v4 =	vmul.f32 $1.131370830e+01, v8  }
0x16b: {  	v8 =	vld [tilespmem:s15+$0xFFFFFF30]  }
0x16c: {  	[tilespmem:s15+$0x20] =	vst v0;
	v0 =	vmul.f32 $1.131370830e+01, v1;
	v1 =	vadd.f32 v3, v4;
	v4 =	vadd.f32 v6, v5;
	v5 =	vld [tilespmem:s15+$0xFFFFFFB0]  }
0x16d: {  	v3 =	vld [tilespmem:s1+$0x1C30]  }
0x16e: {  	[tilespmem:s15+$0xFFFFFF20] =	vst v1;
	v1 =	vld [tilespmem:s15+$0xB0]  }
0x16f: {  	[tilespmem:s15+$0xFFFFFFA0] =	vst v4;
	v0 =	vadd.f32 v2, v0;
	v2 =	vld [tilespmem:s4+$0x1C30]  }
0x170: {  	v6 =	vld [tilespmem:s18+$0x1C30]  }
0x171: {  	v4 =	vmul.f32 $1.131370830e+01, v7  }
0x172: {  	v7 =	vld [tilespmem:s15+$0x40];
	[tilespmem:s15+$0xA0] =	vst v0  }
0x173: {  	v5 =	vmul.f32 $1.131370830e+01, v5;
	v0 =	vadd.f32 v3, v4;
	v3 =	vld [tilespmem:s17+$0x1C30];
	v4 =	vmul.f32 $1.131370830e+01, v8  }
0x174: {  	v8 =	vld [tilespmem:s15+$0xFFFFFF40]  }
0x175: {  	[tilespmem:s15+$0x30] =	vst v0;
	v0 =	vmul.f32 $1.131370830e+01, v1;
	v1 =	vadd.f32 v2, v4;
	v4 =	vadd.f32 v6, v5;
	v5 =	vld [tilespmem:s15+$0xFFFFFFC0]  }
0x176: {  	v2 =	vld [tilespmem:s1+$0x1C40]  }
0x177: {  	[tilespmem:s15+$0xFFFFFF30] =	vst v1;
	v1 =	vld [tilespmem:s15+$0xC0]  }
0x178: {  	[tilespmem:s15+$0xFFFFFFB0] =	vst v4;
	v0 =	vadd.f32 v3, v0;
	v3 =	vld [tilespmem:s4+$0x1C40]  }
0x179: {  	v6 =	vld [tilespmem:s18+$0x1C40]  }
0x17a: {  	v4 =	vmul.f32 $1.131370830e+01, v7  }
0x17b: {  	v7 =	vld [tilespmem:s15+$0x50];
	[tilespmem:s15+$0xB0] =	vst v0  }
0x17c: {  	v5 =	vmul.f32 $1.131370830e+01, v5;
	v0 =	vadd.f32 v2, v4;
	v2 =	vld [tilespmem:s17+$0x1C40];
	v4 =	vmul.f32 $1.131370830e+01, v8  }
0x17d: {  	v8 =	vld [tilespmem:s15+$0xFFFFFF50]  }
0x17e: {  	[tilespmem:s15+$0x40] =	vst v0;
	v0 =	vmul.f32 $1.131370830e+01, v1;
	v1 =	vadd.f32 v3, v4;
	v4 =	vadd.f32 v6, v5;
	v5 =	vld [tilespmem:s15+$0xFFFFFFD0]  }
0x17f: {  	v3 =	vld [tilespmem:s1+$0x1C50]  }
0x180: {  	[tilespmem:s15+$0xFFFFFF40] =	vst v1;
	v1 =	vld [tilespmem:s15+$0xD0]  }
0x181: {  	[tilespmem:s15+$0xFFFFFFC0] =	vst v4;
	v0 =	vadd.f32 v2, v0;
	v2 =	vld [tilespmem:s4+$0x1C50]  }
0x182: {  	v4 =	vmul.f32 $1.131370830e+01, v7;
	v6 =	vld [tilespmem:s18+$0x1C50]  }
0x183: {  	[tilespmem:s15+$0xC0] =	vst v0  }
0x184: {  	v0 =	vadd.f32 v3, v4;
	v3 =	vld [tilespmem:s17+$0x1C50]  }
0x185: {  	v7 =	vld [tilespmem:s15+$0x60];
	v5 =	vmul.f32 $1.131370830e+01, v5;
	v4 =	vmul.f32 $1.131370830e+01, v8  }
0x186: {  	v8 =	vld [tilespmem:s15+$0xFFFFFF60]  }
0x187: {  	[tilespmem:s15+$0x50] =	vst v0;
	v0 =	vmul.f32 $1.131370830e+01, v1;
	v1 =	vadd.f32 v2, v4;
	v4 =	vadd.f32 v6, v5;
	v5 =	vld [tilespmem:s15+$0xFFFFFFE0]  }
0x188: {  	v2 =	vld [tilespmem:s1+$0x1C60]  }
0x189: {  	[tilespmem:s15+$0xFFFFFF50] =	vst v1;
	v1 =	vld [tilespmem:s15+$0xE0];
	v0 =	vadd.f32 v3, v0  }
0x18a: {  	[tilespmem:s15+$0xFFFFFFD0] =	vst v4;
	v6 =	vld [tilespmem:s4+$0x1C60]  }
0x18b: {  	v3 =	vmul.f32 $1.131370830e+01, v7;
	v7 =	vld [tilespmem:s18+$0x1C60];
	[tilespmem:s15+$0xD0] =	vst v0  }
0x18c: {  	v9 =	vld [tilespmem:s17+$0x1C60]  }
0x18d: {  	v4 =	vmul.f32 $1.131370830e+01, v8;
	v0 =	vld [tilespmem:s15+$0xFFFFFF70];
	v2 =	vadd.f32 v2, v3  }
0x18e: {  	v3 =	vld [tilespmem:s15+$0x70]  }
0x18f: {  	[tilespmem:s15+$0x60] =	vst v2;
	v2 =	vmul.f32 $1.131370830e+01, v5;
	v5 =	vmul.f32 $1.131370830e+01, v1;
	v8 =	vadd.f32 v6, v4;
	v1 =	vld [tilespmem:s15+$0xFFFFFFF0]  }
0x190: {  	s26 =	smov.u32 s2;
	s13 =	sadd.s32 $0x100, s13;
	v4 =	vld [tilespmem:s1+$0x1C70]  }
0x191: {  	s19 =	simm.s32 $0x0;
	s5 =	simm.s32 $0x10100;
	s1 =	smov.u32 s3;
	v6 =	vadd.f32 v7, v2;
	[tilespmem:s15+$0xFFFFFF60] =	vst v8;
	v2 =	vld [tilespmem:s15+$0xF0];
	v5 =	vadd.f32 v9, v5  }
.LBB2_7:
0x192: {  	s6 =	sadd.s32 s19, s12;
	s19 =	sadd.s32 $0x4, s19;
	v7 =	vld [tilespmem:s4+$0x1C70]  }
0x193: {  	[tilespmem:s15+$0xFFFFFFE0] =	vst v6;
	v3 =	vmul.f32 $1.131370830e+01, v3;
	s1 =	sadd.s32 $0x200, s1;
	s4 =	sadd.s32 $0x104, s6;
	s20 =	sadd.s32 $0x106, s6  }
0x194: {  	p1 =	slt.u32 s19, $0x7C;
	v6 =	vld [tilespmem:s18+$0x1C70];
	[tilespmem:s15+$0xE0] =	vst v5;
	s15 =	sadd.s32 $0x200, s15;
	s18 =	sadd.s32 $0x105, s6  }
0x195: {  	v0 =	vmul.f32 $1.131370830e+01, v0;
	p2 =	sgt.u32 s20, $0xC7;
	v3 =	vadd.f32 v4, v3;
	v4 =	vld [tilespmem:s17+$0x1C70];
	s17 =	sadd.s32 s1, s11;
	s20 =	simm.s32 $0xFFFF9B80  }
0x196: {  	p3 =	sgt.u32 s18, $0xC7;
	s18 =	simm.s32 $0xFFFF9B00;
	v5 =	vld [tilespmem:s15+$0x0];
	s20 =	simm.s32 @!p2 $0xFFFFFF80;
	v1 =	vmul.f32 $1.131370830e+01, v1  }
0x197: {  	p2 =	sgt.u32 s4, $0xC7;
	s4 =	simm.s32 $0xFFFF9A80;
	v8 =	vld [tilespmem:s15+$0xFFFFFF00];
	s20 =	sadd.s32 s20, s17;
	[tilespmem:s5+$0x70] =	vst v3;
	v2 =	vmul.f32 $1.131370830e+01, v2  }
0x198: {  	s6 =	sadd.s32 $0x107, s6;
	s18 =	simm.s32 @!p3 $0xFFFFFF00;
	s4 =	simm.s32 @!p2 $0xFFFFFE80;
	v3 =	vld [tilespmem:s20+$0x1C00];
	v0 =	vadd.f32 v7, v0  }
0x199: {  	p2 =	sgt.u32 s6, $0xC7;
	s6 =	sadd.s32 $0xFFFF9C00, s17;
	s4 =	sadd.s32 s4, s17;
	v7 =	vld [tilespmem:s15+$0xFFFFFF80];
	v1 =	vadd.f32 v6, v1  }
0x19a: {  	s18 =	sadd.s32 s18, s17;
	s17 =	smov.u32 @p2 s6;
	v6 =	vld [tilespmem:s15+$0x80];
	[tilespmem:s5+$0xFFFFFF70] =	vst v0;
	v0 =	vadd.f32 v4, v2  }
0x19b: {  	v2 =	vld [tilespmem:s4+$0x1C00];
	v4 =	vmul.f32 $1.131370830e+01, v5;
	[tilespmem:s5+$0xFFFFFFF0] =	vst v1  }
0x19c: {  	v1 =	vmul.f32 $1.131370830e+01, v8;
	v5 =	vld [tilespmem:s18+$0x1C00];
	[tilespmem:s5+$0xF0] =	vst v0;
	s5 =	smov.u32 s15  }
0x19d: {  	v0 =	vadd.f32 v3, v4;
	v3 =	vld [tilespmem:s17+$0x1C00]  }
0x19e: {  	v4 =	vmul.f32 $1.131370830e+01, v7;
	v7 =	vld [tilespmem:s15+$0x10]  }
0x19f: {  	v8 =	vld [tilespmem:s15+$0xFFFFFF10];
	[tilespmem:s15+$0x0] =	vst v0;
	v0 =	vmul.f32 $1.131370830e+01, v6  }
0x1a0: {  	v1 =	vadd.f32 v2, v1;
	v2 =	vld [tilespmem:s20+$0x1C10]  }
0x1a1: {  	v4 =	vadd.f32 v5, v4;
	v5 =	vld [tilespmem:s15+$0xFFFFFF90]  }
0x1a2: {  	[tilespmem:s15+$0xFFFFFF00] =	vst v1;
	v0 =	vadd.f32 v3, v0;
	v1 =	vld [tilespmem:s15+$0x90]  }
0x1a3: {  	v3 =	vld [tilespmem:s4+$0x1C10];
	[tilespmem:s15+$0xFFFFFF80] =	vst v4;
	v4 =	vmul.f32 $1.131370830e+01, v7  }
0x1a4: {  	v6 =	vmul.f32 $1.131370830e+01, v8;
	v7 =	vld [tilespmem:s18+$0x1C10];
	[tilespmem:s15+$0x80] =	vst v0  }
0x1a5: {  	v0 =	vadd.f32 v2, v4;
	v2 =	vld [tilespmem:s17+$0x1C10]  }
0x1a6: {  	v4 =	vmul.f32 $1.131370830e+01, v5;
	v5 =	vld [tilespmem:s15+$0x20]  }
0x1a7: {  	v8 =	vld [tilespmem:s15+$0xFFFFFF20];
	[tilespmem:s15+$0x10] =	vst v0;
	v0 =	vmul.f32 $1.131370830e+01, v1  }
0x1a8: {  	v1 =	vadd.f32 v3, v6;
	v3 =	vld [tilespmem:s20+$0x1C20]  }
0x1a9: {  	v4 =	vadd.f32 v7, v4;
	v6 =	vld [tilespmem:s15+$0xFFFFFFA0]  }
0x1aa: {  	[tilespmem:s15+$0xFFFFFF10] =	vst v1;
	v0 =	vadd.f32 v2, v0;
	v1 =	vld [tilespmem:s15+$0xA0]  }
0x1ab: {  	v2 =	vld [tilespmem:s4+$0x1C20];
	[tilespmem:s15+$0xFFFFFF90] =	vst v4;
	v4 =	vmul.f32 $1.131370830e+01, v5  }
0x1ac: {  	v5 =	vmul.f32 $1.131370830e+01, v8;
	v7 =	vld [tilespmem:s18+$0x1C20];
	[tilespmem:s15+$0x90] =	vst v0  }
0x1ad: {  	v0 =	vadd.f32 v3, v4;
	v3 =	vld [tilespmem:s17+$0x1C20]  }
0x1ae: {  	v4 =	vmul.f32 $1.131370830e+01, v6;
	v6 =	vld [tilespmem:s15+$0x30]  }
0x1af: {  	v8 =	vld [tilespmem:s15+$0xFFFFFF30];
	[tilespmem:s15+$0x20] =	vst v0;
	v0 =	vmul.f32 $1.131370830e+01, v1  }
0x1b0: {  	v1 =	vadd.f32 v2, v5;
	v2 =	vld [tilespmem:s20+$0x1C30]  }
0x1b1: {  	v4 =	vadd.f32 v7, v4;
	v5 =	vld [tilespmem:s15+$0xFFFFFFB0]  }
0x1b2: {  	[tilespmem:s15+$0xFFFFFF20] =	vst v1;
	v0 =	vadd.f32 v3, v0;
	v1 =	vld [tilespmem:s15+$0xB0]  }
0x1b3: {  	v3 =	vld [tilespmem:s4+$0x1C30];
	[tilespmem:s15+$0xFFFFFFA0] =	vst v4;
	v4 =	vmul.f32 $1.131370830e+01, v6  }
0x1b4: {  	v6 =	vmul.f32 $1.131370830e+01, v8;
	v7 =	vld [tilespmem:s18+$0x1C30];
	[tilespmem:s15+$0xA0] =	vst v0  }
0x1b5: {  	v0 =	vadd.f32 v2, v4;
	v2 =	vld [tilespmem:s17+$0x1C30]  }
0x1b6: {  	v4 =	vmul.f32 $1.131370830e+01, v5;
	v5 =	vld [tilespmem:s15+$0x40]  }
0x1b7: {  	v8 =	vld [tilespmem:s15+$0xFFFFFF40];
	[tilespmem:s15+$0x30] =	vst v0;
	v0 =	vmul.f32 $1.131370830e+01, v1  }
0x1b8: {  	v1 =	vadd.f32 v3, v6;
	v3 =	vld [tilespmem:s20+$0x1C40]  }
0x1b9: {  	v4 =	vadd.f32 v7, v4;
	v6 =	vld [tilespmem:s15+$0xFFFFFFC0]  }
0x1ba: {  	[tilespmem:s15+$0xFFFFFF30] =	vst v1;
	v0 =	vadd.f32 v2, v0;
	v1 =	vld [tilespmem:s15+$0xC0]  }
0x1bb: {  	v2 =	vld [tilespmem:s4+$0x1C40];
	[tilespmem:s15+$0xFFFFFFB0] =	vst v4;
	v4 =	vmul.f32 $1.131370830e+01, v5  }
0x1bc: {  	v5 =	vmul.f32 $1.131370830e+01, v8;
	v7 =	vld [tilespmem:s18+$0x1C40];
	[tilespmem:s15+$0xB0] =	vst v0  }
0x1bd: {  	v0 =	vadd.f32 v3, v4;
	v3 =	vld [tilespmem:s17+$0x1C40]  }
0x1be: {  	v4 =	vmul.f32 $1.131370830e+01, v6;
	v6 =	vld [tilespmem:s15+$0x50]  }
0x1bf: {  	v8 =	vld [tilespmem:s15+$0xFFFFFF50];
	[tilespmem:s15+$0x40] =	vst v0;
	v0 =	vmul.f32 $1.131370830e+01, v1  }
0x1c0: {  	v1 =	vadd.f32 v2, v5;
	v2 =	vld [tilespmem:s20+$0x1C50]  }
0x1c1: {  	v4 =	vadd.f32 v7, v4;
	v5 =	vld [tilespmem:s15+$0xFFFFFFD0]  }
0x1c2: {  	[tilespmem:s15+$0xFFFFFF40] =	vst v1;
	v0 =	vadd.f32 v3, v0;
	v1 =	vld [tilespmem:s15+$0xD0]  }
0x1c3: {  	v3 =	vld [tilespmem:s4+$0x1C50];
	[tilespmem:s15+$0xFFFFFFC0] =	vst v4;
	v4 =	vmul.f32 $1.131370830e+01, v6  }
0x1c4: {  	v6 =	vmul.f32 $1.131370830e+01, v8;
	v7 =	vld [tilespmem:s18+$0x1C50];
	[tilespmem:s15+$0xC0] =	vst v0  }
0x1c5: {  	v0 =	vadd.f32 v2, v4;
	v2 =	vld [tilespmem:s17+$0x1C50]  }
0x1c6: {  	v4 =	vmul.f32 $1.131370830e+01, v5;
	v5 =	vld [tilespmem:s15+$0x60]  }
0x1c7: {  	v8 =	vld [tilespmem:s15+$0xFFFFFF60];
	[tilespmem:s15+$0x50] =	vst v0;
	v0 =	vmul.f32 $1.131370830e+01, v1  }
0x1c8: {  	v1 =	vadd.f32 v3, v6;
	v3 =	vld [tilespmem:s20+$0x1C60]  }
0x1c9: {  	v4 =	vadd.f32 v7, v4;
	v6 =	vld [tilespmem:s15+$0xFFFFFFE0]  }
0x1ca: {  	[tilespmem:s15+$0xFFFFFF50] =	vst v1;
	v0 =	vadd.f32 v2, v0;
	v1 =	vld [tilespmem:s15+$0xE0]  }
0x1cb: {  	v2 =	vld [tilespmem:s4+$0x1C60];
	[tilespmem:s15+$0xFFFFFFD0] =	vst v4;
	v4 =	vmul.f32 $1.131370830e+01, v5  }
0x1cc: {  	v5 =	vmul.f32 $1.131370830e+01, v8;
	v7 =	vld [tilespmem:s18+$0x1C60];
	[tilespmem:s15+$0xD0] =	vst v0  }
0x1cd: {  	v4 =	vadd.f32 v3, v4;
	v8 =	vld [tilespmem:s17+$0x1C60]  }
.Ltmp2:
0x1ce: {  	v6 =	vmul.f32 $1.131370830e+01, v6;
	v3 =	vld [tilespmem:s15+$0x70];
	(pc) =	sbr.rel @p1 .LBB2_7-.Ltmp2, $4  }
0x1cf: {  	v0 =	vld [tilespmem:s15+$0xFFFFFF70];
	[tilespmem:s15+$0x60] =	vst v4;
	v9 =	vmul.f32 $1.131370830e+01, v1  }
0x1d0: {  	v2 =	vadd.f32 v2, v5;
	v4 =	vld [tilespmem:s20+$0x1C70]  }
0x1d1: {  	v6 =	vadd.f32 v7, v6;
	v1 =	vld [tilespmem:s15+$0xFFFFFFF0]  }
0x1d2: {  	[tilespmem:s15+$0xFFFFFF60] =	vst v2;
	v5 =	vadd.f32 v8, v9;
	v2 =	vld [tilespmem:s15+$0xF0]  }
0x1d3: {  	v7 =	vld [tilespmem:s4+$0x1C70];
	[tilespmem:s15+$0xFFFFFFE0] =	vst v6  }
0x1d4: {  	v6 =	vld [tilespmem:s18+$0x1C70];
	[tilespmem:s15+$0xE0] =	vst v5  }
0x1d5: {  	v3 =	vmul.f32 $1.131370830e+01, v3;
	v5 =	vld [tilespmem:s17+$0x1C70]  }
0x1d6: {  	v0 =	vmul.f32 $1.131370830e+01, v0  }
0x1d7: {  	v3 =	vadd.f32 v4, v3;
	v1 =	vmul.f32 $1.131370830e+01, v1  }
0x1d8: {  	v2 =	vmul.f32 $1.131370830e+01, v2;
	v0 =	vadd.f32 v7, v0  }
0x1d9: {  	[tilespmem:s5+$0x70] =	vst v3;
	v1 =	vadd.f32 v6, v1  }
0x1da: {  	s1 =	sadd.s32 s26, s13;
	[tilespmem:s5+$0xFFFFFF70] =	vst v0;
	v0 =	vadd.f32 v5, v2  }
0x1db: {  	s1 =	sshll.u32 s1, $0x4;
	[tilespmem:s5+$0xFFFFFFF0] =	vst v1  }
0x1dc: {  	s2 =	simm.s32 $0x10000;
	s15 =	simm.s32 $0x4;
	s1 =	sadd.s32 s21, s1;
	[tilespmem:s5+$0xF0] =	vst v0  }
0x1dd: {  	[hbm4b:s1+s8] =	stream.linear.scatter [tilespmem:s2], [sflag:$0x8], $0x4000, $0x38;
	[tilespmem:$0x1C000] =	vst v63  }
0x1de: {  	_ =	swait.ge [sflag:s15], $0x4000  }
0x1df: {  	s4 =	simm.s32 @!p0 $0x80;
	s11 =	simm.s32 $0x14100;
	[sflag:s15] =	ssyncset.done $0x0  }
0x1e0: {  	s17 =	sadd.s32 $0xFFFFFFFC, s25;
	s1 =	simm.s32 @!p0 $0x7;
	[sflag:s15] =	ssyncadd.s32 $0xFFFFC000  }
0x1e1: {  	s12 =	sadd.s32 s10, s24;
	s18 =	sadd.s32 $0x186, s17;
	_ =	swait.ge @!p0 [sflag:s1], $0x4000  }
0x1e2: {  	s6 =	sadd.s32 $0x185, s17;
	p1 =	sgt.u32 s18, $0xC7;
	[sflag:s1] =	ssyncset.done @!p0 $0x0  }
0x1e3: {  	s5 =	simm.s32 @!p0 $0xC000;
	[sflag:s1] =	ssyncadd.s32 @!p0 $0xFFFFC000;
	s1 =	sadd.s32 @!p0 $0x300, s14  }
0x1e4: {  	[tilespmem:s5], [sflag:$0x2] =	stream.indirect.gather @!p0 [hbm4b:s30+s4], $0x80, s1, s4, $0xb8;
	[tilespmem:$0x1C000] =	vst v63  }
0x1e5: {  	p2 =	sgt.u32 s6, $0xC7;
	s6 =	simm.s32 $0xFFFF9B00;
	s1 =	simm.s32 $0xFFFF9B80;
	v0 =	vld [tilespmem:s11+$0x0]  }
0x1e6: {  	s19 =	sadd.s32 $0x184, s17;
	s6 =	simm.s32 @!p2 $0xFFFFFF00;
	s1 =	simm.s32 @!p1 $0xFFFFFF80;
	v1 =	vld [tilespmem:s11+$0xFFFFFF00]  }
0x1e7: {  	s5 =	simm.s32 $0xFFFF9A80;
	p1 =	sgt.u32 s19, $0xC7;
	v3 =	vld [tilespmem:s11+$0xFFFFFF80];
	s1 =	sadd.s32 s1, s12  }
0x1e8: {  	s13 =	sadd.s32 s6, s12;
	s5 =	simm.s32 @!p1 $0xFFFFFE80;
	v2 =	vld [tilespmem:s1+$0x1C00]  }
0x1e9: {  	v6 =	vld [tilespmem:s13+$0x1C00];
	s4 =	sadd.s32 s5, s12  }
0x1ea: {  	v5 =	vld [tilespmem:s4+$0x1C00]  }
0x1eb: {  	s20 =	sadd.s32 $0x187, s17;
	v4 =	vld [tilespmem:s11+$0x80];
	v0 =	vmul.f32 $1.131370830e+01, v0  }
0x1ec: {  	v7 =	vld [tilespmem:s11+$0x10];
	p1 =	sgt.u32 s20, $0xC7;
	s5 =	sadd.s32 $0xFFFF9C00, s12;
	v3 =	vmul.f32 $1.131370830e+01, v3  }
0x1ed: {  	v8 =	vld [tilespmem:s11+$0xFFFFFF10];
	s12 =	smov.u32 @p1 s5;
	v1 =	vmul.f32 $1.131370830e+01, v1;
	v0 =	vadd.f32 v2, v0  }
0x1ee: {  	v2 =	vld [tilespmem:s12+$0x1C00];
	v3 =	vadd.f32 v6, v3  }
0x1ef: {  	v1 =	vadd.f32 v5, v1;
	v5 =	vld [tilespmem:s11+$0xFFFFFF90];
	[tilespmem:s11+$0x0] =	vst v0  }
0x1f0: {  	v0 =	vmul.f32 $1.131370830e+01, v4;
	[tilespmem:s11+$0xFFFFFF80] =	vst v3;
	v4 =	vld [tilespmem:s1+$0x1C10]  }
0x1f1: {  	[tilespmem:s11+$0xFFFFFF00] =	vst v1;
	v1 =	vld [tilespmem:s11+$0x90]  }
0x1f2: {  	v6 =	vld [tilespmem:s13+$0x1C10]  }
0x1f3: {  	v0 =	vadd.f32 v2, v0;
	v2 =	vld [tilespmem:s4+$0x1C10]  }
0x1f4: {  	v3 =	vmul.f32 $1.131370830e+01, v7  }
0x1f5: {  	v7 =	vld [tilespmem:s11+$0x20];
	[tilespmem:s11+$0x80] =	vst v0  }
0x1f6: {  	v5 =	vmul.f32 $1.131370830e+01, v5;
	v0 =	vadd.f32 v4, v3;
	v3 =	vld [tilespmem:s12+$0x1C10];
	v4 =	vmul.f32 $1.131370830e+01, v8  }
0x1f7: {  	v8 =	vld [tilespmem:s11+$0xFFFFFF20]  }
0x1f8: {  	[tilespmem:s11+$0x10] =	vst v0;
	v0 =	vmul.f32 $1.131370830e+01, v1;
	v1 =	vadd.f32 v2, v4;
	v4 =	vadd.f32 v6, v5;
	v5 =	vld [tilespmem:s11+$0xFFFFFFA0]  }
0x1f9: {  	v2 =	vld [tilespmem:s1+$0x1C20]  }
0x1fa: {  	[tilespmem:s11+$0xFFFFFF10] =	vst v1;
	v1 =	vld [tilespmem:s11+$0xA0]  }
0x1fb: {  	[tilespmem:s11+$0xFFFFFF90] =	vst v4;
	v0 =	vadd.f32 v3, v0;
	v3 =	vld [tilespmem:s4+$0x1C20]  }
0x1fc: {  	v6 =	vld [tilespmem:s13+$0x1C20]  }
0x1fd: {  	v4 =	vmul.f32 $1.131370830e+01, v7  }
0x1fe: {  	v7 =	vld [tilespmem:s11+$0x30];
	[tilespmem:s11+$0x90] =	vst v0  }
0x1ff: {  	v5 =	vmul.f32 $1.131370830e+01, v5;
	v0 =	vadd.f32 v2, v4;
	v2 =	vld [tilespmem:s12+$0x1C20];
	v4 =	vmul.f32 $1.131370830e+01, v8  }
0x200: {  	v8 =	vld [tilespmem:s11+$0xFFFFFF30]  }
0x201: {  	[tilespmem:s11+$0x20] =	vst v0;
	v0 =	vmul.f32 $1.131370830e+01, v1;
	v1 =	vadd.f32 v3, v4;
	v4 =	vadd.f32 v6, v5;
	v5 =	vld [tilespmem:s11+$0xFFFFFFB0]  }
0x202: {  	v3 =	vld [tilespmem:s1+$0x1C30]  }
0x203: {  	[tilespmem:s11+$0xFFFFFF20] =	vst v1;
	v1 =	vld [tilespmem:s11+$0xB0]  }
0x204: {  	[tilespmem:s11+$0xFFFFFFA0] =	vst v4;
	v0 =	vadd.f32 v2, v0;
	v2 =	vld [tilespmem:s4+$0x1C30]  }
0x205: {  	v6 =	vld [tilespmem:s13+$0x1C30]  }
0x206: {  	v4 =	vmul.f32 $1.131370830e+01, v7  }
0x207: {  	v7 =	vld [tilespmem:s11+$0x40];
	[tilespmem:s11+$0xA0] =	vst v0  }
0x208: {  	v5 =	vmul.f32 $1.131370830e+01, v5;
	v0 =	vadd.f32 v3, v4;
	v3 =	vld [tilespmem:s12+$0x1C30];
	v4 =	vmul.f32 $1.131370830e+01, v8  }
0x209: {  	v8 =	vld [tilespmem:s11+$0xFFFFFF40]  }
0x20a: {  	[tilespmem:s11+$0x30] =	vst v0;
	v0 =	vmul.f32 $1.131370830e+01, v1;
	v1 =	vadd.f32 v2, v4;
	v4 =	vadd.f32 v6, v5;
	v5 =	vld [tilespmem:s11+$0xFFFFFFC0]  }
0x20b: {  	v2 =	vld [tilespmem:s1+$0x1C40]  }
0x20c: {  	[tilespmem:s11+$0xFFFFFF30] =	vst v1;
	v1 =	vld [tilespmem:s11+$0xC0]  }
0x20d: {  	[tilespmem:s11+$0xFFFFFFB0] =	vst v4;
	v0 =	vadd.f32 v3, v0;
	v3 =	vld [tilespmem:s4+$0x1C40]  }
0x20e: {  	v6 =	vld [tilespmem:s13+$0x1C40]  }
0x20f: {  	v4 =	vmul.f32 $1.131370830e+01, v7  }
0x210: {  	v7 =	vld [tilespmem:s11+$0x50];
	[tilespmem:s11+$0xB0] =	vst v0  }
0x211: {  	v5 =	vmul.f32 $1.131370830e+01, v5;
	v0 =	vadd.f32 v2, v4;
	v2 =	vld [tilespmem:s12+$0x1C40];
	v4 =	vmul.f32 $1.131370830e+01, v8  }
0x212: {  	v8 =	vld [tilespmem:s11+$0xFFFFFF50]  }
0x213: {  	[tilespmem:s11+$0x40] =	vst v0;
	v0 =	vmul.f32 $1.131370830e+01, v1;
	v1 =	vadd.f32 v3, v4;
	v4 =	vadd.f32 v6, v5;
	v5 =	vld [tilespmem:s11+$0xFFFFFFD0]  }
0x214: {  	v3 =	vld [tilespmem:s1+$0x1C50]  }
0x215: {  	[tilespmem:s11+$0xFFFFFF40] =	vst v1;
	v1 =	vld [tilespmem:s11+$0xD0]  }
0x216: {  	[tilespmem:s11+$0xFFFFFFC0] =	vst v4;
	v0 =	vadd.f32 v2, v0;
	v2 =	vld [tilespmem:s4+$0x1C50]  }
0x217: {  	v4 =	vmul.f32 $1.131370830e+01, v7;
	v6 =	vld [tilespmem:s13+$0x1C50]  }
0x218: {  	[tilespmem:s11+$0xC0] =	vst v0  }
0x219: {  	v0 =	vadd.f32 v3, v4;
	v3 =	vld [tilespmem:s12+$0x1C50]  }
0x21a: {  	v7 =	vld [tilespmem:s11+$0x60];
	v5 =	vmul.f32 $1.131370830e+01, v5;
	v4 =	vmul.f32 $1.131370830e+01, v8  }
0x21b: {  	v8 =	vld [tilespmem:s11+$0xFFFFFF60]  }
0x21c: {  	[tilespmem:s11+$0x50] =	vst v0;
	v0 =	vmul.f32 $1.131370830e+01, v1;
	v1 =	vadd.f32 v2, v4;
	v4 =	vadd.f32 v6, v5;
	v5 =	vld [tilespmem:s11+$0xFFFFFFE0]  }
0x21d: {  	v2 =	vld [tilespmem:s1+$0x1C60]  }
0x21e: {  	[tilespmem:s11+$0xFFFFFF50] =	vst v1;
	v1 =	vld [tilespmem:s11+$0xE0];
	v0 =	vadd.f32 v3, v0  }
0x21f: {  	[tilespmem:s11+$0xFFFFFFD0] =	vst v4;
	v6 =	vld [tilespmem:s4+$0x1C60]  }
0x220: {  	v3 =	vmul.f32 $1.131370830e+01, v7;
	v7 =	vld [tilespmem:s13+$0x1C60];
	[tilespmem:s11+$0xD0] =	vst v0  }
0x221: {  	v9 =	vld [tilespmem:s12+$0x1C60]  }
0x222: {  	v4 =	vmul.f32 $1.131370830e+01, v8;
	v0 =	vld [tilespmem:s11+$0xFFFFFF70];
	v2 =	vadd.f32 v2, v3  }
0x223: {  	v3 =	vld [tilespmem:s11+$0x70]  }
0x224: {  	[tilespmem:s11+$0x60] =	vst v2;
	v2 =	vmul.f32 $1.131370830e+01, v5;
	v5 =	vmul.f32 $1.131370830e+01, v1;
	v8 =	vadd.f32 v6, v4;
	v1 =	vld [tilespmem:s11+$0xFFFFFFF0]  }
0x225: {  	s17 =	simm.s32 $0x0;
	v4 =	vld [tilespmem:s1+$0x1C70];
	s31 =	rddreg [dreg:$0xc]  }
0x226: {  	s5 =	simm.s32 $0x14100;
	s1 =	smov.u32 s10;
	s15 =	sshll.u32 s31, $0x7;
	v6 =	vadd.f32 v7, v2;
	[tilespmem:s11+$0xFFFFFF60] =	vst v8;
	v2 =	vld [tilespmem:s11+$0xF0];
	v5 =	vadd.f32 v9, v5  }
.LBB2_9:
0x227: {  	s6 =	sadd.s32 s17, s25;
	s17 =	sadd.s32 $0x4, s17;
	v7 =	vld [tilespmem:s4+$0x1C70]  }
0x228: {  	[tilespmem:s11+$0xFFFFFFE0] =	vst v6;
	v3 =	vmul.f32 $1.131370830e+01, v3;
	s1 =	sadd.s32 $0x200, s1;
	s4 =	sadd.s32 $0x184, s6;
	s18 =	sadd.s32 $0x186, s6  }
0x229: {  	p1 =	slt.u32 s17, $0x7C;
	v6 =	vld [tilespmem:s13+$0x1C70];
	[tilespmem:s11+$0xE0] =	vst v5;
	s11 =	sadd.s32 $0x200, s11;
	s13 =	sadd.s32 $0x185, s6  }
0x22a: {  	v0 =	vmul.f32 $1.131370830e+01, v0;
	p2 =	sgt.u32 s18, $0xC7;
	v3 =	vadd.f32 v4, v3;
	v4 =	vld [tilespmem:s12+$0x1C70];
	s12 =	sadd.s32 s1, s24;
	s18 =	simm.s32 $0xFFFF9B80  }
0x22b: {  	p3 =	sgt.u32 s13, $0xC7;
	s13 =	simm.s32 $0xFFFF9B00;
	v5 =	vld [tilespmem:s11+$0x0];
	s18 =	simm.s32 @!p2 $0xFFFFFF80;
	v1 =	vmul.f32 $1.131370830e+01, v1  }
0x22c: {  	p2 =	sgt.u32 s4, $0xC7;
	s4 =	simm.s32 $0xFFFF9A80;
	v8 =	vld [tilespmem:s11+$0xFFFFFF00];
	s18 =	sadd.s32 s18, s12;
	[tilespmem:s5+$0x70] =	vst v3;
	v2 =	vmul.f32 $1.131370830e+01, v2  }
0x22d: {  	s6 =	sadd.s32 $0x187, s6;
	s13 =	simm.s32 @!p3 $0xFFFFFF00;
	s4 =	simm.s32 @!p2 $0xFFFFFE80;
	v3 =	vld [tilespmem:s18+$0x1C00];
	v0 =	vadd.f32 v7, v0  }
0x22e: {  	p2 =	sgt.u32 s6, $0xC7;
	s6 =	sadd.s32 $0xFFFF9C00, s12;
	s4 =	sadd.s32 s4, s12;
	v7 =	vld [tilespmem:s11+$0xFFFFFF80];
	v1 =	vadd.f32 v6, v1  }
0x22f: {  	s13 =	sadd.s32 s13, s12;
	s12 =	smov.u32 @p2 s6;
	v6 =	vld [tilespmem:s11+$0x80];
	[tilespmem:s5+$0xFFFFFF70] =	vst v0;
	v0 =	vadd.f32 v4, v2  }
0x230: {  	v2 =	vld [tilespmem:s4+$0x1C00];
	v4 =	vmul.f32 $1.131370830e+01, v5;
	[tilespmem:s5+$0xFFFFFFF0] =	vst v1  }
0x231: {  	v1 =	vmul.f32 $1.131370830e+01, v8;
	v5 =	vld [tilespmem:s13+$0x1C00];
	[tilespmem:s5+$0xF0] =	vst v0;
	s5 =	smov.u32 s11  }
0x232: {  	v0 =	vadd.f32 v3, v4;
	v3 =	vld [tilespmem:s12+$0x1C00]  }
0x233: {  	v4 =	vmul.f32 $1.131370830e+01, v7;
	v7 =	vld [tilespmem:s11+$0x10]  }
0x234: {  	v8 =	vld [tilespmem:s11+$0xFFFFFF10];
	[tilespmem:s11+$0x0] =	vst v0;
	v0 =	vmul.f32 $1.131370830e+01, v6  }
0x235: {  	v1 =	vadd.f32 v2, v1;
	v2 =	vld [tilespmem:s18+$0x1C10]  }
0x236: {  	v4 =	vadd.f32 v5, v4;
	v5 =	vld [tilespmem:s11+$0xFFFFFF90]  }
0x237: {  	[tilespmem:s11+$0xFFFFFF00] =	vst v1;
	v0 =	vadd.f32 v3, v0;
	v1 =	vld [tilespmem:s11+$0x90]  }
0x238: {  	v3 =	vld [tilespmem:s4+$0x1C10];
	[tilespmem:s11+$0xFFFFFF80] =	vst v4;
	v4 =	vmul.f32 $1.131370830e+01, v7  }
0x239: {  	v6 =	vmul.f32 $1.131370830e+01, v8;
	v7 =	vld [tilespmem:s13+$0x1C10];
	[tilespmem:s11+$0x80] =	vst v0  }
0x23a: {  	v0 =	vadd.f32 v2, v4;
	v2 =	vld [tilespmem:s12+$0x1C10]  }
0x23b: {  	v4 =	vmul.f32 $1.131370830e+01, v5;
	v5 =	vld [tilespmem:s11+$0x20]  }
0x23c: {  	v8 =	vld [tilespmem:s11+$0xFFFFFF20];
	[tilespmem:s11+$0x10] =	vst v0;
	v0 =	vmul.f32 $1.131370830e+01, v1  }
0x23d: {  	v1 =	vadd.f32 v3, v6;
	v3 =	vld [tilespmem:s18+$0x1C20]  }
0x23e: {  	v4 =	vadd.f32 v7, v4;
	v6 =	vld [tilespmem:s11+$0xFFFFFFA0]  }
0x23f: {  	[tilespmem:s11+$0xFFFFFF10] =	vst v1;
	v0 =	vadd.f32 v2, v0;
	v1 =	vld [tilespmem:s11+$0xA0]  }
0x240: {  	v2 =	vld [tilespmem:s4+$0x1C20];
	[tilespmem:s11+$0xFFFFFF90] =	vst v4;
	v4 =	vmul.f32 $1.131370830e+01, v5  }
0x241: {  	v5 =	vmul.f32 $1.131370830e+01, v8;
	v7 =	vld [tilespmem:s13+$0x1C20];
	[tilespmem:s11+$0x90] =	vst v0  }
0x242: {  	v0 =	vadd.f32 v3, v4;
	v3 =	vld [tilespmem:s12+$0x1C20]  }
0x243: {  	v4 =	vmul.f32 $1.131370830e+01, v6;
	v6 =	vld [tilespmem:s11+$0x30]  }
0x244: {  	v8 =	vld [tilespmem:s11+$0xFFFFFF30];
	[tilespmem:s11+$0x20] =	vst v0;
	v0 =	vmul.f32 $1.131370830e+01, v1  }
0x245: {  	v1 =	vadd.f32 v2, v5;
	v2 =	vld [tilespmem:s18+$0x1C30]  }
0x246: {  	v4 =	vadd.f32 v7, v4;
	v5 =	vld [tilespmem:s11+$0xFFFFFFB0]  }
0x247: {  	[tilespmem:s11+$0xFFFFFF20] =	vst v1;
	v0 =	vadd.f32 v3, v0;
	v1 =	vld [tilespmem:s11+$0xB0]  }
0x248: {  	v3 =	vld [tilespmem:s4+$0x1C30];
	[tilespmem:s11+$0xFFFFFFA0] =	vst v4;
	v4 =	vmul.f32 $1.131370830e+01, v6  }
0x249: {  	v6 =	vmul.f32 $1.131370830e+01, v8;
	v7 =	vld [tilespmem:s13+$0x1C30];
	[tilespmem:s11+$0xA0] =	vst v0  }
0x24a: {  	v0 =	vadd.f32 v2, v4;
	v2 =	vld [tilespmem:s12+$0x1C30]  }
0x24b: {  	v4 =	vmul.f32 $1.131370830e+01, v5;
	v5 =	vld [tilespmem:s11+$0x40]  }
0x24c: {  	v8 =	vld [tilespmem:s11+$0xFFFFFF40];
	[tilespmem:s11+$0x30] =	vst v0;
	v0 =	vmul.f32 $1.131370830e+01, v1  }
0x24d: {  	v1 =	vadd.f32 v3, v6;
	v3 =	vld [tilespmem:s18+$0x1C40]  }
0x24e: {  	v4 =	vadd.f32 v7, v4;
	v6 =	vld [tilespmem:s11+$0xFFFFFFC0]  }
0x24f: {  	[tilespmem:s11+$0xFFFFFF30] =	vst v1;
	v0 =	vadd.f32 v2, v0;
	v1 =	vld [tilespmem:s11+$0xC0]  }
0x250: {  	v2 =	vld [tilespmem:s4+$0x1C40];
	[tilespmem:s11+$0xFFFFFFB0] =	vst v4;
	v4 =	vmul.f32 $1.131370830e+01, v5  }
0x251: {  	v5 =	vmul.f32 $1.131370830e+01, v8;
	v7 =	vld [tilespmem:s13+$0x1C40];
	[tilespmem:s11+$0xB0] =	vst v0  }
0x252: {  	v0 =	vadd.f32 v3, v4;
	v3 =	vld [tilespmem:s12+$0x1C40]  }
0x253: {  	v4 =	vmul.f32 $1.131370830e+01, v6;
	v6 =	vld [tilespmem:s11+$0x50]  }
0x254: {  	v8 =	vld [tilespmem:s11+$0xFFFFFF50];
	[tilespmem:s11+$0x40] =	vst v0;
	v0 =	vmul.f32 $1.131370830e+01, v1  }
0x255: {  	v1 =	vadd.f32 v2, v5;
	v2 =	vld [tilespmem:s18+$0x1C50]  }
0x256: {  	v4 =	vadd.f32 v7, v4;
	v5 =	vld [tilespmem:s11+$0xFFFFFFD0]  }
0x257: {  	[tilespmem:s11+$0xFFFFFF40] =	vst v1;
	v0 =	vadd.f32 v3, v0;
	v1 =	vld [tilespmem:s11+$0xD0]  }
0x258: {  	v3 =	vld [tilespmem:s4+$0x1C50];
	[tilespmem:s11+$0xFFFFFFC0] =	vst v4;
	v4 =	vmul.f32 $1.131370830e+01, v6  }
0x259: {  	v6 =	vmul.f32 $1.131370830e+01, v8;
	v7 =	vld [tilespmem:s13+$0x1C50];
	[tilespmem:s11+$0xC0] =	vst v0  }
0x25a: {  	v0 =	vadd.f32 v2, v4;
	v2 =	vld [tilespmem:s12+$0x1C50]  }
0x25b: {  	v4 =	vmul.f32 $1.131370830e+01, v5;
	v5 =	vld [tilespmem:s11+$0x60]  }
0x25c: {  	v8 =	vld [tilespmem:s11+$0xFFFFFF60];
	[tilespmem:s11+$0x50] =	vst v0;
	v0 =	vmul.f32 $1.131370830e+01, v1  }
0x25d: {  	v1 =	vadd.f32 v3, v6;
	v3 =	vld [tilespmem:s18+$0x1C60]  }
0x25e: {  	v4 =	vadd.f32 v7, v4;
	v6 =	vld [tilespmem:s11+$0xFFFFFFE0]  }
0x25f: {  	[tilespmem:s11+$0xFFFFFF50] =	vst v1;
	v0 =	vadd.f32 v2, v0;
	v1 =	vld [tilespmem:s11+$0xE0]  }
0x260: {  	v2 =	vld [tilespmem:s4+$0x1C60];
	[tilespmem:s11+$0xFFFFFFD0] =	vst v4;
	v4 =	vmul.f32 $1.131370830e+01, v5  }
0x261: {  	v5 =	vmul.f32 $1.131370830e+01, v8;
	v7 =	vld [tilespmem:s13+$0x1C60];
	[tilespmem:s11+$0xD0] =	vst v0  }
0x262: {  	v4 =	vadd.f32 v3, v4;
	v8 =	vld [tilespmem:s12+$0x1C60]  }
.Ltmp3:
0x263: {  	v6 =	vmul.f32 $1.131370830e+01, v6;
	v3 =	vld [tilespmem:s11+$0x70];
	(pc) =	sbr.rel @p1 .LBB2_9-.Ltmp3, $4  }
0x264: {  	v0 =	vld [tilespmem:s11+$0xFFFFFF70];
	[tilespmem:s11+$0x60] =	vst v4;
	v9 =	vmul.f32 $1.131370830e+01, v1  }
0x265: {  	v2 =	vadd.f32 v2, v5;
	v4 =	vld [tilespmem:s18+$0x1C70]  }
0x266: {  	v6 =	vadd.f32 v7, v6;
	v1 =	vld [tilespmem:s11+$0xFFFFFFF0]  }
0x267: {  	[tilespmem:s11+$0xFFFFFF60] =	vst v2;
	v5 =	vadd.f32 v8, v9;
	v2 =	vld [tilespmem:s11+$0xF0]  }
0x268: {  	v7 =	vld [tilespmem:s4+$0x1C70];
	[tilespmem:s11+$0xFFFFFFE0] =	vst v6  }
0x269: {  	v6 =	vld [tilespmem:s13+$0x1C70];
	[tilespmem:s11+$0xE0] =	vst v5  }
0x26a: {  	v3 =	vmul.f32 $1.131370830e+01, v3;
	v5 =	vld [tilespmem:s12+$0x1C70]  }
0x26b: {  	v0 =	vmul.f32 $1.131370830e+01, v0  }
0x26c: {  	v3 =	vadd.f32 v4, v3;
	v1 =	vmul.f32 $1.131370830e+01, v1  }
0x26d: {  	v2 =	vmul.f32 $1.131370830e+01, v2;
	v0 =	vadd.f32 v7, v0  }
0x26e: {  	[tilespmem:s5+$0x70] =	vst v3;
	v1 =	vadd.f32 v6, v1  }
0x26f: {  	s1 =	sadd.s32 s26, s15;
	[tilespmem:s5+$0xFFFFFF70] =	vst v0;
	v0 =	vadd.f32 v5, v2  }
0x270: {  	s1 =	sshll.u32 s1, $0x4;
	[tilespmem:s5+$0xFFFFFFF0] =	vst v1  }
0x271: {  	s2 =	simm.s32 $0x14000;
	s19 =	simm.s32 $0x5;
	s1 =	sadd.s32 s21, s1;
	[tilespmem:s5+$0xF0] =	vst v0  }
0x272: {  	[hbm4b:s1+s8] =	stream.linear.scatter [tilespmem:s2], [sflag:$0x9], $0x4000, $0x38;
	[tilespmem:$0x1C000] =	vst v63  }
0x273: {  	_ =	swait.ge [sflag:s19], $0x4000  }
0x274: {  	s4 =	simm.s32 @!p0 $0x80;
	s20 =	sadd.s32 $0xFFFFFFFC, s23;
	[sflag:s19] =	ssyncset.done $0x0  }
0x275: {  	s24 =	sadd.s32 $0x206, s20;
	s1 =	simm.s32 @!p0 $0x8;
	[sflag:s19] =	ssyncadd.s32 $0xFFFFC000  }
0x276: {  	s11 =	simm.s32 $0x18100;
	s6 =	sadd.s32 $0x205, s20;
	_ =	swait.ge @!p0 [sflag:s1], $0x4000  }
0x277: {  	s25 =	sadd.s32 $0x204, s20;
	p1 =	sgt.u32 s6, $0xC7;
	[sflag:s1] =	ssyncset.done @!p0 $0x0  }
0x278: {  	s5 =	simm.s32 @!p0 $0x10000;
	[sflag:s1] =	ssyncadd.s32 @!p0 $0xFFFFC000;
	s1 =	sadd.s32 @!p0 $0x380, s14  }
0x279: {  	[tilespmem:s5], [sflag:$0x3] =	stream.indirect.gather @!p0 [hbm4b:s30+s4], $0x80, s1, s4, $0xb8;
	[tilespmem:$0x1C000] =	vst v63  }
0x27a: {  	s6 =	simm.s32 $0xFFFF9B00;
	p0 =	sgt.u32 s24, $0xC7;
	s1 =	simm.s32 $0xFFFF9B80;
	v0 =	vld [tilespmem:s11+$0x0]  }
0x27b: {  	s12 =	sadd.s32 s7, s22;
	s6 =	simm.s32 @!p1 $0xFFFFFF00;
	s1 =	simm.s32 @!p0 $0xFFFFFF80;
	v1 =	vld [tilespmem:s11+$0xFFFFFF00]  }
0x27c: {  	s5 =	simm.s32 $0xFFFF9A80;
	p0 =	sgt.u32 s25, $0xC7;
	v3 =	vld [tilespmem:s11+$0xFFFFFF80];
	s1 =	sadd.s32 s1, s12  }
0x27d: {  	s13 =	sadd.s32 s6, s12;
	s5 =	simm.s32 @!p0 $0xFFFFFE80;
	v2 =	vld [tilespmem:s1+$0x1C00]  }
0x27e: {  	v6 =	vld [tilespmem:s13+$0x1C00];
	s4 =	sadd.s32 s5, s12  }
0x27f: {  	v5 =	vld [tilespmem:s4+$0x1C00]  }
0x280: {  	s31 =	sadd.s32 $0x207, s20;
	v4 =	vld [tilespmem:s11+$0x80];
	v0 =	vmul.f32 $1.131370830e+01, v0  }
0x281: {  	v7 =	vld [tilespmem:s11+$0x10];
	p0 =	sgt.u32 s31, $0xC7;
	s5 =	sadd.s32 $0xFFFF9C00, s12;
	v3 =	vmul.f32 $1.131370830e+01, v3  }
0x282: {  	v8 =	vld [tilespmem:s11+$0xFFFFFF10];
	s12 =	smov.u32 @p0 s5;
	v1 =	vmul.f32 $1.131370830e+01, v1;
	v0 =	vadd.f32 v2, v0  }
0x283: {  	v2 =	vld [tilespmem:s12+$0x1C00];
	v3 =	vadd.f32 v6, v3  }
0x284: {  	v1 =	vadd.f32 v5, v1;
	v5 =	vld [tilespmem:s11+$0xFFFFFF90];
	[tilespmem:s11+$0x0] =	vst v0  }
0x285: {  	v0 =	vmul.f32 $1.131370830e+01, v4;
	[tilespmem:s11+$0xFFFFFF80] =	vst v3;
	v4 =	vld [tilespmem:s1+$0x1C10]  }
0x286: {  	[tilespmem:s11+$0xFFFFFF00] =	vst v1;
	v1 =	vld [tilespmem:s11+$0x90]  }
0x287: {  	v6 =	vld [tilespmem:s13+$0x1C10]  }
0x288: {  	v0 =	vadd.f32 v2, v0;
	v2 =	vld [tilespmem:s4+$0x1C10]  }
0x289: {  	v3 =	vmul.f32 $1.131370830e+01, v7  }
0x28a: {  	v7 =	vld [tilespmem:s11+$0x20];
	[tilespmem:s11+$0x80] =	vst v0  }
0x28b: {  	v5 =	vmul.f32 $1.131370830e+01, v5;
	v0 =	vadd.f32 v4, v3;
	v3 =	vld [tilespmem:s12+$0x1C10];
	v4 =	vmul.f32 $1.131370830e+01, v8  }
0x28c: {  	v8 =	vld [tilespmem:s11+$0xFFFFFF20]  }
0x28d: {  	[tilespmem:s11+$0x10] =	vst v0;
	v0 =	vmul.f32 $1.131370830e+01, v1;
	v1 =	vadd.f32 v2, v4;
	v4 =	vadd.f32 v6, v5;
	v5 =	vld [tilespmem:s11+$0xFFFFFFA0]  }
0x28e: {  	v2 =	vld [tilespmem:s1+$0x1C20]  }
0x28f: {  	[tilespmem:s11+$0xFFFFFF10] =	vst v1;
	v1 =	vld [tilespmem:s11+$0xA0]  }
0x290: {  	[tilespmem:s11+$0xFFFFFF90] =	vst v4;
	v0 =	vadd.f32 v3, v0;
	v3 =	vld [tilespmem:s4+$0x1C20]  }
0x291: {  	v6 =	vld [tilespmem:s13+$0x1C20]  }
0x292: {  	v4 =	vmul.f32 $1.131370830e+01, v7  }
0x293: {  	v7 =	vld [tilespmem:s11+$0x30];
	[tilespmem:s11+$0x90] =	vst v0  }
0x294: {  	v5 =	vmul.f32 $1.131370830e+01, v5;
	v0 =	vadd.f32 v2, v4;
	v2 =	vld [tilespmem:s12+$0x1C20];
	v4 =	vmul.f32 $1.131370830e+01, v8  }
0x295: {  	v8 =	vld [tilespmem:s11+$0xFFFFFF30]  }
0x296: {  	[tilespmem:s11+$0x20] =	vst v0;
	v0 =	vmul.f32 $1.131370830e+01, v1;
	v1 =	vadd.f32 v3, v4;
	v4 =	vadd.f32 v6, v5;
	v5 =	vld [tilespmem:s11+$0xFFFFFFB0]  }
0x297: {  	v3 =	vld [tilespmem:s1+$0x1C30]  }
0x298: {  	[tilespmem:s11+$0xFFFFFF20] =	vst v1;
	v1 =	vld [tilespmem:s11+$0xB0]  }
0x299: {  	[tilespmem:s11+$0xFFFFFFA0] =	vst v4;
	v0 =	vadd.f32 v2, v0;
	v2 =	vld [tilespmem:s4+$0x1C30]  }
0x29a: {  	v6 =	vld [tilespmem:s13+$0x1C30]  }
0x29b: {  	v4 =	vmul.f32 $1.131370830e+01, v7  }
0x29c: {  	v7 =	vld [tilespmem:s11+$0x40];
	[tilespmem:s11+$0xA0] =	vst v0  }
0x29d: {  	v5 =	vmul.f32 $1.131370830e+01, v5;
	v0 =	vadd.f32 v3, v4;
	v3 =	vld [tilespmem:s12+$0x1C30];
	v4 =	vmul.f32 $1.131370830e+01, v8  }
0x29e: {  	v8 =	vld [tilespmem:s11+$0xFFFFFF40]  }
0x29f: {  	[tilespmem:s11+$0x30] =	vst v0;
	v0 =	vmul.f32 $1.131370830e+01, v1;
	v1 =	vadd.f32 v2, v4;
	v4 =	vadd.f32 v6, v5;
	v5 =	vld [tilespmem:s11+$0xFFFFFFC0]  }
0x2a0: {  	v2 =	vld [tilespmem:s1+$0x1C40]  }
0x2a1: {  	[tilespmem:s11+$0xFFFFFF30] =	vst v1;
	v1 =	vld [tilespmem:s11+$0xC0]  }
0x2a2: {  	[tilespmem:s11+$0xFFFFFFB0] =	vst v4;
	v0 =	vadd.f32 v3, v0;
	v3 =	vld [tilespmem:s4+$0x1C40]  }
0x2a3: {  	v6 =	vld [tilespmem:s13+$0x1C40]  }
0x2a4: {  	v4 =	vmul.f32 $1.131370830e+01, v7  }
0x2a5: {  	v7 =	vld [tilespmem:s11+$0x50];
	[tilespmem:s11+$0xB0] =	vst v0  }
0x2a6: {  	v5 =	vmul.f32 $1.131370830e+01, v5;
	v0 =	vadd.f32 v2, v4;
	v2 =	vld [tilespmem:s12+$0x1C40];
	v4 =	vmul.f32 $1.131370830e+01, v8  }
0x2a7: {  	v8 =	vld [tilespmem:s11+$0xFFFFFF50]  }
0x2a8: {  	[tilespmem:s11+$0x40] =	vst v0;
	v0 =	vmul.f32 $1.131370830e+01, v1;
	v1 =	vadd.f32 v3, v4;
	v4 =	vadd.f32 v6, v5;
	v5 =	vld [tilespmem:s11+$0xFFFFFFD0]  }
0x2a9: {  	v3 =	vld [tilespmem:s1+$0x1C50]  }
0x2aa: {  	[tilespmem:s11+$0xFFFFFF40] =	vst v1;
	v1 =	vld [tilespmem:s11+$0xD0]  }
0x2ab: {  	[tilespmem:s11+$0xFFFFFFC0] =	vst v4;
	v0 =	vadd.f32 v2, v0;
	v2 =	vld [tilespmem:s4+$0x1C50]  }
0x2ac: {  	v4 =	vmul.f32 $1.131370830e+01, v7;
	v6 =	vld [tilespmem:s13+$0x1C50]  }
0x2ad: {  	[tilespmem:s11+$0xC0] =	vst v0  }
0x2ae: {  	v0 =	vadd.f32 v3, v4;
	v3 =	vld [tilespmem:s12+$0x1C50]  }
0x2af: {  	v7 =	vld [tilespmem:s11+$0x60];
	v5 =	vmul.f32 $1.131370830e+01, v5;
	v4 =	vmul.f32 $1.131370830e+01, v8  }
0x2b0: {  	v8 =	vld [tilespmem:s11+$0xFFFFFF60]  }
0x2b1: {  	[tilespmem:s11+$0x50] =	vst v0;
	v0 =	vmul.f32 $1.131370830e+01, v1;
	v1 =	vadd.f32 v2, v4;
	v4 =	vadd.f32 v6, v5;
	v5 =	vld [tilespmem:s11+$0xFFFFFFE0]  }
0x2b2: {  	v2 =	vld [tilespmem:s1+$0x1C60]  }
0x2b3: {  	[tilespmem:s11+$0xFFFFFF50] =	vst v1;
	v1 =	vld [tilespmem:s11+$0xE0];
	v0 =	vadd.f32 v3, v0  }
0x2b4: {  	[tilespmem:s11+$0xFFFFFFD0] =	vst v4;
	v6 =	vld [tilespmem:s4+$0x1C60]  }
0x2b5: {  	v3 =	vmul.f32 $1.131370830e+01, v7;
	v7 =	vld [tilespmem:s13+$0x1C60];
	[tilespmem:s11+$0xD0] =	vst v0  }
0x2b6: {  	v9 =	vld [tilespmem:s12+$0x1C60]  }
0x2b7: {  	v4 =	vmul.f32 $1.131370830e+01, v8;
	v0 =	vld [tilespmem:s11+$0xFFFFFF70];
	v2 =	vadd.f32 v2, v3  }
0x2b8: {  	v3 =	vld [tilespmem:s11+$0x70]  }
0x2b9: {  	[tilespmem:s11+$0x60] =	vst v2;
	v2 =	vmul.f32 $1.131370830e+01, v5;
	v5 =	vmul.f32 $1.131370830e+01, v1;
	v8 =	vadd.f32 v6, v4;
	v1 =	vld [tilespmem:s11+$0xFFFFFFF0]  }
0x2ba: {  	s15 =	simm.s32 $0x0;
	v4 =	vld [tilespmem:s1+$0x1C70]  }
0x2bb: {  	s14 =	sshll.u32 s28, $0x7;
	s5 =	simm.s32 $0x18100;
	s1 =	smov.u32 s7;
	v6 =	vadd.f32 v7, v2;
	[tilespmem:s11+$0xFFFFFF60] =	vst v8;
	v2 =	vld [tilespmem:s11+$0xF0];
	v5 =	vadd.f32 v9, v5  }
.LBB2_11:
0x2bc: {  	s6 =	sadd.s32 s15, s23;
	s15 =	sadd.s32 $0x4, s15;
	v7 =	vld [tilespmem:s4+$0x1C70]  }
0x2bd: {  	[tilespmem:s11+$0xFFFFFFE0] =	vst v6;
	v3 =	vmul.f32 $1.131370830e+01, v3;
	s1 =	sadd.s32 $0x200, s1;
	s4 =	sadd.s32 $0x204, s6;
	s17 =	sadd.s32 $0x206, s6  }
0x2be: {  	p0 =	slt.u32 s15, $0x7C;
	v6 =	vld [tilespmem:s13+$0x1C70];
	[tilespmem:s11+$0xE0] =	vst v5;
	s11 =	sadd.s32 $0x200, s11;
	s13 =	sadd.s32 $0x205, s6  }
0x2bf: {  	v0 =	vmul.f32 $1.131370830e+01, v0;
	p1 =	sgt.u32 s17, $0xC7;
	v3 =	vadd.f32 v4, v3;
	v4 =	vld [tilespmem:s12+$0x1C70];
	s12 =	sadd.s32 s1, s22;
	s17 =	simm.s32 $0xFFFF9B80  }
0x2c0: {  	p2 =	sgt.u32 s13, $0xC7;
	s13 =	simm.s32 $0xFFFF9B00;
	v5 =	vld [tilespmem:s11+$0x0];
	s17 =	simm.s32 @!p1 $0xFFFFFF80;
	v1 =	vmul.f32 $1.131370830e+01, v1  }
0x2c1: {  	p1 =	sgt.u32 s4, $0xC7;
	s4 =	simm.s32 $0xFFFF9A80;
	v8 =	vld [tilespmem:s11+$0xFFFFFF00];
	s17 =	sadd.s32 s17, s12;
	[tilespmem:s5+$0x70] =	vst v3;
	v2 =	vmul.f32 $1.131370830e+01, v2  }
0x2c2: {  	s6 =	sadd.s32 $0x207, s6;
	s13 =	simm.s32 @!p2 $0xFFFFFF00;
	s4 =	simm.s32 @!p1 $0xFFFFFE80;
	v3 =	vld [tilespmem:s17+$0x1C00];
	v0 =	vadd.f32 v7, v0  }
0x2c3: {  	p1 =	sgt.u32 s6, $0xC7;
	s6 =	sadd.s32 $0xFFFF9C00, s12;
	s4 =	sadd.s32 s4, s12;
	v7 =	vld [tilespmem:s11+$0xFFFFFF80];
	v1 =	vadd.f32 v6, v1  }
0x2c4: {  	s13 =	sadd.s32 s13, s12;
	s12 =	smov.u32 @p1 s6;
	v6 =	vld [tilespmem:s11+$0x80];
	[tilespmem:s5+$0xFFFFFF70] =	vst v0;
	v0 =	vadd.f32 v4, v2  }
0x2c5: {  	v2 =	vld [tilespmem:s4+$0x1C00];
	v4 =	vmul.f32 $1.131370830e+01, v5;
	[tilespmem:s5+$0xFFFFFFF0] =	vst v1  }
0x2c6: {  	v1 =	vmul.f32 $1.131370830e+01, v8;
	v5 =	vld [tilespmem:s13+$0x1C00];
	[tilespmem:s5+$0xF0] =	vst v0;
	s5 =	smov.u32 s11  }
0x2c7: {  	v0 =	vadd.f32 v3, v4;
	v3 =	vld [tilespmem:s12+$0x1C00]  }
0x2c8: {  	v4 =	vmul.f32 $1.131370830e+01, v7;
	v7 =	vld [tilespmem:s11+$0x10]  }
0x2c9: {  	v8 =	vld [tilespmem:s11+$0xFFFFFF10];
	[tilespmem:s11+$0x0] =	vst v0;
	v0 =	vmul.f32 $1.131370830e+01, v6  }
0x2ca: {  	v1 =	vadd.f32 v2, v1;
	v2 =	vld [tilespmem:s17+$0x1C10]  }
0x2cb: {  	v4 =	vadd.f32 v5, v4;
	v5 =	vld [tilespmem:s11+$0xFFFFFF90]  }
0x2cc: {  	[tilespmem:s11+$0xFFFFFF00] =	vst v1;
	v0 =	vadd.f32 v3, v0;
	v1 =	vld [tilespmem:s11+$0x90]  }
0x2cd: {  	v3 =	vld [tilespmem:s4+$0x1C10];
	[tilespmem:s11+$0xFFFFFF80] =	vst v4;
	v4 =	vmul.f32 $1.131370830e+01, v7  }
0x2ce: {  	v6 =	vmul.f32 $1.131370830e+01, v8;
	v7 =	vld [tilespmem:s13+$0x1C10];
	[tilespmem:s11+$0x80] =	vst v0  }
0x2cf: {  	v0 =	vadd.f32 v2, v4;
	v2 =	vld [tilespmem:s12+$0x1C10]  }
0x2d0: {  	v4 =	vmul.f32 $1.131370830e+01, v5;
	v5 =	vld [tilespmem:s11+$0x20]  }
0x2d1: {  	v8 =	vld [tilespmem:s11+$0xFFFFFF20];
	[tilespmem:s11+$0x10] =	vst v0;
	v0 =	vmul.f32 $1.131370830e+01, v1  }
0x2d2: {  	v1 =	vadd.f32 v3, v6;
	v3 =	vld [tilespmem:s17+$0x1C20]  }
0x2d3: {  	v4 =	vadd.f32 v7, v4;
	v6 =	vld [tilespmem:s11+$0xFFFFFFA0]  }
0x2d4: {  	[tilespmem:s11+$0xFFFFFF10] =	vst v1;
	v0 =	vadd.f32 v2, v0;
	v1 =	vld [tilespmem:s11+$0xA0]  }
0x2d5: {  	v2 =	vld [tilespmem:s4+$0x1C20];
	[tilespmem:s11+$0xFFFFFF90] =	vst v4;
	v4 =	vmul.f32 $1.131370830e+01, v5  }
0x2d6: {  	v5 =	vmul.f32 $1.131370830e+01, v8;
	v7 =	vld [tilespmem:s13+$0x1C20];
	[tilespmem:s11+$0x90] =	vst v0  }
0x2d7: {  	v0 =	vadd.f32 v3, v4;
	v3 =	vld [tilespmem:s12+$0x1C20]  }
0x2d8: {  	v4 =	vmul.f32 $1.131370830e+01, v6;
	v6 =	vld [tilespmem:s11+$0x30]  }
0x2d9: {  	v8 =	vld [tilespmem:s11+$0xFFFFFF30];
	[tilespmem:s11+$0x20] =	vst v0;
	v0 =	vmul.f32 $1.131370830e+01, v1  }
0x2da: {  	v1 =	vadd.f32 v2, v5;
	v2 =	vld [tilespmem:s17+$0x1C30]  }
0x2db: {  	v4 =	vadd.f32 v7, v4;
	v5 =	vld [tilespmem:s11+$0xFFFFFFB0]  }
0x2dc: {  	[tilespmem:s11+$0xFFFFFF20] =	vst v1;
	v0 =	vadd.f32 v3, v0;
	v1 =	vld [tilespmem:s11+$0xB0]  }
0x2dd: {  	v3 =	vld [tilespmem:s4+$0x1C30];
	[tilespmem:s11+$0xFFFFFFA0] =	vst v4;
	v4 =	vmul.f32 $1.131370830e+01, v6  }
0x2de: {  	v6 =	vmul.f32 $1.131370830e+01, v8;
	v7 =	vld [tilespmem:s13+$0x1C30];
	[tilespmem:s11+$0xA0] =	vst v0  }
0x2df: {  	v0 =	vadd.f32 v2, v4;
	v2 =	vld [tilespmem:s12+$0x1C30]  }
0x2e0: {  	v4 =	vmul.f32 $1.131370830e+01, v5;
	v5 =	vld [tilespmem:s11+$0x40]  }
0x2e1: {  	v8 =	vld [tilespmem:s11+$0xFFFFFF40];
	[tilespmem:s11+$0x30] =	vst v0;
	v0 =	vmul.f32 $1.131370830e+01, v1  }
0x2e2: {  	v1 =	vadd.f32 v3, v6;
	v3 =	vld [tilespmem:s17+$0x1C40]  }
0x2e3: {  	v4 =	vadd.f32 v7, v4;
	v6 =	vld [tilespmem:s11+$0xFFFFFFC0]  }
0x2e4: {  	[tilespmem:s11+$0xFFFFFF30] =	vst v1;
	v0 =	vadd.f32 v2, v0;
	v1 =	vld [tilespmem:s11+$0xC0]  }
0x2e5: {  	v2 =	vld [tilespmem:s4+$0x1C40];
	[tilespmem:s11+$0xFFFFFFB0] =	vst v4;
	v4 =	vmul.f32 $1.131370830e+01, v5  }
0x2e6: {  	v5 =	vmul.f32 $1.131370830e+01, v8;
	v7 =	vld [tilespmem:s13+$0x1C40];
	[tilespmem:s11+$0xB0] =	vst v0  }
0x2e7: {  	v0 =	vadd.f32 v3, v4;
	v3 =	vld [tilespmem:s12+$0x1C40]  }
0x2e8: {  	v4 =	vmul.f32 $1.131370830e+01, v6;
	v6 =	vld [tilespmem:s11+$0x50]  }
0x2e9: {  	v8 =	vld [tilespmem:s11+$0xFFFFFF50];
	[tilespmem:s11+$0x40] =	vst v0;
	v0 =	vmul.f32 $1.131370830e+01, v1  }
0x2ea: {  	v1 =	vadd.f32 v2, v5;
	v2 =	vld [tilespmem:s17+$0x1C50]  }
0x2eb: {  	v4 =	vadd.f32 v7, v4;
	v5 =	vld [tilespmem:s11+$0xFFFFFFD0]  }
0x2ec: {  	[tilespmem:s11+$0xFFFFFF40] =	vst v1;
	v0 =	vadd.f32 v3, v0;
	v1 =	vld [tilespmem:s11+$0xD0]  }
0x2ed: {  	v3 =	vld [tilespmem:s4+$0x1C50];
	[tilespmem:s11+$0xFFFFFFC0] =	vst v4;
	v4 =	vmul.f32 $1.131370830e+01, v6  }
0x2ee: {  	v6 =	vmul.f32 $1.131370830e+01, v8;
	v7 =	vld [tilespmem:s13+$0x1C50];
	[tilespmem:s11+$0xC0] =	vst v0  }
0x2ef: {  	v0 =	vadd.f32 v2, v4;
	v2 =	vld [tilespmem:s12+$0x1C50]  }
0x2f0: {  	v4 =	vmul.f32 $1.131370830e+01, v5;
	v5 =	vld [tilespmem:s11+$0x60]  }
0x2f1: {  	v8 =	vld [tilespmem:s11+$0xFFFFFF60];
	[tilespmem:s11+$0x50] =	vst v0;
	v0 =	vmul.f32 $1.131370830e+01, v1  }
0x2f2: {  	v1 =	vadd.f32 v3, v6;
	v3 =	vld [tilespmem:s17+$0x1C60]  }
0x2f3: {  	v4 =	vadd.f32 v7, v4;
	v6 =	vld [tilespmem:s11+$0xFFFFFFE0]  }
0x2f4: {  	[tilespmem:s11+$0xFFFFFF50] =	vst v1;
	v0 =	vadd.f32 v2, v0;
	v1 =	vld [tilespmem:s11+$0xE0]  }
0x2f5: {  	v2 =	vld [tilespmem:s4+$0x1C60];
	[tilespmem:s11+$0xFFFFFFD0] =	vst v4;
	v4 =	vmul.f32 $1.131370830e+01, v5  }
0x2f6: {  	v5 =	vmul.f32 $1.131370830e+01, v8;
	v7 =	vld [tilespmem:s13+$0x1C60];
	[tilespmem:s11+$0xD0] =	vst v0  }
0x2f7: {  	v4 =	vadd.f32 v3, v4;
	v8 =	vld [tilespmem:s12+$0x1C60]  }
.Ltmp4:
0x2f8: {  	v6 =	vmul.f32 $1.131370830e+01, v6;
	v3 =	vld [tilespmem:s11+$0x70];
	(pc) =	sbr.rel @p0 .LBB2_11-.Ltmp4, $4  }
0x2f9: {  	v0 =	vld [tilespmem:s11+$0xFFFFFF70];
	[tilespmem:s11+$0x60] =	vst v4;
	v9 =	vmul.f32 $1.131370830e+01, v1  }
0x2fa: {  	v2 =	vadd.f32 v2, v5;
	v4 =	vld [tilespmem:s17+$0x1C70]  }
0x2fb: {  	v6 =	vadd.f32 v7, v6;
	v1 =	vld [tilespmem:s11+$0xFFFFFFF0]  }
0x2fc: {  	[tilespmem:s11+$0xFFFFFF60] =	vst v2;
	v5 =	vadd.f32 v8, v9;
	v2 =	vld [tilespmem:s11+$0xF0]  }
0x2fd: {  	v7 =	vld [tilespmem:s4+$0x1C70];
	[tilespmem:s11+$0xFFFFFFE0] =	vst v6  }
0x2fe: {  	v6 =	vld [tilespmem:s13+$0x1C70];
	[tilespmem:s11+$0xE0] =	vst v5  }
0x2ff: {  	v3 =	vmul.f32 $1.131370830e+01, v3;
	v5 =	vld [tilespmem:s12+$0x1C70]  }
0x300: {  	v0 =	vmul.f32 $1.131370830e+01, v0  }
0x301: {  	v3 =	vadd.f32 v4, v3;
	v1 =	vmul.f32 $1.131370830e+01, v1  }
0x302: {  	v2 =	vmul.f32 $1.131370830e+01, v2;
	v0 =	vadd.f32 v7, v0  }
0x303: {  	[tilespmem:s5+$0x70] =	vst v3;
	v1 =	vadd.f32 v6, v1  }
0x304: {  	s1 =	sadd.s32 s26, s14;
	[tilespmem:s5+$0xFFFFFF70] =	vst v0;
	v63 =	vadd.f32 v5, v2  }
0x305: {  	s16 =	sadd.s32 $0x1, s16;
	s1 =	sshll.u32 s1, $0x4;
	[tilespmem:s5+$0xFFFFFFF0] =	vst v1  }
0x306: {  	s2 =	simm.s32 $0x18000;
	p0 =	sne.s32 s16, $0xA;
	s1 =	sadd.s32 s21, s1;
	[tilespmem:s5+$0xF0] =	vst v63  }
0x307: {  	[hbm4b:s1+s8] =	stream.linear.scatter [tilespmem:s2], [sflag:$0xA], $0x4000, $0x38;
	[tilespmem:$0x1C000] =	vst v63  }
.Ltmp5:
0x308: {  	s9 =	sadd.s32 $0x280, s9;
	s25 =	rddreg [dreg:$0xb];
	(pc) =	sbr.rel @p0 .LBB2_2-.Ltmp5, $4  }
0x309: {  	s29 =	sadd.s32 $0x280, s29;
	s0 =	sadd.s32 $0x14000, s0;
	s6 =	rddreg [dreg:$0x8]  }
0x30a: {  	s3 =	sadd.s32 $0x14000, s3;
	s10 =	sadd.s32 $0x14000, s10;
	s28 =	rddreg [dreg:$0x9]  }
0x30b: {  	s7 =	sadd.s32 $0x14000, s7;
	s31 =	rddreg [dreg:$0xa];
	s12 =	sadd.s32 $0x14000, s25  }
0x30c: {  	s6 =	sadd.s32 $0x280, s6;
	s13 =	sadd.s32 $0x280, s28;
	s14 =	sadd.s32 $0x280, s31  }
0x30d: {  	s0 =	simm.s32 $0x6  }
0x30e: {  	_ =	swait.ge [sflag:s0], $0x4000  }
0x30f: {  	[sflag:s0] =	ssyncset.done $0x0  }
0x310: {  	s25 =	simm.s32 $0x7;
	[sflag:s0] =	ssyncadd.s32 $0xFFFFC000  }
0x311: {  	_ =	swait.ge [sflag:s25], $0x4000  }
0x312: {  	[sflag:s25] =	ssyncset.done $0x0  }
0x313: {  	s28 =	simm.s32 $0x8;
	[sflag:s25] =	ssyncadd.s32 $0xFFFFC000  }
0x314: {  	_ =	swait.ge [sflag:s28], $0x4000  }
0x315: {  	[sflag:s28] =	ssyncset.done $0x0  }
0x316: {  	s29 =	simm.s32 $0x9;
	[sflag:s28] =	ssyncadd.s32 $0xFFFFC000  }
0x317: {  	_ =	swait.ge [sflag:s29], $0x4000  }
0x318: {  	[sflag:s29] =	ssyncset.done $0x0  }
0x319: {  	s1 =	simm.s32 $0xA;
	[sflag:s29] =	ssyncadd.s32 $0xFFFFC000  }
0x31a: {  	_ =	swait.ge [sflag:s1], $0x4000  }
0x31b: {  	s2 =	rddreg [dreg:$0x7]  }
0x31c: {  	s31 =	rddreg [dreg:$0x6];
	s2 =	sadd.s32 $0x1, s2  }
0x31d: {  	p0 =	sne.s32 s2, s31  }
.Ltmp6:
0x31e: {  	_ = 	snop;
	(pc) =	sbr.rel @p0 .LBB2_1-.Ltmp6, $3  }
0x31f: {  	_ =	sdelay $0x1  }
0x320: {  	[sflag:s1] =	ssyncset.done $0x0  }
0x321: {  	[sflag:s1] =	ssyncadd.s32 $0xFFFFC000  }
0x322: {  	_ =	sfence.sel $0x180000  }
0x323: {  	[bflag:$0x0] =	sbarrier.arrive $0xFFFF  }
0x324: {  	_ =	strace $0x90000047  }
0x325: {  	s0 =	stileid.u32;
	[bflag:$0x2] =	sbarrier.arrive $0xFFFF  }
0x326: {  	p0 =	sne.s32 s0, $0x0;
	s0 =	rddreg [dreg:$0x4]  }
0x327: {  	s0 =	sadd.s32 @!p0 $0x100000, s0  }
0x328: {  	[sflag:s0] =	ssyncadd.tile.s32 @!p0 $0x1;
	_ =	shalt  }
.Lfunc_end2:
_tile_overlayer_lowered:
.L_overlay_start_2:
0x329: {  	(tag) =	ssettag $0x2  }
0x32a: {  	s0 =	rddreg [dreg:$0x0];
	s2 =	stileid.u32  }
0x32b: {  	s1 =	rddreg [dreg:$0x1];
	p0 =	sne.s32 s2, $0x0  }
0x32c: {  	s3 =	rddreg [dreg:$0x2];
	[bflag:$0x3] =	sbarrier.arrive $0xFFFF;
	s2 =	simm.s32 @!p0 $0x1C0C  }
0x32d: {  	[timem:s3], [sflag:s2] =	dma.local @!p0 [hbm:s0], s1  }
0x32e: {  	s0 =	simm.s32 @!p0 $0xC  }
0x32f: {  	_ =	swait.ge @!p0 [sflag:s0], s1  }
0x330: {  	s1 =	ssub.s32 @!p0 $0x0, s1;
	[sflag:s0] =	ssyncset.done @!p0 $0x0  }
0x331: {  	[sflag:s0] =	ssyncadd.s32 @!p0 s1  }
0x332: {  	[bflag:$0x3] =	sbarrier.arrive $0xFFFF  }
0x333: {  	_ =	shalt  }

</sc_bundles>
